<compile_context>
chip_gen: v7x
topology: tpu7x:2x2x1
jax: 0.10.2.dev20260603
libtpu: 0.0.44.dev20260713+nightly
codegen_flags: <defaults>
</compile_context>

<pallas_src>
import functools

import jax
import jax.numpy as jnp
from jax import lax
from jax.experimental import pallas as pl
from jax.experimental.pallas import tpu as pltpu
from jax.experimental.pallas import tpu_sc as plsc

F32 = jnp.float32
NC = 2
NS = 16
NW = NC * NS
LANES = 16
CHUNK = 128


def _wid():
    return lax.axis_index("c") * NS + lax.axis_index("s")


def _fill_rows(ref, rows, cols, value):
    npc = cols // LANES

    def body(t, carry):
        r = t // npc
        c = t % npc
        ref[r, pl.ds(c * LANES, LANES)] = jnp.full((LANES,), value, F32)
        return carry

    lax.fori_loop(0, rows * npc, body, 0)


def _make_deg_kernel(n_pad, n_edges):
    ep = n_edges // NW
    nch = ep // CHUNK
    tail = ep - nch * CHUNK
    rpt = n_pad // NS
    zc = 128
    mesh = plsc.VectorSubcoreMesh(core_axis_name="c", subcore_axis_name="s")

    @functools.partial(
        pl.kernel,
        out_type=jax.ShapeDtypeStruct((NC, n_pad, LANES), F32),
        mesh=mesh,
        compiler_params=pltpu.CompilerParams(use_tc_tiling_on_sc=False),
        scratch_types=[
            pltpu.VMEM_SHARED((n_pad, LANES), F32),
            pltpu.VMEM((CHUNK, LANES), F32),
            pltpu.VMEM((zc, LANES), F32),
            pltpu.VMEM((CHUNK,), jnp.int32),
            pltpu.VMEM((CHUNK,), jnp.int32),
            pltpu.VMEM((tail,), jnp.int32) if tail else None,
            pltpu.SemaphoreType.DMA,
            pltpu.SemaphoreType.DMA,
            pltpu.SemaphoreType.DMA,
            pltpu.SemaphoreType.DMA,
        ],
    )
    def deg_kernel(dst_hbm, out_hbm, acc, ones_v, zbuf, didx0, didx1, tidx,
                   ssem0, ssem1, isem0, isem1):
        c = lax.axis_index("c")
        s = lax.axis_index("s")
        wid = _wid()
        _fill_rows(zbuf, zc, LANES, 0.0)
        for k in range(rpt // zc):
            pltpu.sync_copy(zbuf, acc.at[pl.ds(s * rpt + k * zc, zc)])
        _fill_rows(ones_v, CHUNK, LANES, 1.0)
        plsc.subcore_barrier()

        tb = wid * ep
        dbufs = ((didx0, ssem0, isem0), (didx1, ssem1, isem1))

        def istart(j, b):
            di, _, isem = dbufs[b]
            pltpu.async_copy(dst_hbm.at[pl.ds(tb + j * CHUNK, CHUNK)], di, isem)

        def iwait(j, b):
            di, _, isem = dbufs[b]
            pltpu.make_async_copy(dst_hbm.at[pl.ds(tb + j * CHUNK, CHUNK)], di,
                                  isem).wait()

        def sstart(b):
            di, ssem, _ = dbufs[b]
            pltpu.async_copy(ones_v, acc.at[di], ssem, add=True)

        def swait(b):
            di, ssem, _ = dbufs[b]
            pltpu.make_async_copy(ones_v, acc.at[di], ssem).wait()

        istart(0, 0)
        istart(1, 1)
        iwait(0, 0)
        sstart(0)

        def pair(i, carry):
            iwait(2 * i + 1, 1)
            sstart(1)
            swait(0)
            istart(2 * i + 2, 0)
            iwait(2 * i + 2, 0)
            sstart(0)
            swait(1)
            istart(2 * i + 3, 1)
            return carry

        lax.fori_loop(0, (nch - 2) // 2, pair, 0)
        iwait(nch - 1, 1)
        sstart(1)
        swait(0)
        swait(1)
        if tail:
            pltpu.sync_copy(dst_hbm.at[pl.ds(tb + nch * CHUNK, tail)], tidx)
            pltpu.sync_copy(ones_v.at[pl.ds(0, tail)], acc.at[tidx], add=True)
        plsc.subcore_barrier()

        for k in range(rpt // zc):
            r0 = s * rpt + k * zc
            pltpu.sync_copy(acc.at[pl.ds(r0, zc)], zbuf)
            pltpu.sync_copy(zbuf, out_hbm.at[c, pl.ds(r0, zc)])

    return deg_kernel


def _make_edge_kernel(n_pad, n_edges, dim):
    ep = n_edges // NW
    nch = ep // CHUNK
    tail = ep - nch * CHUNK
    rpt = n_pad // NS
    zc = 128
    mesh = plsc.VectorSubcoreMesh(core_axis_name="c", subcore_axis_name="s")

    @functools.partial(
        pl.kernel,
        out_type=jax.ShapeDtypeStruct((NC, n_pad, dim), F32),
        mesh=mesh,
        scratch_types=[
            pltpu.VMEM_SHARED((n_pad, dim), F32),
            pltpu.VMEM((CHUNK, dim), F32),
            pltpu.VMEM((CHUNK, dim), F32),
            pltpu.VMEM((CHUNK,), jnp.int32),
            pltpu.VMEM((CHUNK,), jnp.int32),
            pltpu.VMEM((CHUNK,), jnp.int32),
            pltpu.VMEM((CHUNK,), jnp.int32),
            pltpu.VMEM((tail,), jnp.int32) if tail else None,
            pltpu.VMEM((tail,), jnp.int32) if tail else None,
            pltpu.VMEM((tail, dim), F32) if tail else None,
            pltpu.SemaphoreType.DMA,
            pltpu.SemaphoreType.DMA,
            pltpu.SemaphoreType.DMA,
            pltpu.SemaphoreType.DMA,
            pltpu.SemaphoreType.DMA,
            pltpu.SemaphoreType.DMA,
        ],
    )
    def edge_kernel(y_hbm, src_hbm, dst_hbm, out_hbm, acc, rows0, rows1,
                    sidx0, sidx1, didx0, didx1, tsi, tdi, trows,
                    gsem0, gsem1, isem0, isem1, ssem0, ssem1):
        c = lax.axis_index("c")
        s = lax.axis_index("s")
        wid = _wid()
        _fill_rows(rows0, zc, dim, 0.0)
        for k in range(rpt // zc):
            pltpu.sync_copy(rows0, acc.at[pl.ds(s * rpt + k * zc, zc)])
        plsc.subcore_barrier()

        tb = wid * ep

        bufs = ((sidx0, didx0, rows0, gsem0, isem0),
                (sidx1, didx1, rows1, gsem1, isem1))

        def istart(j, b):
            si, di, _, _, isem = bufs[b]
            pltpu.async_copy(src_hbm.at[pl.ds(tb + j * CHUNK, CHUNK)], si, isem)
            pltpu.async_copy(dst_hbm.at[pl.ds(tb + j * CHUNK, CHUNK)], di, isem)

        def iwait(j, b):
            si, di, _, _, isem = bufs[b]
            pltpu.make_async_copy(src_hbm.at[pl.ds(tb + j * CHUNK, CHUNK)], si,
                                  isem).wait()
            pltpu.make_async_copy(dst_hbm.at[pl.ds(tb + j * CHUNK, CHUNK)], di,
                                  isem).wait()

        def gstart(b):
            si, _, rows, gsem, _ = bufs[b]
            pltpu.async_copy(y_hbm.at[si], rows, gsem)

        def gwait(b):
            si, _, rows, gsem, _ = bufs[b]
            pltpu.make_async_copy(y_hbm.at[si], rows, gsem).wait()

        def scat(b):
            _, di, rows, _, _ = bufs[b]
            pltpu.sync_copy(rows, acc.at[di], add=True)

        istart(0, 0)
        istart(1, 1)
        iwait(0, 0)
        gstart(0)

        def pair(i, carry):
            iwait(2 * i + 1, 1)
            gstart(1)
            gwait(0)
            scat(0)
            istart(2 * i + 2, 0)
            gwait(1)
            scat(1)
            iwait(2 * i + 2, 0)
            gstart(0)
            istart(2 * i + 3, 1)
            return carry

        lax.fori_loop(0, (nch - 2) // 2, pair, 0)
        iwait(nch - 1, 1)
        gstart(1)
        gwait(0)
        scat(0)
        gwait(1)
        scat(1)
        if tail:
            pltpu.sync_copy(src_hbm.at[pl.ds(tb + nch * CHUNK, tail)], tsi)
            pltpu.sync_copy(dst_hbm.at[pl.ds(tb + nch * CHUNK, tail)], tdi)
            pltpu.async_copy(y_hbm.at[tsi], trows, gsem0).wait()
            pltpu.sync_copy(trows, acc.at[tdi], add=True)
        plsc.subcore_barrier()

        for k in range(rpt // zc):
            r0 = s * rpt + k * zc
            pltpu.sync_copy(acc.at[pl.ds(r0, zc)], rows0)
            pltpu.sync_copy(rows0, out_hbm.at[c, pl.ds(r0, zc)])

    return edge_kernel


def _gru_body(up_ref, wih_ref, whh_ref, bih_ref, bhh_ref, gcnw_ref, xw_ref):
    seq, bn, indim = up_ref.shape
    hdim = whh_ref.shape[1]
    wih = wih_ref[...]
    whh = whh_ref[...]
    bih = bih_ref[...]
    bhh = bhh_ref[...]
    dn = (((1,), (1,)), ((), ()))
    h = jnp.zeros((bn, hdim), F32)
    for t in range(seq):
        x = up_ref[t]
        gi = lax.dot_general(x, wih, dn, preferred_element_type=F32) + bih
        gh = lax.dot_general(h, whh, dn, preferred_element_type=F32) + bhh
        i_r, i_z, i_n = gi[:, :hdim], gi[:, hdim:2 * hdim], gi[:, 2 * hdim:]
        h_r, h_z, h_n = gh[:, :hdim], gh[:, hdim:2 * hdim], gh[:, 2 * hdim:]
        r = jax.nn.sigmoid(i_r + h_r)
        z = jax.nn.sigmoid(i_z + h_z)
        n = jnp.tanh(i_n + r * h_n)
        h = (1.0 - z) * n + z * h
    xw_ref[...] = jnp.dot(h, gcnw_ref[...], preferred_element_type=F32)


def _run_gru(up, wih, whh, bih, bhh, gcnw, bn):
    seq, n_nodes, indim = up.shape
    gdim = gcnw.shape[1]
    grid = (n_nodes // bn,)
    return pl.pallas_call(
        _gru_body,
        grid=grid,
        in_specs=[
            pl.BlockSpec((seq, bn, indim), lambda i: (0, i, 0)),
            pl.BlockSpec(wih.shape, lambda i: (0, 0)),
            pl.BlockSpec(whh.shape, lambda i: (0, 0)),
            pl.BlockSpec(bih.shape, lambda i: (0, 0)),
            pl.BlockSpec(bhh.shape, lambda i: (0, 0)),
            pl.BlockSpec(gcnw.shape, lambda i: (0, 0)),
        ],
        out_specs=pl.BlockSpec((bn, gdim), lambda i: (i, 0)),
        out_shape=jax.ShapeDtypeStruct((n_nodes, gdim), F32),
    )(up, wih, whh, bih, bhh, gcnw)


def _scale_body(xw_ref, degp_ref, y_ref):
    deg = degp_ref[0, :, 0:1] + degp_ref[1, :, 0:1] + 1.0
    y_ref[...] = xw_ref[...] * lax.rsqrt(deg)


def _run_scale(xw, degp, bn):
    n_nodes, gdim = xw.shape
    return pl.pallas_call(
        _scale_body,
        grid=(n_nodes // bn,),
        in_specs=[
            pl.BlockSpec((bn, gdim), lambda i: (i, 0)),
            pl.BlockSpec((NC, bn, LANES), lambda i: (0, i, 0)),
        ],
        out_specs=pl.BlockSpec((bn, gdim), lambda i: (i, 0)),
        out_shape=jax.ShapeDtypeStruct((n_nodes, gdim), F32),
    )(xw, degp)


def _head_body(accp_ref, y_ref, degp_ref, gcnb_ref, f1w_ref, f1b_ref,
               f2w_ref, f2b_ref, clw_ref, clb_ref, md_ref, cl_ref):
    deg = degp_ref[0, :, 0:1] + degp_ref[1, :, 0:1] + 1.0
    dinv = lax.rsqrt(deg)
    t = (accp_ref[0] + accp_ref[1] + y_ref[...]) * dinv + gcnb_ref[...]
    h1 = jnp.maximum(
        jnp.dot(t, f1w_ref[...], preferred_element_type=F32) + f1b_ref[...],
        0.0)
    md_ref[...] = (jnp.dot(h1, f2w_ref[...], preferred_element_type=F32)
                   + f2b_ref[...])
    cl_ref[...] = (jnp.dot(t, clw_ref[...], preferred_element_type=F32)
                   + clb_ref[...])


def _run_heads(accp, y, degp, gcnb, f1w, f1b, f2w, f2b, clw, clb, bn):
    n_nodes, gdim = y.shape
    ff = f1w.shape[1]
    k = clw.shape[1]
    grid = (n_nodes // bn,)
    return pl.pallas_call(
        _head_body,
        grid=grid,
        in_specs=[
            pl.BlockSpec((NC, bn, gdim), lambda i: (0, i, 0)),
            pl.BlockSpec((bn, gdim), lambda i: (i, 0)),
            pl.BlockSpec((NC, bn, LANES), lambda i: (0, i, 0)),
            pl.BlockSpec(gcnb.shape, lambda i: (0, 0)),
            pl.BlockSpec(f1w.shape, lambda i: (0, 0)),
            pl.BlockSpec(f1b.shape, lambda i: (0, 0)),
            pl.BlockSpec(f2w.shape, lambda i: (0, 0)),
            pl.BlockSpec(f2b.shape, lambda i: (0, 0)),
            pl.BlockSpec(clw.shape, lambda i: (0, 0)),
            pl.BlockSpec(clb.shape, lambda i: (0, 0)),
        ],
        out_specs=[
            pl.BlockSpec((bn, 1), lambda i: (i, 0)),
            pl.BlockSpec((bn, k), lambda i: (i, 0)),
        ],
        out_shape=[
            jax.ShapeDtypeStruct((n_nodes, 1), F32),
            jax.ShapeDtypeStruct((n_nodes, k), F32),
        ],
    )(accp, y, degp, gcnb, f1w, f1b, f2w, f2b, clw, clb)


def kernel(user_profiles, interactions, edge_index, W_ih, W_hh, b_ih, b_hh,
           gcn_w, gcn_b, ff1_w, ff1_b, ff2_w, ff2_b, cl_w, cl_b):
    del interactions
    seq, n_nodes, _ = user_profiles.shape
    n_edges = edge_index.shape[1]
    gdim = gcn_w.shape[1]
    bn = 2000
    n_pad = -(-n_nodes // (NS * 128)) * (NS * 128)

    src = edge_index[0].astype(jnp.int32)
    dst = edge_index[1].astype(jnp.int32)

    degp = _make_deg_kernel(n_pad, n_edges)(dst)
    xw = _run_gru(user_profiles, W_ih, W_hh, b_ih.reshape(1, -1),
                  b_hh.reshape(1, -1), gcn_w, bn)
    y = _run_scale(xw, degp, bn)
    accp = _make_edge_kernel(n_pad, n_edges, gdim)(y, src, dst)
    max_depth, clusters = _run_heads(
        accp, y, degp, gcn_b.reshape(1, -1), ff1_w, ff1_b.reshape(1, -1),
        ff2_w, ff2_b.reshape(1, -1), cl_w, cl_b.reshape(1, -1), bn)
    return (max_depth, clusters)

# --- scband reference (transcript-rebuilt; emitter-appended) ---
"""Pipeline reference for scband-user-profiling-model-16466904612940 (READ-ONLY COPY).

The authoritative reference and input builder live on the scoring server;
editing this copy changes nothing except your own understanding.
"""

import jax, jax.numpy as jnp
import numpy as np

SEQ = 8
N = 10000
E = 320000
IN = 128
H = 128
GCN = 128
FF = 64
K = 16


def setup_inputs(seed: int = 0) -> dict:
    key = jax.random.key(seed)
    ks = jax.random.split(key, 20)
    s_in = 1.0 / np.sqrt(IN)
    s_h = 1.0 / np.sqrt(H)
    s_g = 1.0 / np.sqrt(GCN)
    s_f = 1.0 / np.sqrt(FF)
    inp = {}
    inp["user_profiles"] = jax.random.normal(ks[0], (SEQ, N, IN), dtype=jnp.float32)
    inp["interactions"] = jax.random.normal(ks[1], (N, 16), dtype=jnp.float32)
    inp["edge_index"] = jax.random.randint(ks[2], (2, E), 0, N, dtype=jnp.int64)
    # GRU parameters (PyTorch layout: W_ih [3H, IN], W_hh [3H, H])
    inp["W_ih"] = jax.random.normal(ks[3], (3 * H, IN), dtype=jnp.float32) * s_h
    inp["W_hh"] = jax.random.normal(ks[4], (3 * H, H), dtype=jnp.float32) * s_h
    inp["b_ih"] = jax.random.normal(ks[5], (3 * H,), dtype=jnp.float32) * s_h
    inp["b_hh"] = jax.random.normal(ks[6], (3 * H,), dtype=jnp.float32) * s_h
    # GCNConv parameters
    inp["gcn_w"] = jax.random.normal(ks[7], (H, GCN), dtype=jnp.float32) * s_h
    inp["gcn_b"] = jnp.zeros((GCN,), dtype=jnp.float32)
    # FFNN parameters
    inp["ff1_w"] = jax.random.normal(ks[8], (GCN, FF), dtype=jnp.float32) * s_g
    inp["ff1_b"] = jax.random.normal(ks[9], (FF,), dtype=jnp.float32) * s_g
    inp["ff2_w"] = jax.random.normal(ks[10], (FF, 1), dtype=jnp.float32) * s_f
    inp["ff2_b"] = jax.random.normal(ks[11], (1,), dtype=jnp.float32) * s_f
    # cluster layer parameters
    inp["cl_w"] = jax.random.normal(ks[12], (GCN, K), dtype=jnp.float32) * s_g
    inp["cl_b"] = jax.random.normal(ks[13], (K,), dtype=jnp.float32) * s_g
    return inp


def reference(user_profiles, interactions, edge_index, W_ih, W_hh, b_ih, b_hh,
              gcn_w, gcn_b, ff1_w, ff1_b, ff2_w, ff2_b, cl_w, cl_b):
    # interactions is accepted by the original forward but never used.
    hdim = W_hh.shape[1]

    def gru_step(h, x_t):
        gi = x_t @ W_ih.T + b_ih
        gh = h @ W_hh.T + b_hh
        i_r, i_z, i_n = jnp.split(gi, 3, axis=-1)
        h_r, h_z, h_n = jnp.split(gh, 3, axis=-1)
        r = jax.nn.sigmoid(i_r + h_r)
        z = jax.nn.sigmoid(i_z + h_z)
        n = jnp.tanh(i_n + r * h_n)
        h_new = (1.0 - z) * n + z * h
        return h_new, None

    h0 = jnp.zeros((user_profiles.shape[1], hdim), dtype=user_profiles.dtype)
    user_embeddings, _ = jax.lax.scan(gru_step, h0, user_profiles)

    # GCNConv (torch_geometric semantics: add self-loops, symmetric norm, sum-aggregate)
    num_nodes = user_embeddings.shape[0]
    loop = jnp.arange(num_nodes, dtype=edge_index.dtype)
    src = jnp.concatenate([edge_index[0], loop])
    dst = jnp.concatenate([edge_index[1], loop])
    deg = jnp.zeros((num_nodes,), dtype=user_embeddings.dtype).at[dst].add(1.0)
    deg_inv_sqrt = jnp.where(deg > 0, 1.0 / jnp.sqrt(deg), 0.0)
    norm = deg_inv_sqrt[src] * deg_inv_sqrt[dst]
    xw = user_embeddings @ gcn_w
    msgs = xw[src] * norm[:, None]
    transformed = jnp.zeros_like(xw).at[dst].add(msgs) + gcn_b

    h1 = jax.nn.relu(transformed @ ff1_w + ff1_b)
    max_depth = h1 @ ff2_w + ff2_b
    clusters = transformed @ cl_w + cl_b
    return (max_depth, clusters)

if __name__ == "__main__":
    import jax
    _d = setup_inputs()
    print(jax.jit(kernel)(*tuple(_d.values())))

</pallas_src>

<mosaic_0001>
#map = affine_map<(d0, d1) -> (0)>
#map1 = affine_map<(d0, d1) -> (0, 0, 0)>
module attributes {stable_mosaic.version = 14 : i64} {
  func.func @deg_kernel(%arg0: i32, %arg1: i32, %arg2: memref<320000xi32, #tpu.memory_space<hbm>>, %arg3: memref<2x10240x16xf32, #tpu.memory_space<hbm>>, %arg4: memref<10240x16xf32, #tpu.memory_space<vmem_shared>>, %arg5: memref<128x16xf32, #tpu.memory_space<vmem>>, %arg6: memref<128x16xf32, #tpu.memory_space<vmem>>, %arg7: memref<128xi32, #tpu.memory_space<vmem>>, %arg8: memref<128xi32, #tpu.memory_space<vmem>>, %arg9: memref<16xi32, #tpu.memory_space<vmem>>, %arg10: memref<!tpu.dma_semaphore, #tpu.memory_space<semaphore_mem>>, %arg11: memref<!tpu.dma_semaphore, #tpu.memory_space<semaphore_mem>>, %arg12: memref<!tpu.dma_semaphore, #tpu.memory_space<semaphore_mem>>, %arg13: memref<!tpu.dma_semaphore, #tpu.memory_space<semaphore_mem>>) attributes {dimension_semantics = [#tpu.dimension_semantics<core_parallel>, #tpu.dimension_semantics<subcore_parallel>], iteration_bounds = array<i64: 2, 16>, scalar_prefetch = 0 : i64, scratch_operands = 10 : i64, tpu.core_type = #tpu.core_type<sc_vector_subcore>, window_params = [{transform_indices = #map}, {transform_indices = #map1}]} {
    %mul3A = arith.constant 16 : i32
    %mul3A_0 = arith.muli %arg0, %mul3A : i32
    %add3A = arith.addi %mul3A_0, %arg1 : i32
    %scan3A = arith.constant 0 : i32
    %scan3A_1 = arith.constant 0 : i32
    %scan3A_2 = arith.constant 128 : i32
    %scan3A_3 = arith.addi %scan3A_1, %scan3A_2 : i32
    %scan3A_4 = arith.constant 1 : i32
    scf.for %scan3A_89 = %scan3A_1 to %scan3A_3 step %scan3A_4  : i32 {
      %jit3A = arith.constant 1 : i32
      %div3A = arith.divsi %scan3A_89, %jit3A : i32
      %sign3A = arith.constant 0 : i32
      %sign3A_90 = arith.cmpi sgt, %scan3A_89, %sign3A : i32
      %sign3A_91 = arith.extui %sign3A_90 : i1 to i32
      %sign3A_92 = arith.constant 0 : i32
      %sign3A_93 = arith.cmpi slt, %scan3A_89, %sign3A_92 : i32
      %sign3A_94 = arith.extui %sign3A_93 : i1 to i32
      %sign3A_95 = arith.subi %sign3A_91, %sign3A_94 : i32
      %sign3A_96 = arith.constant 0 : i32
      %sign3A_97 = arith.cmpi sgt, %jit3A, %sign3A_96 : i32
      %sign3A_98 = arith.extui %sign3A_97 : i1 to i32
      %sign3A_99 = arith.constant 0 : i32
      %sign3A_100 = arith.cmpi slt, %jit3A, %sign3A_99 : i32
      %sign3A_101 = arith.extui %sign3A_100 : i1 to i32
      %sign3A_102 = arith.subi %sign3A_98, %sign3A_101 : i32
      %ne3A = arith.cmpi ne, %sign3A_95, %sign3A_102 : i32
      %rem3A = arith.remsi %scan3A_89, %jit3A : i32
      %ne3A_103 = arith.constant 0 : i32
      %ne3A_104 = arith.cmpi ne, %rem3A, %ne3A_103 : i32
      %and3A = arith.andi %ne3A, %ne3A_104 : i1
      %sub3A = arith.constant 1 : i32
      %sub3A_105 = arith.subi %div3A, %sub3A : i32
      %select_n3A = arith.select %and3A, %sub3A_105, %div3A : i32
      %jit3A_106 = arith.constant 1 : i32
      %eq3A = arith.constant 0 : i32
      %eq3A_107 = arith.cmpi eq, %jit3A_106, %eq3A : i32
      %jit3A_108 = arith.constant 1 : i32
      %select_n3A_109 = arith.select %eq3A_107, %jit3A_108, %jit3A_106 : i32
      %rem3A_110 = arith.remsi %scan3A_89, %select_n3A_109 : i32
      %ne3A_111 = arith.constant 0 : i32
      %ne3A_112 = arith.cmpi ne, %rem3A_110, %ne3A_111 : i32
      %lt3A = arith.constant 0 : i32
      %lt3A_113 = arith.cmpi slt, %rem3A_110, %lt3A : i32
      %lt3A_114 = arith.constant 0 : i32
      %lt3A_115 = arith.cmpi slt, %select_n3A_109, %lt3A_114 : i32
      %ne3A_116 = arith.xori %lt3A_113, %lt3A_115 : i1
      %and3A_117 = arith.andi %ne3A_116, %ne3A_112 : i1
      %add3A_118 = arith.addi %rem3A_110, %select_n3A_109 : i32
      %select_n3A_119 = arith.select %and3A_117, %add3A_118, %rem3A_110 : i32
      %broadcast_in_dim3A = arith.constant 0.000000e+00 : f32
      %broadcast_in_dim3A_120 = vector.broadcast %broadcast_in_dim3A : f32 to vector<16xf32>
      %mul3A_121 = arith.constant 16 : i32
      %mul3A_122 = arith.muli %select_n3A_119, %mul3A_121 : i32
      %swap3A = arith.index_cast %select_n3A : i32 to index
      %swap3A_123 = arith.index_cast %mul3A_122 : i32 to index
      %swap3A_124 = tpu.vector_load %arg6[%swap3A, %swap3A_123] {strides = array<i32>} : memref<128x16xf32, #tpu.memory_space<vmem>>, vector<1x16xf32>,
      %swap3A_125 = vector.shape_cast %swap3A_124 : vector<1x16xf32> to vector<16xf32>
      %swap3A_126 = vector.shape_cast %broadcast_in_dim3A_120 : vector<16xf32> to vector<1x16xf32>
      tpu.vector_store %arg6[%swap3A, %swap3A_123], %swap3A_126 {strides = array<i32>} : memref<128x16xf32, #tpu.memory_space<vmem>>, vector<1x16xf32>,
    }
    %scan3A_5 = arith.constant 128 : i32
    %mul3A_6 = arith.constant 640 : i32
    %mul3A_7 = arith.muli %arg1, %mul3A_6 : i32
    %add3A_8 = arith.constant 0 : i32
    %add3A_9 = arith.addi %mul3A_7, %add3A_8 : i32
    "tpu.region"() ({
      %run_scoped3A = tpu.sem_alloc : memref<!tpu.dma_semaphore, #tpu.memory_space<semaphore_mem>>
      %dma_start3A_89 = arith.constant 0 : i32
      %dma_start3A_90 = tpu.memref_slice %arg4[%add3A_9, %dma_start3A_89] : memref<10240x16xf32, #tpu.memory_space<vmem_shared>> -> memref<128x16xf32, #tpu.memory_space<vmem_shared>>
      %dma_start3A_91 = arith.constant 0 : i32
      %dma_start3A_92 = tpu.memref_slice %arg4[%add3A_9, %dma_start3A_91] : memref<10240x16xf32, #tpu.memory_space<vmem_shared>> -> memref<128x16xf32, #tpu.memory_space<vmem_shared>>
      tpu.enqueue_dma source(%arg6 : memref<128x16xf32, #tpu.memory_space<vmem>>) target(%dma_start3A_92 : memref<128x16xf32, #tpu.memory_space<vmem_shared>>) target_semaphore(%run_scoped3A : memref<!tpu.dma_semaphore, #tpu.memory_space<semaphore_mem>>)
      %dma_wait3A_93 = arith.constant 0 : i32
      %dma_wait3A_94 = tpu.memref_slice %arg4[%add3A_9, %dma_wait3A_93] : memref<10240x16xf32, #tpu.memory_space<vmem_shared>> -> memref<128x16xf32, #tpu.memory_space<vmem_shared>>
      %dma_wait3A_95 = arith.constant 0 : i32
      %dma_wait3A_96 = tpu.memref_slice %arg4[%add3A_9, %dma_wait3A_95] : memref<10240x16xf32, #tpu.memory_space<vmem_shared>> -> memref<128x16xf32, #tpu.memory_space<vmem_shared>>
      tpu.wait_dma2 semaphore(%run_scoped3A : memref<!tpu.dma_semaphore, #tpu.memory_space<semaphore_mem>>) src(%arg6 : memref<128x16xf32, #tpu.memory_space<vmem>>) dst(%dma_wait3A_96 : memref<128x16xf32, #tpu.memory_space<vmem_shared>>)
      tpu.yield
    }) : () -> ()
    %mul3A_10 = arith.constant 640 : i32
    %mul3A_11 = arith.muli %arg1, %mul3A_10 : i32
    %add3A_12 = arith.constant 128 : i32
    %add3A_13 = arith.addi %mul3A_11, %add3A_12 : i32
    "tpu.region"() ({
      %run_scoped3A = tpu.sem_alloc : memref<!tpu.dma_semaphore, #tpu.memory_space<semaphore_mem>>
      %dma_start3A_89 = arith.constant 0 : i32
      %dma_start3A_90 = tpu.memref_slice %arg4[%add3A_13, %dma_start3A_89] : memref<10240x16xf32, #tpu.memory_space<vmem_shared>> -> memref<128x16xf32, #tpu.memory_space<vmem_shared>>
      %dma_start3A_91 = arith.constant 0 : i32
      %dma_start3A_92 = tpu.memref_slice %arg4[%add3A_13, %dma_start3A_91] : memref<10240x16xf32, #tpu.memory_space<vmem_shared>> -> memref<128x16xf32, #tpu.memory_space<vmem_shared>>
      tpu.enqueue_dma source(%arg6 : memref<128x16xf32, #tpu.memory_space<vmem>>) target(%dma_start3A_92 : memref<128x16xf32, #tpu.memory_space<vmem_shared>>) target_semaphore(%run_scoped3A : memref<!tpu.dma_semaphore, #tpu.memory_space<semaphore_mem>>)
      %dma_wait3A_93 = arith.constant 0 : i32
      %dma_wait3A_94 = tpu.memref_slice %arg4[%add3A_13, %dma_wait3A_93] : memref<10240x16xf32, #tpu.memory_space<vmem_shared>> -> memref<128x16xf32, #tpu.memory_space<vmem_shared>>
      %dma_wait3A_95 = arith.constant 0 : i32
      %dma_wait3A_96 = tpu.memref_slice %arg4[%add3A_13, %dma_wait3A_95] : memref<10240x16xf32, #tpu.memory_space<vmem_shared>> -> memref<128x16xf32, #tpu.memory_space<vmem_shared>>
      tpu.wait_dma2 semaphore(%run_scoped3A : memref<!tpu.dma_semaphore, #tpu.memory_space<semaphore_mem>>) src(%arg6 : memref<128x16xf32, #tpu.memory_space<vmem>>) dst(%dma_wait3A_96 : memref<128x16xf32, #tpu.memory_space<vmem_shared>>)
      tpu.yield
    }) : () -> ()
    %mul3A_14 = arith.constant 640 : i32
    %mul3A_15 = arith.muli %arg1, %mul3A_14 : i32
    %add3A_16 = arith.constant 256 : i32
    %add3A_17 = arith.addi %mul3A_15, %add3A_16 : i32
    "tpu.region"() ({
      %run_scoped3A = tpu.sem_alloc : memref<!tpu.dma_semaphore, #tpu.memory_space<semaphore_mem>>
      %dma_start3A_89 = arith.constant 0 : i32
      %dma_start3A_90 = tpu.memref_slice %arg4[%add3A_17, %dma_start3A_89] : memref<10240x16xf32, #tpu.memory_space<vmem_shared>> -> memref<128x16xf32, #tpu.memory_space<vmem_shared>>
      %dma_start3A_91 = arith.constant 0 : i32
      %dma_start3A_92 = tpu.memref_slice %arg4[%add3A_17, %dma_start3A_91] : memref<10240x16xf32, #tpu.memory_space<vmem_shared>> -> memref<128x16xf32, #tpu.memory_space<vmem_shared>>
      tpu.enqueue_dma source(%arg6 : memref<128x16xf32, #tpu.memory_space<vmem>>) target(%dma_start3A_92 : memref<128x16xf32, #tpu.memory_space<vmem_shared>>) target_semaphore(%run_scoped3A : memref<!tpu.dma_semaphore, #tpu.memory_space<semaphore_mem>>)
      %dma_wait3A_93 = arith.constant 0 : i32
      %dma_wait3A_94 = tpu.memref_slice %arg4[%add3A_17, %dma_wait3A_93] : memref<10240x16xf32, #tpu.memory_space<vmem_shared>> -> memref<128x16xf32, #tpu.memory_space<vmem_shared>>
      %dma_wait3A_95 = arith.constant 0 : i32
      %dma_wait3A_96 = tpu.memref_slice %arg4[%add3A_17, %dma_wait3A_95] : memref<10240x16xf32, #tpu.memory_space<vmem_shared>> -> memref<128x16xf32, #tpu.memory_space<vmem_shared>>
      tpu.wait_dma2 semaphore(%run_scoped3A : memref<!tpu.dma_semaphore, #tpu.memory_space<semaphore_mem>>) src(%arg6 : memref<128x16xf32, #tpu.memory_space<vmem>>) dst(%dma_wait3A_96 : memref<128x16xf32, #tpu.memory_space<vmem_shared>>)
      tpu.yield
    }) : () -> ()
    %mul3A_18 = arith.constant 640 : i32
    %mul3A_19 = arith.muli %arg1, %mul3A_18 : i32
    %add3A_20 = arith.constant 384 : i32
    %add3A_21 = arith.addi %mul3A_19, %add3A_20 : i32
    "tpu.region"() ({
      %run_scoped3A = tpu.sem_alloc : memref<!tpu.dma_semaphore, #tpu.memory_space<semaphore_mem>>
      %dma_start3A_89 = arith.constant 0 : i32
      %dma_start3A_90 = tpu.memref_slice %arg4[%add3A_21, %dma_start3A_89] : memref<10240x16xf32, #tpu.memory_space<vmem_shared>> -> memref<128x16xf32, #tpu.memory_space<vmem_shared>>
      %dma_start3A_91 = arith.constant 0 : i32
      %dma_start3A_92 = tpu.memref_slice %arg4[%add3A_21, %dma_start3A_91] : memref<10240x16xf32, #tpu.memory_space<vmem_shared>> -> memref<128x16xf32, #tpu.memory_space<vmem_shared>>
      tpu.enqueue_dma source(%arg6 : memref<128x16xf32, #tpu.memory_space<vmem>>) target(%dma_start3A_92 : memref<128x16xf32, #tpu.memory_space<vmem_shared>>) target_semaphore(%run_scoped3A : memref<!tpu.dma_semaphore, #tpu.memory_space<semaphore_mem>>)
      %dma_wait3A_93 = arith.constant 0 : i32
      %dma_wait3A_94 = tpu.memref_slice %arg4[%add3A_21, %dma_wait3A_93] : memref<10240x16xf32, #tpu.memory_space<vmem_shared>> -> memref<128x16xf32, #tpu.memory_space<vmem_shared>>
      %dma_wait3A_95 = arith.constant 0 : i32
      %dma_wait3A_96 = tpu.memref_slice %arg4[%add3A_21, %dma_wait3A_95] : memref<10240x16xf32, #tpu.memory_space<vmem_shared>> -> memref<128x16xf32, #tpu.memory_space<vmem_shared>>
      tpu.wait_dma2 semaphore(%run_scoped3A : memref<!tpu.dma_semaphore, #tpu.memory_space<semaphore_mem>>) src(%arg6 : memref<128x16xf32, #tpu.memory_space<vmem>>) dst(%dma_wait3A_96 : memref<128x16xf32, #tpu.memory_space<vmem_shared>>)
      tpu.yield
    }) : () -> ()
    %mul3A_22 = arith.constant 640 : i32
    %mul3A_23 = arith.muli %arg1, %mul3A_22 : i32
    %add3A_24 = arith.constant 512 : i32
    %add3A_25 = arith.addi %mul3A_23, %add3A_24 : i32
    "tpu.region"() ({
      %run_scoped3A = tpu.sem_alloc : memref<!tpu.dma_semaphore, #tpu.memory_space<semaphore_mem>>
      %dma_start3A_89 = arith.constant 0 : i32
      %dma_start3A_90 = tpu.memref_slice %arg4[%add3A_25, %dma_start3A_89] : memref<10240x16xf32, #tpu.memory_space<vmem_shared>> -> memref<128x16xf32, #tpu.memory_space<vmem_shared>>
      %dma_start3A_91 = arith.constant 0 : i32
      %dma_start3A_92 = tpu.memref_slice %arg4[%add3A_25, %dma_start3A_91] : memref<10240x16xf32, #tpu.memory_space<vmem_shared>> -> memref<128x16xf32, #tpu.memory_space<vmem_shared>>
      tpu.enqueue_dma source(%arg6 : memref<128x16xf32, #tpu.memory_space<vmem>>) target(%dma_start3A_92 : memref<128x16xf32, #tpu.memory_space<vmem_shared>>) target_semaphore(%run_scoped3A : memref<!tpu.dma_semaphore, #tpu.memory_space<semaphore_mem>>)
      %dma_wait3A_93 = arith.constant 0 : i32
      %dma_wait3A_94 = tpu.memref_slice %arg4[%add3A_25, %dma_wait3A_93] : memref<10240x16xf32, #tpu.memory_space<vmem_shared>> -> memref<128x16xf32, #tpu.memory_space<vmem_shared>>
      %dma_wait3A_95 = arith.constant 0 : i32
      %dma_wait3A_96 = tpu.memref_slice %arg4[%add3A_25, %dma_wait3A_95] : memref<10240x16xf32, #tpu.memory_space<vmem_shared>> -> memref<128x16xf32, #tpu.memory_space<vmem_shared>>
      tpu.wait_dma2 semaphore(%run_scoped3A : memref<!tpu.dma_semaphore, #tpu.memory_space<semaphore_mem>>) src(%arg6 : memref<128x16xf32, #tpu.memory_space<vmem>>) dst(%dma_wait3A_96 : memref<128x16xf32, #tpu.memory_space<vmem_shared>>)
      tpu.yield
    }) : () -> ()
    %scan3A_26 = arith.constant 0 : i32
    %scan3A_27 = arith.constant 0 : i32
    %scan3A_28 = arith.constant 128 : i32
    %scan3A_29 = arith.addi %scan3A_27, %scan3A_28 : i32
    %scan3A_30 = arith.constant 1 : i32
    scf.for %scan3A_89 = %scan3A_27 to %scan3A_29 step %scan3A_30  : i32 {
      %jit3A = arith.constant 1 : i32
      %div3A = arith.divsi %scan3A_89, %jit3A : i32
      %sign3A = arith.constant 0 : i32
      %sign3A_90 = arith.cmpi sgt, %scan3A_89, %sign3A : i32
      %sign3A_91 = arith.extui %sign3A_90 : i1 to i32
      %sign3A_92 = arith.constant 0 : i32
      %sign3A_93 = arith.cmpi slt, %scan3A_89, %sign3A_92 : i32
      %sign3A_94 = arith.extui %sign3A_93 : i1 to i32
      %sign3A_95 = arith.subi %sign3A_91, %sign3A_94 : i32
      %sign3A_96 = arith.constant 0 : i32
      %sign3A_97 = arith.cmpi sgt, %jit3A, %sign3A_96 : i32
      %sign3A_98 = arith.extui %sign3A_97 : i1 to i32
      %sign3A_99 = arith.constant 0 : i32
      %sign3A_100 = arith.cmpi slt, %jit3A, %sign3A_99 : i32
      %sign3A_101 = arith.extui %sign3A_100 : i1 to i32
      %sign3A_102 = arith.subi %sign3A_98, %sign3A_101 : i32
      %ne3A = arith.cmpi ne, %sign3A_95, %sign3A_102 : i32
      %rem3A = arith.remsi %scan3A_89, %jit3A : i32
      %ne3A_103 = arith.constant 0 : i32
      %ne3A_104 = arith.cmpi ne, %rem3A, %ne3A_103 : i32
      %and3A = arith.andi %ne3A, %ne3A_104 : i1
      %sub3A = arith.constant 1 : i32
      %sub3A_105 = arith.subi %div3A, %sub3A : i32
      %select_n3A = arith.select %and3A, %sub3A_105, %div3A : i32
      %jit3A_106 = arith.constant 1 : i32
      %eq3A = arith.constant 0 : i32
      %eq3A_107 = arith.cmpi eq, %jit3A_106, %eq3A : i32
      %jit3A_108 = arith.constant 1 : i32
      %select_n3A_109 = arith.select %eq3A_107, %jit3A_108, %jit3A_106 : i32
      %rem3A_110 = arith.remsi %scan3A_89, %select_n3A_109 : i32
      %ne3A_111 = arith.constant 0 : i32
      %ne3A_112 = arith.cmpi ne, %rem3A_110, %ne3A_111 : i32
      %lt3A = arith.constant 0 : i32
      %lt3A_113 = arith.cmpi slt, %rem3A_110, %lt3A : i32
      %lt3A_114 = arith.constant 0 : i32
      %lt3A_115 = arith.cmpi slt, %select_n3A_109, %lt3A_114 : i32
      %ne3A_116 = arith.xori %lt3A_113, %lt3A_115 : i1
      %and3A_117 = arith.andi %ne3A_116, %ne3A_112 : i1
      %add3A_118 = arith.addi %rem3A_110, %select_n3A_109 : i32
      %select_n3A_119 = arith.select %and3A_117, %add3A_118, %rem3A_110 : i32
      %broadcast_in_dim3A = arith.constant 1.000000e+00 : f32
      %broadcast_in_dim3A_120 = vector.broadcast %broadcast_in_dim3A : f32 to vector<16xf32>
      %mul3A_121 = arith.constant 16 : i32
      %mul3A_122 = arith.muli %select_n3A_119, %mul3A_121 : i32
      %swap3A = arith.index_cast %select_n3A : i32 to index
      %swap3A_123 = arith.index_cast %mul3A_122 : i32 to index
      %swap3A_124 = tpu.vector_load %arg5[%swap3A, %swap3A_123] {strides = array<i32>} : memref<128x16xf32, #tpu.memory_space<vmem>>, vector<1x16xf32>,
      %swap3A_125 = vector.shape_cast %swap3A_124 : vector<1x16xf32> to vector<16xf32>
      %swap3A_126 = vector.shape_cast %broadcast_in_dim3A_120 : vector<16xf32> to vector<1x16xf32>
      tpu.vector_store %arg5[%swap3A, %swap3A_123], %swap3A_126 {strides = array<i32>} : memref<128x16xf32, #tpu.memory_space<vmem>>, vector<1x16xf32>,
    }
    %scan3A_31 = arith.constant 128 : i32
    %barrier3A = arith.constant 0 : index
    tpu.barrier barrier_id(%barrier3A)
    %mul3A_32 = arith.constant 10000 : i32
    %mul3A_33 = arith.muli %add3A, %mul3A_32 : i32
    %add3A_34 = arith.constant 0 : i32
    %add3A_35 = arith.addi %mul3A_33, %add3A_34 : i32
    %dma_start3A = tpu.memref_slice %arg2[%add3A_35] : memref<320000xi32, #tpu.memory_space<hbm>> -> memref<128xi32, #tpu.memory_space<hbm>>
    %dma_start3A_36 = tpu.memref_slice %arg2[%add3A_35] : memref<320000xi32, #tpu.memory_space<hbm>> -> memref<128xi32, #tpu.memory_space<hbm>>
    tpu.enqueue_dma source(%dma_start3A_36 : memref<128xi32, #tpu.memory_space<hbm>>) target(%arg7 : memref<128xi32, #tpu.memory_space<vmem>>) target_semaphore(%arg12 : memref<!tpu.dma_semaphore, #tpu.memory_space<semaphore_mem>>)
    %add3A_37 = arith.constant 128 : i32
    %add3A_38 = arith.addi %mul3A_33, %add3A_37 : i32
    %dma_start3A_39 = tpu.memref_slice %arg2[%add3A_38] : memref<320000xi32, #tpu.memory_space<hbm>> -> memref<128xi32, #tpu.memory_space<hbm>>
    %dma_start3A_40 = tpu.memref_slice %arg2[%add3A_38] : memref<320000xi32, #tpu.memory_space<hbm>> -> memref<128xi32, #tpu.memory_space<hbm>>
    tpu.enqueue_dma source(%dma_start3A_40 : memref<128xi32, #tpu.memory_space<hbm>>) target(%arg8 : memref<128xi32, #tpu.memory_space<vmem>>) target_semaphore(%arg13 : memref<!tpu.dma_semaphore, #tpu.memory_space<semaphore_mem>>)
    %add3A_41 = arith.constant 0 : i32
    %add3A_42 = arith.addi %mul3A_33, %add3A_41 : i32
    %dma_wait3A = tpu.memref_slice %arg2[%add3A_42] : memref<320000xi32, #tpu.memory_space<hbm>> -> memref<128xi32, #tpu.memory_space<hbm>>
    %dma_wait3A_43 = tpu.memref_slice %arg2[%add3A_42] : memref<320000xi32, #tpu.memory_space<hbm>> -> memref<128xi32, #tpu.memory_space<hbm>>
    tpu.wait_dma2 semaphore(%arg12 : memref<!tpu.dma_semaphore, #tpu.memory_space<semaphore_mem>>) src(%dma_wait3A_43 : memref<128xi32, #tpu.memory_space<hbm>>) dst(%arg7 : memref<128xi32, #tpu.memory_space<vmem>>)
    %dma_start3A_44 = arith.constant 0 : i32
    %dma_start3A_45 = arith.constant 0 : i32
    %dma_start3A_46 = tpu.memref_slice %arg4[%dma_start3A_44, %dma_start3A_45] : memref<10240x16xf32, #tpu.memory_space<vmem_shared>> -> memref<10240x16xf32, #tpu.memory_space<vmem_shared>>
    tpu.enqueue_indirect_dma source(%arg5 : memref<128x16xf32, #tpu.memory_space<vmem>>) target(%dma_start3A_46 : memref<10240x16xf32, #tpu.memory_space<vmem_shared>>) offsets(%arg7 : memref<128xi32, #tpu.memory_space<vmem>>) semaphore(%arg10 : memref<!tpu.dma_semaphore, #tpu.memory_space<semaphore_mem>>) {add = true}
    %scan3A_47 = arith.constant 0 : i32
    %scan3A_48 = arith.constant 0 : i32
    %scan3A_49 = arith.constant 38 : i32
    %scan3A_50 = arith.addi %scan3A_48, %scan3A_49 : i32
    %scan3A_51 = arith.constant 1 : i32
    scf.for %scan3A_89 = %scan3A_48 to %scan3A_50 step %scan3A_51  : i32 {
      %mul3A_90 = arith.constant 2 : i32
      %mul3A_91 = arith.muli %mul3A_90, %scan3A_89 : i32
      %add3A_92 = arith.constant 1 : i32
      %add3A_93 = arith.addi %mul3A_91, %add3A_92 : i32
      %mul3A_94 = arith.constant 128 : i32
      %mul3A_95 = arith.muli %add3A_93, %mul3A_94 : i32
      %add3A_96 = arith.addi %mul3A_33, %mul3A_95 : i32
      %dma_wait3A_97 = tpu.memref_slice %arg2[%add3A_96] : memref<320000xi32, #tpu.memory_space<hbm>> -> memref<128xi32, #tpu.memory_space<hbm>>
      %dma_wait3A_98 = tpu.memref_slice %arg2[%add3A_96] : memref<320000xi32, #tpu.memory_space<hbm>> -> memref<128xi32, #tpu.memory_space<hbm>>
      tpu.wait_dma2 semaphore(%arg13 : memref<!tpu.dma_semaphore, #tpu.memory_space<semaphore_mem>>) src(%dma_wait3A_98 : memref<128xi32, #tpu.memory_space<hbm>>) dst(%arg8 : memref<128xi32, #tpu.memory_space<vmem>>)
      %dma_start3A_99 = arith.constant 0 : i32
      %dma_start3A_100 = arith.constant 0 : i32
      %dma_start3A_101 = tpu.memref_slice %arg4[%dma_start3A_99, %dma_start3A_100] : memref<10240x16xf32, #tpu.memory_space<vmem_shared>> -> memref<10240x16xf32, #tpu.memory_space<vmem_shared>>
      tpu.enqueue_indirect_dma source(%arg5 : memref<128x16xf32, #tpu.memory_space<vmem>>) target(%dma_start3A_101 : memref<10240x16xf32, #tpu.memory_space<vmem_shared>>) offsets(%arg8 : memref<128xi32, #tpu.memory_space<vmem>>) semaphore(%arg11 : memref<!tpu.dma_semaphore, #tpu.memory_space<semaphore_mem>>) {add = true}
      %dma_wait3A_102 = arith.constant 0 : i32
      %dma_wait3A_103 = arith.constant 0 : i32
      %dma_wait3A_104 = tpu.memref_slice %arg4[%dma_wait3A_102, %dma_wait3A_103] : memref<10240x16xf32, #tpu.memory_space<vmem_shared>> -> memref<10240x16xf32, #tpu.memory_space<vmem_shared>>
      tpu.wait_indirect_dma semaphore(%arg10 : memref<!tpu.dma_semaphore, #tpu.memory_space<semaphore_mem>>) src(%arg5 : memref<128x16xf32, #tpu.memory_space<vmem>>) dst(%dma_wait3A_104 : memref<10240x16xf32, #tpu.memory_space<vmem_shared>>)
      %mul3A_105 = arith.constant 2 : i32
      %mul3A_106 = arith.muli %mul3A_105, %scan3A_89 : i32
      %add3A_107 = arith.constant 2 : i32
      %add3A_108 = arith.addi %mul3A_106, %add3A_107 : i32
      %mul3A_109 = arith.constant 128 : i32
      %mul3A_110 = arith.muli %add3A_108, %mul3A_109 : i32
      %add3A_111 = arith.addi %mul3A_33, %mul3A_110 : i32
      %dma_start3A_112 = tpu.memref_slice %arg2[%add3A_111] : memref<320000xi32, #tpu.memory_space<hbm>> -> memref<128xi32, #tpu.memory_space<hbm>>
      %dma_start3A_113 = tpu.memref_slice %arg2[%add3A_111] : memref<320000xi32, #tpu.memory_space<hbm>> -> memref<128xi32, #tpu.memory_space<hbm>>
      tpu.enqueue_dma source(%dma_start3A_113 : memref<128xi32, #tpu.memory_space<hbm>>) target(%arg7 : memref<128xi32, #tpu.memory_space<vmem>>) target_semaphore(%arg12 : memref<!tpu.dma_semaphore, #tpu.memory_space<semaphore_mem>>)
      %mul3A_114 = arith.constant 2 : i32
      %mul3A_115 = arith.muli %mul3A_114, %scan3A_89 : i32
      %add3A_116 = arith.constant 2 : i32
      %add3A_117 = arith.addi %mul3A_115, %add3A_116 : i32
      %mul3A_118 = arith.constant 128 : i32
      %mul3A_119 = arith.muli %add3A_117, %mul3A_118 : i32
      %add3A_120 = arith.addi %mul3A_33, %mul3A_119 : i32
      %dma_wait3A_121 = tpu.memref_slice %arg2[%add3A_120] : memref<320000xi32, #tpu.memory_space<hbm>> -> memref<128xi32, #tpu.memory_space<hbm>>
      %dma_wait3A_122 = tpu.memref_slice %arg2[%add3A_120] : memref<320000xi32, #tpu.memory_space<hbm>> -> memref<128xi32, #tpu.memory_space<hbm>>
      tpu.wait_dma2 semaphore(%arg12 : memref<!tpu.dma_semaphore, #tpu.memory_space<semaphore_mem>>) src(%dma_wait3A_122 : memref<128xi32, #tpu.memory_space<hbm>>) dst(%arg7 : memref<128xi32, #tpu.memory_space<vmem>>)
      %dma_start3A_123 = arith.constant 0 : i32
      %dma_start3A_124 = arith.constant 0 : i32
      %dma_start3A_125 = tpu.memref_slice %arg4[%dma_start3A_123, %dma_start3A_124] : memref<10240x16xf32, #tpu.memory_space<vmem_shared>> -> memref<10240x16xf32, #tpu.memory_space<vmem_shared>>
      tpu.enqueue_indirect_dma source(%arg5 : memref<128x16xf32, #tpu.memory_space<vmem>>) target(%dma_start3A_125 : memref<10240x16xf32, #tpu.memory_space<vmem_shared>>) offsets(%arg7 : memref<128xi32, #tpu.memory_space<vmem>>) semaphore(%arg10 : memref<!tpu.dma_semaphore, #tpu.memory_space<semaphore_mem>>) {add = true}
      %dma_wait3A_126 = arith.constant 0 : i32
      %dma_wait3A_127 = arith.constant 0 : i32
      %dma_wait3A_128 = tpu.memref_slice %arg4[%dma_wait3A_126, %dma_wait3A_127] : memref<10240x16xf32, #tpu.memory_space<vmem_shared>> -> memref<10240x16xf32, #tpu.memory_space<vmem_shared>>
      tpu.wait_indirect_dma semaphore(%arg11 : memref<!tpu.dma_semaphore, #tpu.memory_space<semaphore_mem>>) src(%arg5 : memref<128x16xf32, #tpu.memory_space<vmem>>) dst(%dma_wait3A_128 : memref<10240x16xf32, #tpu.memory_space<vmem_shared>>)
      %mul3A_129 = arith.constant 2 : i32
      %mul3A_130 = arith.muli %mul3A_129, %scan3A_89 : i32
      %add3A_131 = arith.constant 3 : i32
      %add3A_132 = arith.addi %mul3A_130, %add3A_131 : i32
      %mul3A_133 = arith.constant 128 : i32
      %mul3A_134 = arith.muli %add3A_132, %mul3A_133 : i32
      %add3A_135 = arith.addi %mul3A_33, %mul3A_134 : i32
      %dma_start3A_136 = tpu.memref_slice %arg2[%add3A_135] : memref<320000xi32, #tpu.memory_space<hbm>> -> memref<128xi32, #tpu.memory_space<hbm>>
      %dma_start3A_137 = tpu.memref_slice %arg2[%add3A_135] : memref<320000xi32, #tpu.memory_space<hbm>> -> memref<128xi32, #tpu.memory_space<hbm>>
      tpu.enqueue_dma source(%dma_start3A_137 : memref<128xi32, #tpu.memory_space<hbm>>) target(%arg8 : memref<128xi32, #tpu.memory_space<vmem>>) target_semaphore(%arg13 : memref<!tpu.dma_semaphore, #tpu.memory_space<semaphore_mem>>)
    }
    %scan3A_52 = arith.constant 38 : i32
    %add3A_53 = arith.constant 9856 : i32
    %add3A_54 = arith.addi %mul3A_33, %add3A_53 : i32
    %dma_wait3A_55 = tpu.memref_slice %arg2[%add3A_54] : memref<320000xi32, #tpu.memory_space<hbm>> -> memref<128xi32, #tpu.memory_space<hbm>>
    %dma_wait3A_56 = tpu.memref_slice %arg2[%add3A_54] : memref<320000xi32, #tpu.memory_space<hbm>> -> memref<128xi32, #tpu.memory_space<hbm>>
    tpu.wait_dma2 semaphore(%arg13 : memref<!tpu.dma_semaphore, #tpu.memory_space<semaphore_mem>>) src(%dma_wait3A_56 : memref<128xi32, #tpu.memory_space<hbm>>) dst(%arg8 : memref<128xi32, #tpu.memory_space<vmem>>)
    %dma_start3A_57 = arith.constant 0 : i32
    %dma_start3A_58 = arith.constant 0 : i32
    %dma_start3A_59 = tpu.memref_slice %arg4[%dma_start3A_57, %dma_start3A_58] : memref<10240x16xf32, #tpu.memory_space<vmem_shared>> -> memref<10240x16xf32, #tpu.memory_space<vmem_shared>>
    tpu.enqueue_indirect_dma source(%arg5 : memref<128x16xf32, #tpu.memory_space<vmem>>) target(%dma_start3A_59 : memref<10240x16xf32, #tpu.memory_space<vmem_shared>>) offsets(%arg8 : memref<128xi32, #tpu.memory_space<vmem>>) semaphore(%arg11 : memref<!tpu.dma_semaphore, #tpu.memory_space<semaphore_mem>>) {add = true}
    %dma_wait3A_60 = arith.constant 0 : i32
    %dma_wait3A_61 = arith.constant 0 : i32
    %dma_wait3A_62 = tpu.memref_slice %arg4[%dma_wait3A_60, %dma_wait3A_61] : memref<10240x16xf32, #tpu.memory_space<vmem_shared>> -> memref<10240x16xf32, #tpu.memory_space<vmem_shared>>
    tpu.wait_indirect_dma semaphore(%arg10 : memref<!tpu.dma_semaphore, #tpu.memory_space<semaphore_mem>>) src(%arg5 : memref<128x16xf32, #tpu.memory_space<vmem>>) dst(%dma_wait3A_62 : memref<10240x16xf32, #tpu.memory_space<vmem_shared>>)
    %dma_wait3A_63 = arith.constant 0 : i32
    %dma_wait3A_64 = arith.constant 0 : i32
    %dma_wait3A_65 = tpu.memref_slice %arg4[%dma_wait3A_63, %dma_wait3A_64] : memref<10240x16xf32, #tpu.memory_space<vmem_shared>> -> memref<10240x16xf32, #tpu.memory_space<vmem_shared>>
    tpu.wait_indirect_dma semaphore(%arg11 : memref<!tpu.dma_semaphore, #tpu.memory_space<semaphore_mem>>) src(%arg5 : memref<128x16xf32, #tpu.memory_space<vmem>>) dst(%dma_wait3A_65 : memref<10240x16xf32, #tpu.memory_space<vmem_shared>>)
    %add3A_66 = arith.constant 9984 : i32
    %add3A_67 = arith.addi %mul3A_33, %add3A_66 : i32
    "tpu.region"() ({
      %run_scoped3A = tpu.sem_alloc : memref<!tpu.dma_semaphore, #tpu.memory_space<semaphore_mem>>
      %dma_start3A_89 = tpu.memref_slice %arg2[%add3A_67] : memref<320000xi32, #tpu.memory_space<hbm>> -> memref<16xi32, #tpu.memory_space<hbm>>
      %dma_start3A_90 = tpu.memref_slice %arg2[%add3A_67] : memref<320000xi32, #tpu.memory_space<hbm>> -> memref<16xi32, #tpu.memory_space<hbm>>
      tpu.enqueue_dma source(%dma_start3A_90 : memref<16xi32, #tpu.memory_space<hbm>>) target(%arg9 : memref<16xi32, #tpu.memory_space<vmem>>) target_semaphore(%run_scoped3A : memref<!tpu.dma_semaphore, #tpu.memory_space<semaphore_mem>>)
      %dma_wait3A_91 = tpu.memref_slice %arg2[%add3A_67] : memref<320000xi32, #tpu.memory_space<hbm>> -> memref<16xi32, #tpu.memory_space<hbm>>
      %dma_wait3A_92 = tpu.memref_slice %arg2[%add3A_67] : memref<320000xi32, #tpu.memory_space<hbm>> -> memref<16xi32, #tpu.memory_space<hbm>>
      tpu.wait_dma2 semaphore(%run_scoped3A : memref<!tpu.dma_semaphore, #tpu.memory_space<semaphore_mem>>) src(%dma_wait3A_92 : memref<16xi32, #tpu.memory_space<hbm>>) dst(%arg9 : memref<16xi32, #tpu.memory_space<vmem>>)
      tpu.yield
    }) : () -> ()
    "tpu.region"() ({
      %run_scoped3A = tpu.sem_alloc : memref<!tpu.dma_semaphore, #tpu.memory_space<semaphore_mem>>
      %dma_start3A_89 = arith.constant 0 : i32
      %dma_start3A_90 = arith.constant 0 : i32
      %dma_start3A_91 = tpu.memref_slice %arg5[%dma_start3A_89, %dma_start3A_90] : memref<128x16xf32, #tpu.memory_space<vmem>> -> memref<16x16xf32, #tpu.memory_space<vmem>>
      %dma_start3A_92 = arith.constant 0 : i32
      %dma_start3A_93 = arith.constant 0 : i32
      %dma_start3A_94 = tpu.memref_slice %arg4[%dma_start3A_92, %dma_start3A_93] : memref<10240x16xf32, #tpu.memory_space<vmem_shared>> -> memref<10240x16xf32, #tpu.memory_space<vmem_shared>>
      tpu.enqueue_indirect_dma source(%dma_start3A_91 : memref<16x16xf32, #tpu.memory_space<vmem>>) target(%dma_start3A_94 : memref<10240x16xf32, #tpu.memory_space<vmem_shared>>) offsets(%arg9 : memref<16xi32, #tpu.memory_space<vmem>>) semaphore(%run_scoped3A : memref<!tpu.dma_semaphore, #tpu.memory_space<semaphore_mem>>) {add = true}
      %dma_wait3A_95 = arith.constant 0 : i32
      %dma_wait3A_96 = arith.constant 0 : i32
      %dma_wait3A_97 = tpu.memref_slice %arg5[%dma_wait3A_95, %dma_wait3A_96] : memref<128x16xf32, #tpu.memory_space<vmem>> -> memref<16x16xf32, #tpu.memory_space<vmem>>
      %dma_wait3A_98 = arith.constant 0 : i32
      %dma_wait3A_99 = arith.constant 0 : i32
      %dma_wait3A_100 = tpu.memref_slice %arg4[%dma_wait3A_98, %dma_wait3A_99] : memref<10240x16xf32, #tpu.memory_space<vmem_shared>> -> memref<10240x16xf32, #tpu.memory_space<vmem_shared>>
      tpu.wait_indirect_dma semaphore(%run_scoped3A : memref<!tpu.dma_semaphore, #tpu.memory_space<semaphore_mem>>) src(%dma_wait3A_97 : memref<16x16xf32, #tpu.memory_space<vmem>>) dst(%dma_wait3A_100 : memref<10240x16xf32, #tpu.memory_space<vmem_shared>>)
      tpu.yield
    }) : () -> ()
    %barrier3A_68 = arith.constant 0 : index
    tpu.barrier barrier_id(%barrier3A_68)
    %mul3A_69 = arith.constant 640 : i32
    %mul3A_70 = arith.muli %arg1, %mul3A_69 : i32
    %add3A_71 = arith.constant 0 : i32
    %add3A_72 = arith.addi %mul3A_70, %add3A_71 : i32
    "tpu.region"() ({
      %run_scoped3A = tpu.sem_alloc : memref<!tpu.dma_semaphore, #tpu.memory_space<semaphore_mem>>
      %dma_start3A_89 = arith.constant 0 : i32
      %dma_start3A_90 = tpu.memref_slice %arg4[%add3A_72, %dma_start3A_89] : memref<10240x16xf32, #tpu.memory_space<vmem_shared>> -> memref<128x16xf32, #tpu.memory_space<vmem_shared>>
      %dma_start3A_91 = arith.constant 0 : i32
      %dma_start3A_92 = tpu.memref_slice %arg4[%add3A_72, %dma_start3A_91] : memref<10240x16xf32, #tpu.memory_space<vmem_shared>> -> memref<128x16xf32, #tpu.memory_space<vmem_shared>>
      tpu.enqueue_dma source(%dma_start3A_92 : memref<128x16xf32, #tpu.memory_space<vmem_shared>>) target(%arg6 : memref<128x16xf32, #tpu.memory_space<vmem>>) target_semaphore(%run_scoped3A : memref<!tpu.dma_semaphore, #tpu.memory_space<semaphore_mem>>)
      %dma_wait3A_93 = arith.constant 0 : i32
      %dma_wait3A_94 = tpu.memref_slice %arg4[%add3A_72, %dma_wait3A_93] : memref<10240x16xf32, #tpu.memory_space<vmem_shared>> -> memref<128x16xf32, #tpu.memory_space<vmem_shared>>
      %dma_wait3A_95 = arith.constant 0 : i32
      %dma_wait3A_96 = tpu.memref_slice %arg4[%add3A_72, %dma_wait3A_95] : memref<10240x16xf32, #tpu.memory_space<vmem_shared>> -> memref<128x16xf32, #tpu.memory_space<vmem_shared>>
      tpu.wait_dma2 semaphore(%run_scoped3A : memref<!tpu.dma_semaphore, #tpu.memory_space<semaphore_mem>>) src(%dma_wait3A_96 : memref<128x16xf32, #tpu.memory_space<vmem_shared>>) dst(%arg6 : memref<128x16xf32, #tpu.memory_space<vmem>>)
      tpu.yield
    }) : () -> ()
    "tpu.region"() ({
      %run_scoped3A = tpu.sem_alloc : memref<!tpu.dma_semaphore, #tpu.memory_space<semaphore_mem>>
      %dma_start3A_89 = arith.constant 0 : i32
      %dma_start3A_90 = tpu.memref_slice %arg3[%arg0, %add3A_72, %dma_start3A_89] : memref<2x10240x16xf32, #tpu.memory_space<hbm>> -> memref<1x128x16xf32, #tpu.memory_space<hbm>>
      %dma_start3A_91 = tpu.memref_squeeze %dma_start3A_90 : memref<1x128x16xf32, #tpu.memory_space<hbm>> -> memref<128x16xf32, #tpu.memory_space<hbm>>
      %dma_start3A_92 = arith.constant 0 : i32
      %dma_start3A_93 = tpu.memref_slice %arg3[%arg0, %add3A_72, %dma_start3A_92] : memref<2x10240x16xf32, #tpu.memory_space<hbm>> -> memref<1x128x16xf32, #tpu.memory_space<hbm>>
      %dma_start3A_94 = tpu.memref_squeeze %dma_start3A_93 : memref<1x128x16xf32, #tpu.memory_space<hbm>> -> memref<128x16xf32, #tpu.memory_space<hbm>>
      tpu.enqueue_dma source(%arg6 : memref<128x16xf32, #tpu.memory_space<vmem>>) target(%dma_start3A_94 : memref<128x16xf32, #tpu.memory_space<hbm>>) target_semaphore(%run_scoped3A : memref<!tpu.dma_semaphore, #tpu.memory_space<semaphore_mem>>)
      %dma_wait3A_95 = arith.constant 0 : i32
      %dma_wait3A_96 = tpu.memref_slice %arg3[%arg0, %add3A_72, %dma_wait3A_95] : memref<2x10240x16xf32, #tpu.memory_space<hbm>> -> memref<1x128x16xf32, #tpu.memory_space<hbm>>
      %dma_wait3A_97 = tpu.memref_squeeze %dma_wait3A_96 : memref<1x128x16xf32, #tpu.memory_space<hbm>> -> memref<128x16xf32, #tpu.memory_space<hbm>>
      %dma_wait3A_98 = arith.constant 0 : i32
      %dma_wait3A_99 = tpu.memref_slice %arg3[%arg0, %add3A_72, %dma_wait3A_98] : memref<2x10240x16xf32, #tpu.memory_space<hbm>> -> memref<1x128x16xf32, #tpu.memory_space<hbm>>
      %dma_wait3A_100 = tpu.memref_squeeze %dma_wait3A_99 : memref<1x128x16xf32, #tpu.memory_space<hbm>> -> memref<128x16xf32, #tpu.memory_space<hbm>>
      tpu.wait_dma2 semaphore(%run_scoped3A : memref<!tpu.dma_semaphore, #tpu.memory_space<semaphore_mem>>) src(%arg6 : memref<128x16xf32, #tpu.memory_space<vmem>>) dst(%dma_wait3A_100 : memref<128x16xf32, #tpu.memory_space<hbm>>)
      tpu.yield
    }) : () -> ()
    %mul3A_73 = arith.constant 640 : i32
    %mul3A_74 = arith.muli %arg1, %mul3A_73 : i32
    %add3A_75 = arith.constant 128 : i32
    %add3A_76 = arith.addi %mul3A_74, %add3A_75 : i32
    "tpu.region"() ({
      %run_scoped3A = tpu.sem_alloc : memref<!tpu.dma_semaphore, #tpu.memory_space<semaphore_mem>>
      %dma_start3A_89 = arith.constant 0 : i32
      %dma_start3A_90 = tpu.memref_slice %arg4[%add3A_76, %dma_start3A_89] : memref<10240x16xf32, #tpu.memory_space<vmem_shared>> -> memref<128x16xf32, #tpu.memory_space<vmem_shared>>
      %dma_start3A_91 = arith.constant 0 : i32
      %dma_start3A_92 = tpu.memref_slice %arg4[%add3A_76, %dma_start3A_91] : memref<10240x16xf32, #tpu.memory_space<vmem_shared>> -> memref<128x16xf32, #tpu.memory_space<vmem_shared>>
      tpu.enqueue_dma source(%dma_start3A_92 : memref<128x16xf32, #tpu.memory_space<vmem_shared>>) target(%arg6 : memref<128x16xf32, #tpu.memory_space<vmem>>) target_semaphore(%run_scoped3A : memref<!tpu.dma_semaphore, #tpu.memory_space<semaphore_mem>>)
      %dma_wait3A_93 = arith.constant 0 : i32
      %dma_wait3A_94 = tpu.memref_slice %arg4[%add3A_76, %dma_wait3A_93] : memref<10240x16xf32, #tpu.memory_space<vmem_shared>> -> memref<128x16xf32, #tpu.memory_space<vmem_shared>>
      %dma_wait3A_95 = arith.constant 0 : i32
      %dma_wait3A_96 = tpu.memref_slice %arg4[%add3A_76, %dma_wait3A_95] : memref<10240x16xf32, #tpu.memory_space<vmem_shared>> -> memref<128x16xf32, #tpu.memory_space<vmem_shared>>
      tpu.wait_dma2 semaphore(%run_scoped3A : memref<!tpu.dma_semaphore, #tpu.memory_space<semaphore_mem>>) src(%dma_wait3A_96 : memref<128x16xf32, #tpu.memory_space<vmem_shared>>) dst(%arg6 : memref<128x16xf32, #tpu.memory_space<vmem>>)
      tpu.yield
    }) : () -> ()
    "tpu.region"() ({
      %run_scoped3A = tpu.sem_alloc : memref<!tpu.dma_semaphore, #tpu.memory_space<semaphore_mem>>
      %dma_start3A_89 = arith.constant 0 : i32
      %dma_start3A_90 = tpu.memref_slice %arg3[%arg0, %add3A_76, %dma_start3A_89] : memref<2x10240x16xf32, #tpu.memory_space<hbm>> -> memref<1x128x16xf32, #tpu.memory_space<hbm>>
      %dma_start3A_91 = tpu.memref_squeeze %dma_start3A_90 : memref<1x128x16xf32, #tpu.memory_space<hbm>> -> memref<128x16xf32, #tpu.memory_space<hbm>>
      %dma_start3A_92 = arith.constant 0 : i32
      %dma_start3A_93 = tpu.memref_slice %arg3[%arg0, %add3A_76, %dma_start3A_92] : memref<2x10240x16xf32, #tpu.memory_space<hbm>> -> memref<1x128x16xf32, #tpu.memory_space<hbm>>
      %dma_start3A_94 = tpu.memref_squeeze %dma_start3A_93 : memref<1x128x16xf32, #tpu.memory_space<hbm>> -> memref<128x16xf32, #tpu.memory_space<hbm>>
      tpu.enqueue_dma source(%arg6 : memref<128x16xf32, #tpu.memory_space<vmem>>) target(%dma_start3A_94 : memref<128x16xf32, #tpu.memory_space<hbm>>) target_semaphore(%run_scoped3A : memref<!tpu.dma_semaphore, #tpu.memory_space<semaphore_mem>>)
      %dma_wait3A_95 = arith.constant 0 : i32
      %dma_wait3A_96 = tpu.memref_slice %arg3[%arg0, %add3A_76, %dma_wait3A_95] : memref<2x10240x16xf32, #tpu.memory_space<hbm>> -> memref<1x128x16xf32, #tpu.memory_space<hbm>>
      %dma_wait3A_97 = tpu.memref_squeeze %dma_wait3A_96 : memref<1x128x16xf32, #tpu.memory_space<hbm>> -> memref<128x16xf32, #tpu.memory_space<hbm>>
      %dma_wait3A_98 = arith.constant 0 : i32
      %dma_wait3A_99 = tpu.memref_slice %arg3[%arg0, %add3A_76, %dma_wait3A_98] : memref<2x10240x16xf32, #tpu.memory_space<hbm>> -> memref<1x128x16xf32, #tpu.memory_space<hbm>>
      %dma_wait3A_100 = tpu.memref_squeeze %dma_wait3A_99 : memref<1x128x16xf32, #tpu.memory_space<hbm>> -> memref<128x16xf32, #tpu.memory_space<hbm>>
      tpu.wait_dma2 semaphore(%run_scoped3A : memref<!tpu.dma_semaphore, #tpu.memory_space<semaphore_mem>>) src(%arg6 : memref<128x16xf32, #tpu.memory_space<vmem>>) dst(%dma_wait3A_100 : memref<128x16xf32, #tpu.memory_space<hbm>>)
      tpu.yield
    }) : () -> ()
    %mul3A_77 = arith.constant 640 : i32
    %mul3A_78 = arith.muli %arg1, %mul3A_77 : i32
    %add3A_79 = arith.constant 256 : i32
    %add3A_80 = arith.addi %mul3A_78, %add3A_79 : i32
    "tpu.region"() ({
      %run_scoped3A = tpu.sem_alloc : memref<!tpu.dma_semaphore, #tpu.memory_space<semaphore_mem>>
      %dma_start3A_89 = arith.constant 0 : i32
      %dma_start3A_90 = tpu.memref_slice %arg4[%add3A_80, %dma_start3A_89] : memref<10240x16xf32, #tpu.memory_space<vmem_shared>> -> memref<128x16xf32, #tpu.memory_space<vmem_shared>>
      %dma_start3A_91 = arith.constant 0 : i32
      %dma_start3A_92 = tpu.memref_slice %arg4[%add3A_80, %dma_start3A_91] : memref<10240x16xf32, #tpu.memory_space<vmem_shared>> -> memref<128x16xf32, #tpu.memory_space<vmem_shared>>
      tpu.enqueue_dma source(%dma_start3A_92 : memref<128x16xf32, #tpu.memory_space<vmem_shared>>) target(%arg6 : memref<128x16xf32, #tpu.memory_space<vmem>>) target_semaphore(%run_scoped3A : memref<!tpu.dma_semaphore, #tpu.memory_space<semaphore_mem>>)
      %dma_wait3A_93 = arith.constant 0 : i32
      %dma_wait3A_94 = tpu.memref_slice %arg4[%add3A_80, %dma_wait3A_93] : memref<10240x16xf32, #tpu.memory_space<vmem_shared>> -> memref<128x16xf32, #tpu.memory_space<vmem_shared>>
      %dma_wait3A_95 = arith.constant 0 : i32
      %dma_wait3A_96 = tpu.memref_slice %arg4[%add3A_80, %dma_wait3A_95] : memref<10240x16xf32, #tpu.memory_space<vmem_shared>> -> memref<128x16xf32, #tpu.memory_space<vmem_shared>>
      tpu.wait_dma2 semaphore(%run_scoped3A : memref<!tpu.dma_semaphore, #tpu.memory_space<semaphore_mem>>) src(%dma_wait3A_96 : memref<128x16xf32, #tpu.memory_space<vmem_shared>>) dst(%arg6 : memref<128x16xf32, #tpu.memory_space<vmem>>)
      tpu.yield
    }) : () -> ()
    "tpu.region"() ({
      %run_scoped3A = tpu.sem_alloc : memref<!tpu.dma_semaphore, #tpu.memory_space<semaphore_mem>>
      %dma_start3A_89 = arith.constant 0 : i32
      %dma_start3A_90 = tpu.memref_slice %arg3[%arg0, %add3A_80, %dma_start3A_89] : memref<2x10240x16xf32, #tpu.memory_space<hbm>> -> memref<1x128x16xf32, #tpu.memory_space<hbm>>
      %dma_start3A_91 = tpu.memref_squeeze %dma_start3A_90 : memref<1x128x16xf32, #tpu.memory_space<hbm>> -> memref<128x16xf32, #tpu.memory_space<hbm>>
      %dma_start3A_92 = arith.constant 0 : i32
      %dma_start3A_93 = tpu.memref_slice %arg3[%arg0, %add3A_80, %dma_start3A_92] : memref<2x10240x16xf32, #tpu.memory_space<hbm>> -> memref<1x128x16xf32, #tpu.memory_space<hbm>>
      %dma_start3A_94 = tpu.memref_squeeze %dma_start3A_93 : memref<1x128x16xf32, #tpu.memory_space<hbm>> -> memref<128x16xf32, #tpu.memory_space<hbm>>
      tpu.enqueue_dma source(%arg6 : memref<128x16xf32, #tpu.memory_space<vmem>>) target(%dma_start3A_94 : memref<128x16xf32, #tpu.memory_space<hbm>>) target_semaphore(%run_scoped3A : memref<!tpu.dma_semaphore, #tpu.memory_space<semaphore_mem>>)
      %dma_wait3A_95 = arith.constant 0 : i32
      %dma_wait3A_96 = tpu.memref_slice %arg3[%arg0, %add3A_80, %dma_wait3A_95] : memref<2x10240x16xf32, #tpu.memory_space<hbm>> -> memref<1x128x16xf32, #tpu.memory_space<hbm>>
      %dma_wait3A_97 = tpu.memref_squeeze %dma_wait3A_96 : memref<1x128x16xf32, #tpu.memory_space<hbm>> -> memref<128x16xf32, #tpu.memory_space<hbm>>
      %dma_wait3A_98 = arith.constant 0 : i32
      %dma_wait3A_99 = tpu.memref_slice %arg3[%arg0, %add3A_80, %dma_wait3A_98] : memref<2x10240x16xf32, #tpu.memory_space<hbm>> -> memref<1x128x16xf32, #tpu.memory_space<hbm>>
      %dma_wait3A_100 = tpu.memref_squeeze %dma_wait3A_99 : memref<1x128x16xf32, #tpu.memory_space<hbm>> -> memref<128x16xf32, #tpu.memory_space<hbm>>
      tpu.wait_dma2 semaphore(%run_scoped3A : memref<!tpu.dma_semaphore, #tpu.memory_space<semaphore_mem>>) src(%arg6 : memref<128x16xf32, #tpu.memory_space<vmem>>) dst(%dma_wait3A_100 : memref<128x16xf32, #tpu.memory_space<hbm>>)
      tpu.yield
    }) : () -> ()
    %mul3A_81 = arith.constant 640 : i32
    %mul3A_82 = arith.muli %arg1, %mul3A_81 : i32
    %add3A_83 = arith.constant 384 : i32
    %add3A_84 = arith.addi %mul3A_82, %add3A_83 : i32
    "tpu.region"() ({
      %run_scoped3A = tpu.sem_alloc : memref<!tpu.dma_semaphore, #tpu.memory_space<semaphore_mem>>
      %dma_start3A_89 = arith.constant 0 : i32
      %dma_start3A_90 = tpu.memref_slice %arg4[%add3A_84, %dma_start3A_89] : memref<10240x16xf32, #tpu.memory_space<vmem_shared>> -> memref<128x16xf32, #tpu.memory_space<vmem_shared>>
      %dma_start3A_91 = arith.constant 0 : i32
      %dma_start3A_92 = tpu.memref_slice %arg4[%add3A_84, %dma_start3A_91] : memref<10240x16xf32, #tpu.memory_space<vmem_shared>> -> memref<128x16xf32, #tpu.memory_space<vmem_shared>>
      tpu.enqueue_dma source(%dma_start3A_92 : memref<128x16xf32, #tpu.memory_space<vmem_shared>>) target(%arg6 : memref<128x16xf32, #tpu.memory_space<vmem>>) target_semaphore(%run_scoped3A : memref<!tpu.dma_semaphore, #tpu.memory_space<semaphore_mem>>)
      %dma_wait3A_93 = arith.constant 0 : i32
      %dma_wait3A_94 = tpu.memref_slice %arg4[%add3A_84, %dma_wait3A_93] : memref<10240x16xf32, #tpu.memory_space<vmem_shared>> -> memref<128x16xf32, #tpu.memory_space<vmem_shared>>
      %dma_wait3A_95 = arith.constant 0 : i32
      %dma_wait3A_96 = tpu.memref_slice %arg4[%add3A_84, %dma_wait3A_95] : memref<10240x16xf32, #tpu.memory_space<vmem_shared>> -> memref<128x16xf32, #tpu.memory_space<vmem_shared>>
      tpu.wait_dma2 semaphore(%run_scoped3A : memref<!tpu.dma_semaphore, #tpu.memory_space<semaphore_mem>>) src(%dma_wait3A_96 : memref<128x16xf32, #tpu.memory_space<vmem_shared>>) dst(%arg6 : memref<128x16xf32, #tpu.memory_space<vmem>>)
      tpu.yield
    }) : () -> ()
    "tpu.region"() ({
      %run_scoped3A = tpu.sem_alloc : memref<!tpu.dma_semaphore, #tpu.memory_space<semaphore_mem>>
      %dma_start3A_89 = arith.constant 0 : i32
      %dma_start3A_90 = tpu.memref_slice %arg3[%arg0, %add3A_84, %dma_start3A_89] : memref<2x10240x16xf32, #tpu.memory_space<hbm>> -> memref<1x128x16xf32, #tpu.memory_space<hbm>>
      %dma_start3A_91 = tpu.memref_squeeze %dma_start3A_90 : memref<1x128x16xf32, #tpu.memory_space<hbm>> -> memref<128x16xf32, #tpu.memory_space<hbm>>
      %dma_start3A_92 = arith.constant 0 : i32
      %dma_start3A_93 = tpu.memref_slice %arg3[%arg0, %add3A_84, %dma_start3A_92] : memref<2x10240x16xf32, #tpu.memory_space<hbm>> -> memref<1x128x16xf32, #tpu.memory_space<hbm>>
      %dma_start3A_94 = tpu.memref_squeeze %dma_start3A_93 : memref<1x128x16xf32, #tpu.memory_space<hbm>> -> memref<128x16xf32, #tpu.memory_space<hbm>>
      tpu.enqueue_dma source(%arg6 : memref<128x16xf32, #tpu.memory_space<vmem>>) target(%dma_start3A_94 : memref<128x16xf32, #tpu.memory_space<hbm>>) target_semaphore(%run_scoped3A : memref<!tpu.dma_semaphore, #tpu.memory_space<semaphore_mem>>)
      %dma_wait3A_95 = arith.constant 0 : i32
      %dma_wait3A_96 = tpu.memref_slice %arg3[%arg0, %add3A_84, %dma_wait3A_95] : memref<2x10240x16xf32, #tpu.memory_space<hbm>> -> memref<1x128x16xf32, #tpu.memory_space<hbm>>
      %dma_wait3A_97 = tpu.memref_squeeze %dma_wait3A_96 : memref<1x128x16xf32, #tpu.memory_space<hbm>> -> memref<128x16xf32, #tpu.memory_space<hbm>>
      %dma_wait3A_98 = arith.constant 0 : i32
      %dma_wait3A_99 = tpu.memref_slice %arg3[%arg0, %add3A_84, %dma_wait3A_98] : memref<2x10240x16xf32, #tpu.memory_space<hbm>> -> memref<1x128x16xf32, #tpu.memory_space<hbm>>
      %dma_wait3A_100 = tpu.memref_squeeze %dma_wait3A_99 : memref<1x128x16xf32, #tpu.memory_space<hbm>> -> memref<128x16xf32, #tpu.memory_space<hbm>>
      tpu.wait_dma2 semaphore(%run_scoped3A : memref<!tpu.dma_semaphore, #tpu.memory_space<semaphore_mem>>) src(%arg6 : memref<128x16xf32, #tpu.memory_space<vmem>>) dst(%dma_wait3A_100 : memref<128x16xf32, #tpu.memory_space<hbm>>)
      tpu.yield
    }) : () -> ()
    %mul3A_85 = arith.constant 640 : i32
    %mul3A_86 = arith.muli %arg1, %mul3A_85 : i32
    %add3A_87 = arith.constant 512 : i32
    %add3A_88 = arith.addi %mul3A_86, %add3A_87 : i32
    "tpu.region"() ({
      %run_scoped3A = tpu.sem_alloc : memref<!tpu.dma_semaphore, #tpu.memory_space<semaphore_mem>>
      %dma_start3A_89 = arith.constant 0 : i32
      %dma_start3A_90 = tpu.memref_slice %arg4[%add3A_88, %dma_start3A_89] : memref<10240x16xf32, #tpu.memory_space<vmem_shared>> -> memref<128x16xf32, #tpu.memory_space<vmem_shared>>
      %dma_start3A_91 = arith.constant 0 : i32
      %dma_start3A_92 = tpu.memref_slice %arg4[%add3A_88, %dma_start3A_91] : memref<10240x16xf32, #tpu.memory_space<vmem_shared>> -> memref<128x16xf32, #tpu.memory_space<vmem_shared>>
      tpu.enqueue_dma source(%dma_start3A_92 : memref<128x16xf32, #tpu.memory_space<vmem_shared>>) target(%arg6 : memref<128x16xf32, #tpu.memory_space<vmem>>) target_semaphore(%run_scoped3A : memref<!tpu.dma_semaphore, #tpu.memory_space<semaphore_mem>>)
      %dma_wait3A_93 = arith.constant 0 : i32
      %dma_wait3A_94 = tpu.memref_slice %arg4[%add3A_88, %dma_wait3A_93] : memref<10240x16xf32, #tpu.memory_space<vmem_shared>> -> memref<128x16xf32, #tpu.memory_space<vmem_shared>>
      %dma_wait3A_95 = arith.constant 0 : i32
      %dma_wait3A_96 = tpu.memref_slice %arg4[%add3A_88, %dma_wait3A_95] : memref<10240x16xf32, #tpu.memory_space<vmem_shared>> -> memref<128x16xf32, #tpu.memory_space<vmem_shared>>
      tpu.wait_dma2 semaphore(%run_scoped3A : memref<!tpu.dma_semaphore, #tpu.memory_space<semaphore_mem>>) src(%dma_wait3A_96 : memref<128x16xf32, #tpu.memory_space<vmem_shared>>) dst(%arg6 : memref<128x16xf32, #tpu.memory_space<vmem>>)
      tpu.yield
    }) : () -> ()
    "tpu.region"() ({
      %run_scoped3A = tpu.sem_alloc : memref<!tpu.dma_semaphore, #tpu.memory_space<semaphore_mem>>
      %dma_start3A_89 = arith.constant 0 : i32
      %dma_start3A_90 = tpu.memref_slice %arg3[%arg0, %add3A_88, %dma_start3A_89] : memref<2x10240x16xf32, #tpu.memory_space<hbm>> -> memref<1x128x16xf32, #tpu.memory_space<hbm>>
      %dma_start3A_91 = tpu.memref_squeeze %dma_start3A_90 : memref<1x128x16xf32, #tpu.memory_space<hbm>> -> memref<128x16xf32, #tpu.memory_space<hbm>>
      %dma_start3A_92 = arith.constant 0 : i32
      %dma_start3A_93 = tpu.memref_slice %arg3[%arg0, %add3A_88, %dma_start3A_92] : memref<2x10240x16xf32, #tpu.memory_space<hbm>> -> memref<1x128x16xf32, #tpu.memory_space<hbm>>
      %dma_start3A_94 = tpu.memref_squeeze %dma_start3A_93 : memref<1x128x16xf32, #tpu.memory_space<hbm>> -> memref<128x16xf32, #tpu.memory_space<hbm>>
      tpu.enqueue_dma source(%arg6 : memref<128x16xf32, #tpu.memory_space<vmem>>) target(%dma_start3A_94 : memref<128x16xf32, #tpu.memory_space<hbm>>) target_semaphore(%run_scoped3A : memref<!tpu.dma_semaphore, #tpu.memory_space<semaphore_mem>>)
      %dma_wait3A_95 = arith.constant 0 : i32
      %dma_wait3A_96 = tpu.memref_slice %arg3[%arg0, %add3A_88, %dma_wait3A_95] : memref<2x10240x16xf32, #tpu.memory_space<hbm>> -> memref<1x128x16xf32, #tpu.memory_space<hbm>>
      %dma_wait3A_97 = tpu.memref_squeeze %dma_wait3A_96 : memref<1x128x16xf32, #tpu.memory_space<hbm>> -> memref<128x16xf32, #tpu.memory_space<hbm>>
      %dma_wait3A_98 = arith.constant 0 : i32
      %dma_wait3A_99 = tpu.memref_slice %arg3[%arg0, %add3A_88, %dma_wait3A_98] : memref<2x10240x16xf32, #tpu.memory_space<hbm>> -> memref<1x128x16xf32, #tpu.memory_space<hbm>>
      %dma_wait3A_100 = tpu.memref_squeeze %dma_wait3A_99 : memref<1x128x16xf32, #tpu.memory_space<hbm>> -> memref<128x16xf32, #tpu.memory_space<hbm>>
      tpu.wait_dma2 semaphore(%run_scoped3A : memref<!tpu.dma_semaphore, #tpu.memory_space<semaphore_mem>>) src(%arg6 : memref<128x16xf32, #tpu.memory_space<vmem>>) dst(%dma_wait3A_100 : memref<128x16xf32, #tpu.memory_space<hbm>>)
      tpu.yield
    }) : () -> ()
    return
  }
}

#map = affine_map<(d0, d1) -> (0, 0)>
#map1 = affine_map<(d0, d1) -> (0)>
#map2 = affine_map<(d0, d1) -> (0, 0, 0)>
module attributes {stable_mosaic.version = 14 : i64} {
  func.func @edge_kernel(%arg0: i32, %arg1: i32, %arg2: memref<10000x128xf32, #tpu.memory_space<hbm>>, %arg3: memref<320000xi32, #tpu.memory_space<hbm>>, %arg4: memref<320000xi32, #tpu.memory_space<hbm>>, %arg5: memref<2x10240x128xf32, #tpu.memory_space<hbm>>, %arg6: memref<10240x128xf32, #tpu.memory_space<vmem_shared>>, %arg7: memref<128x128xf32, #tpu.memory_space<vmem>>, %arg8: memref<128x128xf32, #tpu.memory_space<vmem>>, %arg9: memref<128xi32, #tpu.memory_space<vmem>>, %arg10: memref<128xi32, #tpu.memory_space<vmem>>, %arg11: memref<128xi32, #tpu.memory_space<vmem>>, %arg12: memref<128xi32, #tpu.memory_space<vmem>>, %arg13: memref<16xi32, #tpu.memory_space<vmem>>, %arg14: memref<16xi32, #tpu.memory_space<vmem>>, %arg15: memref<16x128xf32, #tpu.memory_space<vmem>>, %arg16: memref<!tpu.dma_semaphore, #tpu.memory_space<semaphore_mem>>, %arg17: memref<!tpu.dma_semaphore, #tpu.memory_space<semaphore_mem>>, %arg18: memref<!tpu.dma_semaphore, #tpu.memory_space<semaphore_mem>>, %arg19: memref<!tpu.dma_semaphore, #tpu.memory_space<semaphore_mem>>, %arg20: memref<!tpu.dma_semaphore, #tpu.memory_space<semaphore_mem>>, %arg21: memref<!tpu.dma_semaphore, #tpu.memory_space<semaphore_mem>>) attributes {dimension_semantics = [#tpu.dimension_semantics<core_parallel>, #tpu.dimension_semantics<subcore_parallel>], iteration_bounds = array<i64: 2, 16>, scalar_prefetch = 0 : i64, scratch_operands = 16 : i64, tpu.core_type = #tpu.core_type<sc_vector_subcore>, window_params = [{transform_indices = #map}, {transform_indices = #map1}, {transform_indices = #map1}, {transform_indices = #map2}]} {
    %mul3A = arith.constant 16 : i32
    %mul3A_0 = arith.muli %arg0, %mul3A : i32
    %add3A = arith.addi %mul3A_0, %arg1 : i32
    %scan3A = arith.constant 0 : i32
    %scan3A_1 = arith.constant 0 : i32
    %scan3A_2 = arith.constant 1024 : i32
    %scan3A_3 = arith.addi %scan3A_1, %scan3A_2 : i32
    %scan3A_4 = arith.constant 1 : i32
    scf.for %scan3A_107 = %scan3A_1 to %scan3A_3 step %scan3A_4  : i32 {
      %jit3A = arith.constant 8 : i32
      %div3A = arith.divsi %scan3A_107, %jit3A : i32
      %sign3A = arith.constant 0 : i32
      %sign3A_108 = arith.cmpi sgt, %scan3A_107, %sign3A : i32
      %sign3A_109 = arith.extui %sign3A_108 : i1 to i32
      %sign3A_110 = arith.constant 0 : i32
      %sign3A_111 = arith.cmpi slt, %scan3A_107, %sign3A_110 : i32
      %sign3A_112 = arith.extui %sign3A_111 : i1 to i32
      %sign3A_113 = arith.subi %sign3A_109, %sign3A_112 : i32
      %sign3A_114 = arith.constant 0 : i32
      %sign3A_115 = arith.cmpi sgt, %jit3A, %sign3A_114 : i32
      %sign3A_116 = arith.extui %sign3A_115 : i1 to i32
      %sign3A_117 = arith.constant 0 : i32
      %sign3A_118 = arith.cmpi slt, %jit3A, %sign3A_117 : i32
      %sign3A_119 = arith.extui %sign3A_118 : i1 to i32
      %sign3A_120 = arith.subi %sign3A_116, %sign3A_119 : i32
      %ne3A = arith.cmpi ne, %sign3A_113, %sign3A_120 : i32
      %rem3A = arith.remsi %scan3A_107, %jit3A : i32
      %ne3A_121 = arith.constant 0 : i32
      %ne3A_122 = arith.cmpi ne, %rem3A, %ne3A_121 : i32
      %and3A = arith.andi %ne3A, %ne3A_122 : i1
      %sub3A = arith.constant 1 : i32
      %sub3A_123 = arith.subi %div3A, %sub3A : i32
      %select_n3A = arith.select %and3A, %sub3A_123, %div3A : i32
      %jit3A_124 = arith.constant 8 : i32
      %eq3A = arith.constant 0 : i32
      %eq3A_125 = arith.cmpi eq, %jit3A_124, %eq3A : i32
      %jit3A_126 = arith.constant 1 : i32
      %select_n3A_127 = arith.select %eq3A_125, %jit3A_126, %jit3A_124 : i32
      %rem3A_128 = arith.remsi %scan3A_107, %select_n3A_127 : i32
      %ne3A_129 = arith.constant 0 : i32
      %ne3A_130 = arith.cmpi ne, %rem3A_128, %ne3A_129 : i32
      %lt3A = arith.constant 0 : i32
      %lt3A_131 = arith.cmpi slt, %rem3A_128, %lt3A : i32
      %lt3A_132 = arith.constant 0 : i32
      %lt3A_133 = arith.cmpi slt, %select_n3A_127, %lt3A_132 : i32
      %ne3A_134 = arith.xori %lt3A_131, %lt3A_133 : i1
      %and3A_135 = arith.andi %ne3A_134, %ne3A_130 : i1
      %add3A_136 = arith.addi %rem3A_128, %select_n3A_127 : i32
      %select_n3A_137 = arith.select %and3A_135, %add3A_136, %rem3A_128 : i32
      %broadcast_in_dim3A = arith.constant 0.000000e+00 : f32
      %broadcast_in_dim3A_138 = vector.broadcast %broadcast_in_dim3A : f32 to vector<16xf32>
      %mul3A_139 = arith.constant 16 : i32
      %mul3A_140 = arith.muli %select_n3A_137, %mul3A_139 : i32
      %swap3A = arith.index_cast %select_n3A : i32 to index
      %swap3A_141 = arith.index_cast %mul3A_140 : i32 to index
      %swap3A_142 = tpu.vector_load %arg7[%swap3A, %swap3A_141] {strides = array<i32>} : memref<128x128xf32, #tpu.memory_space<vmem>>, vector<1x16xf32>,
      %swap3A_143 = vector.shape_cast %swap3A_142 : vector<1x16xf32> to vector<16xf32>
      %swap3A_144 = vector.shape_cast %broadcast_in_dim3A_138 : vector<16xf32> to vector<1x16xf32>
      tpu.vector_store %arg7[%swap3A, %swap3A_141], %swap3A_144 {strides = array<i32>} : memref<128x128xf32, #tpu.memory_space<vmem>>, vector<1x16xf32>,
    }
    %scan3A_5 = arith.constant 1024 : i32
    %mul3A_6 = arith.constant 640 : i32
    %mul3A_7 = arith.muli %arg1, %mul3A_6 : i32
    %add3A_8 = arith.constant 0 : i32
    %add3A_9 = arith.addi %mul3A_7, %add3A_8 : i32
    "tpu.region"() ({
      %run_scoped3A = tpu.sem_alloc : memref<!tpu.dma_semaphore, #tpu.memory_space<semaphore_mem>>
      %dma_start3A_107 = arith.constant 0 : i32
      %dma_start3A_108 = tpu.memref_slice %arg6[%add3A_9, %dma_start3A_107] : memref<10240x128xf32, #tpu.memory_space<vmem_shared>> -> memref<128x128xf32, #tpu.memory_space<vmem_shared>>
      %dma_start3A_109 = arith.constant 0 : i32
      %dma_start3A_110 = tpu.memref_slice %arg6[%add3A_9, %dma_start3A_109] : memref<10240x128xf32, #tpu.memory_space<vmem_shared>> -> memref<128x128xf32, #tpu.memory_space<vmem_shared>>
      tpu.enqueue_dma source(%arg7 : memref<128x128xf32, #tpu.memory_space<vmem>>) target(%dma_start3A_110 : memref<128x128xf32, #tpu.memory_space<vmem_shared>>) target_semaphore(%run_scoped3A : memref<!tpu.dma_semaphore, #tpu.memory_space<semaphore_mem>>)
      %dma_wait3A_111 = arith.constant 0 : i32
      %dma_wait3A_112 = tpu.memref_slice %arg6[%add3A_9, %dma_wait3A_111] : memref<10240x128xf32, #tpu.memory_space<vmem_shared>> -> memref<128x128xf32, #tpu.memory_space<vmem_shared>>
      %dma_wait3A_113 = arith.constant 0 : i32
      %dma_wait3A_114 = tpu.memref_slice %arg6[%add3A_9, %dma_wait3A_113] : memref<10240x128xf32, #tpu.memory_space<vmem_shared>> -> memref<128x128xf32, #tpu.memory_space<vmem_shared>>
      tpu.wait_dma2 semaphore(%run_scoped3A : memref<!tpu.dma_semaphore, #tpu.memory_space<semaphore_mem>>) src(%arg7 : memref<128x128xf32, #tpu.memory_space<vmem>>) dst(%dma_wait3A_114 : memref<128x128xf32, #tpu.memory_space<vmem_shared>>)
      tpu.yield
    }) : () -> ()
    %mul3A_10 = arith.constant 640 : i32
    %mul3A_11 = arith.muli %arg1, %mul3A_10 : i32
    %add3A_12 = arith.constant 128 : i32
    %add3A_13 = arith.addi %mul3A_11, %add3A_12 : i32
    "tpu.region"() ({
      %run_scoped3A = tpu.sem_alloc : memref<!tpu.dma_semaphore, #tpu.memory_space<semaphore_mem>>
      %dma_start3A_107 = arith.constant 0 : i32
      %dma_start3A_108 = tpu.memref_slice %arg6[%add3A_13, %dma_start3A_107] : memref<10240x128xf32, #tpu.memory_space<vmem_shared>> -> memref<128x128xf32, #tpu.memory_space<vmem_shared>>
      %dma_start3A_109 = arith.constant 0 : i32
      %dma_start3A_110 = tpu.memref_slice %arg6[%add3A_13, %dma_start3A_109] : memref<10240x128xf32, #tpu.memory_space<vmem_shared>> -> memref<128x128xf32, #tpu.memory_space<vmem_shared>>
      tpu.enqueue_dma source(%arg7 : memref<128x128xf32, #tpu.memory_space<vmem>>) target(%dma_start3A_110 : memref<128x128xf32, #tpu.memory_space<vmem_shared>>) target_semaphore(%run_scoped3A : memref<!tpu.dma_semaphore, #tpu.memory_space<semaphore_mem>>)
      %dma_wait3A_111 = arith.constant 0 : i32
      %dma_wait3A_112 = tpu.memref_slice %arg6[%add3A_13, %dma_wait3A_111] : memref<10240x128xf32, #tpu.memory_space<vmem_shared>> -> memref<128x128xf32, #tpu.memory_space<vmem_shared>>
      %dma_wait3A_113 = arith.constant 0 : i32
      %dma_wait3A_114 = tpu.memref_slice %arg6[%add3A_13, %dma_wait3A_113] : memref<10240x128xf32, #tpu.memory_space<vmem_shared>> -> memref<128x128xf32, #tpu.memory_space<vmem_shared>>
      tpu.wait_dma2 semaphore(%run_scoped3A : memref<!tpu.dma_semaphore, #tpu.memory_space<semaphore_mem>>) src(%arg7 : memref<128x128xf32, #tpu.memory_space<vmem>>) dst(%dma_wait3A_114 : memref<128x128xf32, #tpu.memory_space<vmem_shared>>)
      tpu.yield
    }) : () -> ()
    %mul3A_14 = arith.constant 640 : i32
    %mul3A_15 = arith.muli %arg1, %mul3A_14 : i32
    %add3A_16 = arith.constant 256 : i32
    %add3A_17 = arith.addi %mul3A_15, %add3A_16 : i32
    "tpu.region"() ({
      %run_scoped3A = tpu.sem_alloc : memref<!tpu.dma_semaphore, #tpu.memory_space<semaphore_mem>>
      %dma_start3A_107 = arith.constant 0 : i32
      %dma_start3A_108 = tpu.memref_slice %arg6[%add3A_17, %dma_start3A_107] : memref<10240x128xf32, #tpu.memory_space<vmem_shared>> -> memref<128x128xf32, #tpu.memory_space<vmem_shared>>
      %dma_start3A_109 = arith.constant 0 : i32
      %dma_start3A_110 = tpu.memref_slice %arg6[%add3A_17, %dma_start3A_109] : memref<10240x128xf32, #tpu.memory_space<vmem_shared>> -> memref<128x128xf32, #tpu.memory_space<vmem_shared>>
      tpu.enqueue_dma source(%arg7 : memref<128x128xf32, #tpu.memory_space<vmem>>) target(%dma_start3A_110 : memref<128x128xf32, #tpu.memory_space<vmem_shared>>) target_semaphore(%run_scoped3A : memref<!tpu.dma_semaphore, #tpu.memory_space<semaphore_mem>>)
      %dma_wait3A_111 = arith.constant 0 : i32
      %dma_wait3A_112 = tpu.memref_slice %arg6[%add3A_17, %dma_wait3A_111] : memref<10240x128xf32, #tpu.memory_space<vmem_shared>> -> memref<128x128xf32, #tpu.memory_space<vmem_shared>>
      %dma_wait3A_113 = arith.constant 0 : i32
      %dma_wait3A_114 = tpu.memref_slice %arg6[%add3A_17, %dma_wait3A_113] : memref<10240x128xf32, #tpu.memory_space<vmem_shared>> -> memref<128x128xf32, #tpu.memory_space<vmem_shared>>
      tpu.wait_dma2 semaphore(%run_scoped3A : memref<!tpu.dma_semaphore, #tpu.memory_space<semaphore_mem>>) src(%arg7 : memref<128x128xf32, #tpu.memory_space<vmem>>) dst(%dma_wait3A_114 : memref<128x128xf32, #tpu.memory_space<vmem_shared>>)
      tpu.yield
    }) : () -> ()
    %mul3A_18 = arith.constant 640 : i32
    %mul3A_19 = arith.muli %arg1, %mul3A_18 : i32
    %add3A_20 = arith.constant 384 : i32
    %add3A_21 = arith.addi %mul3A_19, %add3A_20 : i32
    "tpu.region"() ({
      %run_scoped3A = tpu.sem_alloc : memref<!tpu.dma_semaphore, #tpu.memory_space<semaphore_mem>>
      %dma_start3A_107 = arith.constant 0 : i32
      %dma_start3A_108 = tpu.memref_slice %arg6[%add3A_21, %dma_start3A_107] : memref<10240x128xf32, #tpu.memory_space<vmem_shared>> -> memref<128x128xf32, #tpu.memory_space<vmem_shared>>
      %dma_start3A_109 = arith.constant 0 : i32
      %dma_start3A_110 = tpu.memref_slice %arg6[%add3A_21, %dma_start3A_109] : memref<10240x128xf32, #tpu.memory_space<vmem_shared>> -> memref<128x128xf32, #tpu.memory_space<vmem_shared>>
      tpu.enqueue_dma source(%arg7 : memref<128x128xf32, #tpu.memory_space<vmem>>) target(%dma_start3A_110 : memref<128x128xf32, #tpu.memory_space<vmem_shared>>) target_semaphore(%run_scoped3A : memref<!tpu.dma_semaphore, #tpu.memory_space<semaphore_mem>>)
      %dma_wait3A_111 = arith.constant 0 : i32
      %dma_wait3A_112 = tpu.memref_slice %arg6[%add3A_21, %dma_wait3A_111] : memref<10240x128xf32, #tpu.memory_space<vmem_shared>> -> memref<128x128xf32, #tpu.memory_space<vmem_shared>>
      %dma_wait3A_113 = arith.constant 0 : i32
      %dma_wait3A_114 = tpu.memref_slice %arg6[%add3A_21, %dma_wait3A_113] : memref<10240x128xf32, #tpu.memory_space<vmem_shared>> -> memref<128x128xf32, #tpu.memory_space<vmem_shared>>
      tpu.wait_dma2 semaphore(%run_scoped3A : memref<!tpu.dma_semaphore, #tpu.memory_space<semaphore_mem>>) src(%arg7 : memref<128x128xf32, #tpu.memory_space<vmem>>) dst(%dma_wait3A_114 : memref<128x128xf32, #tpu.memory_space<vmem_shared>>)
      tpu.yield
    }) : () -> ()
    %mul3A_22 = arith.constant 640 : i32
    %mul3A_23 = arith.muli %arg1, %mul3A_22 : i32
    %add3A_24 = arith.constant 512 : i32
    %add3A_25 = arith.addi %mul3A_23, %add3A_24 : i32
    "tpu.region"() ({
      %run_scoped3A = tpu.sem_alloc : memref<!tpu.dma_semaphore, #tpu.memory_space<semaphore_mem>>
      %dma_start3A_107 = arith.constant 0 : i32
      %dma_start3A_108 = tpu.memref_slice %arg6[%add3A_25, %dma_start3A_107] : memref<10240x128xf32, #tpu.memory_space<vmem_shared>> -> memref<128x128xf32, #tpu.memory_space<vmem_shared>>
      %dma_start3A_109 = arith.constant 0 : i32
      %dma_start3A_110 = tpu.memref_slice %arg6[%add3A_25, %dma_start3A_109] : memref<10240x128xf32, #tpu.memory_space<vmem_shared>> -> memref<128x128xf32, #tpu.memory_space<vmem_shared>>
      tpu.enqueue_dma source(%arg7 : memref<128x128xf32, #tpu.memory_space<vmem>>) target(%dma_start3A_110 : memref<128x128xf32, #tpu.memory_space<vmem_shared>>) target_semaphore(%run_scoped3A : memref<!tpu.dma_semaphore, #tpu.memory_space<semaphore_mem>>)
      %dma_wait3A_111 = arith.constant 0 : i32
      %dma_wait3A_112 = tpu.memref_slice %arg6[%add3A_25, %dma_wait3A_111] : memref<10240x128xf32, #tpu.memory_space<vmem_shared>> -> memref<128x128xf32, #tpu.memory_space<vmem_shared>>
      %dma_wait3A_113 = arith.constant 0 : i32
      %dma_wait3A_114 = tpu.memref_slice %arg6[%add3A_25, %dma_wait3A_113] : memref<10240x128xf32, #tpu.memory_space<vmem_shared>> -> memref<128x128xf32, #tpu.memory_space<vmem_shared>>
      tpu.wait_dma2 semaphore(%run_scoped3A : memref<!tpu.dma_semaphore, #tpu.memory_space<semaphore_mem>>) src(%arg7 : memref<128x128xf32, #tpu.memory_space<vmem>>) dst(%dma_wait3A_114 : memref<128x128xf32, #tpu.memory_space<vmem_shared>>)
      tpu.yield
    }) : () -> ()
    %barrier3A = arith.constant 0 : index
    tpu.barrier barrier_id(%barrier3A)
    %mul3A_26 = arith.constant 10000 : i32
    %mul3A_27 = arith.muli %add3A, %mul3A_26 : i32
    %add3A_28 = arith.constant 0 : i32
    %add3A_29 = arith.addi %mul3A_27, %add3A_28 : i32
    %dma_start3A = tpu.memref_slice %arg3[%add3A_29] : memref<320000xi32, #tpu.memory_space<hbm>> -> memref<128xi32, #tpu.memory_space<hbm>>
    %dma_start3A_30 = tpu.memref_slice %arg3[%add3A_29] : memref<320000xi32, #tpu.memory_space<hbm>> -> memref<128xi32, #tpu.memory_space<hbm>>
    tpu.enqueue_dma source(%dma_start3A_30 : memref<128xi32, #tpu.memory_space<hbm>>) target(%arg9 : memref<128xi32, #tpu.memory_space<vmem>>) target_semaphore(%arg18 : memref<!tpu.dma_semaphore, #tpu.memory_space<semaphore_mem>>)
    %add3A_31 = arith.constant 0 : i32
    %add3A_32 = arith.addi %mul3A_27, %add3A_31 : i32
    %dma_start3A_33 = tpu.memref_slice %arg4[%add3A_32] : memref<320000xi32, #tpu.memory_space<hbm>> -> memref<128xi32, #tpu.memory_space<hbm>>
    %dma_start3A_34 = tpu.memref_slice %arg4[%add3A_32] : memref<320000xi32, #tpu.memory_space<hbm>> -> memref<128xi32, #tpu.memory_space<hbm>>
    tpu.enqueue_dma source(%dma_start3A_34 : memref<128xi32, #tpu.memory_space<hbm>>) target(%arg11 : memref<128xi32, #tpu.memory_space<vmem>>) target_semaphore(%arg18 : memref<!tpu.dma_semaphore, #tpu.memory_space<semaphore_mem>>)
    %add3A_35 = arith.constant 128 : i32
    %add3A_36 = arith.addi %mul3A_27, %add3A_35 : i32
    %dma_start3A_37 = tpu.memref_slice %arg3[%add3A_36] : memref<320000xi32, #tpu.memory_space<hbm>> -> memref<128xi32, #tpu.memory_space<hbm>>
    %dma_start3A_38 = tpu.memref_slice %arg3[%add3A_36] : memref<320000xi32, #tpu.memory_space<hbm>> -> memref<128xi32, #tpu.memory_space<hbm>>
    tpu.enqueue_dma source(%dma_start3A_38 : memref<128xi32, #tpu.memory_space<hbm>>) target(%arg10 : memref<128xi32, #tpu.memory_space<vmem>>) target_semaphore(%arg19 : memref<!tpu.dma_semaphore, #tpu.memory_space<semaphore_mem>>)
    %add3A_39 = arith.constant 128 : i32
    %add3A_40 = arith.addi %mul3A_27, %add3A_39 : i32
    %dma_start3A_41 = tpu.memref_slice %arg4[%add3A_40] : memref<320000xi32, #tpu.memory_space<hbm>> -> memref<128xi32, #tpu.memory_space<hbm>>
    %dma_start3A_42 = tpu.memref_slice %arg4[%add3A_40] : memref<320000xi32, #tpu.memory_space<hbm>> -> memref<128xi32, #tpu.memory_space<hbm>>
    tpu.enqueue_dma source(%dma_start3A_42 : memref<128xi32, #tpu.memory_space<hbm>>) target(%arg12 : memref<128xi32, #tpu.memory_space<vmem>>) target_semaphore(%arg19 : memref<!tpu.dma_semaphore, #tpu.memory_space<semaphore_mem>>)
    %add3A_43 = arith.constant 0 : i32
    %add3A_44 = arith.addi %mul3A_27, %add3A_43 : i32
    %dma_wait3A = tpu.memref_slice %arg3[%add3A_44] : memref<320000xi32, #tpu.memory_space<hbm>> -> memref<128xi32, #tpu.memory_space<hbm>>
    %dma_wait3A_45 = tpu.memref_slice %arg3[%add3A_44] : memref<320000xi32, #tpu.memory_space<hbm>> -> memref<128xi32, #tpu.memory_space<hbm>>
    tpu.wait_dma2 semaphore(%arg18 : memref<!tpu.dma_semaphore, #tpu.memory_space<semaphore_mem>>) src(%dma_wait3A_45 : memref<128xi32, #tpu.memory_space<hbm>>) dst(%arg9 : memref<128xi32, #tpu.memory_space<vmem>>)
    %add3A_46 = arith.constant 0 : i32
    %add3A_47 = arith.addi %mul3A_27, %add3A_46 : i32
    %dma_wait3A_48 = tpu.memref_slice %arg4[%add3A_47] : memref<320000xi32, #tpu.memory_space<hbm>> -> memref<128xi32, #tpu.memory_space<hbm>>
    %dma_wait3A_49 = tpu.memref_slice %arg4[%add3A_47] : memref<320000xi32, #tpu.memory_space<hbm>> -> memref<128xi32, #tpu.memory_space<hbm>>
    tpu.wait_dma2 semaphore(%arg18 : memref<!tpu.dma_semaphore, #tpu.memory_space<semaphore_mem>>) src(%dma_wait3A_49 : memref<128xi32, #tpu.memory_space<hbm>>) dst(%arg11 : memref<128xi32, #tpu.memory_space<vmem>>)
    %dma_start3A_50 = arith.constant 0 : i32
    %dma_start3A_51 = arith.constant 0 : i32
    %dma_start3A_52 = tpu.memref_slice %arg2[%dma_start3A_50, %dma_start3A_51] : memref<10000x128xf32, #tpu.memory_space<hbm>> -> memref<10000x128xf32, #tpu.memory_space<hbm>>
    tpu.enqueue_indirect_dma source(%dma_start3A_52 : memref<10000x128xf32, #tpu.memory_space<hbm>>) target(%arg7 : memref<128x128xf32, #tpu.memory_space<vmem>>) offsets(%arg9 : memref<128xi32, #tpu.memory_space<vmem>>) semaphore(%arg16 : memref<!tpu.dma_semaphore, #tpu.memory_space<semaphore_mem>>)
    %scan3A_53 = arith.constant 0 : i32
    %scan3A_54 = arith.constant 0 : i32
    %scan3A_55 = arith.constant 38 : i32
    %scan3A_56 = arith.addi %scan3A_54, %scan3A_55 : i32
    %scan3A_57 = arith.constant 1 : i32
    scf.for %scan3A_107 = %scan3A_54 to %scan3A_56 step %scan3A_57  : i32 {
      %mul3A_108 = arith.constant 2 : i32
      %mul3A_109 = arith.muli %mul3A_108, %scan3A_107 : i32
      %add3A_110 = arith.constant 1 : i32
      %add3A_111 = arith.addi %mul3A_109, %add3A_110 : i32
      %mul3A_112 = arith.constant 128 : i32
      %mul3A_113 = arith.muli %add3A_111, %mul3A_112 : i32
      %add3A_114 = arith.addi %mul3A_27, %mul3A_113 : i32
      %dma_wait3A_115 = tpu.memref_slice %arg3[%add3A_114] : memref<320000xi32, #tpu.memory_space<hbm>> -> memref<128xi32, #tpu.memory_space<hbm>>
      %dma_wait3A_116 = tpu.memref_slice %arg3[%add3A_114] : memref<320000xi32, #tpu.memory_space<hbm>> -> memref<128xi32, #tpu.memory_space<hbm>>
      tpu.wait_dma2 semaphore(%arg19 : memref<!tpu.dma_semaphore, #tpu.memory_space<semaphore_mem>>) src(%dma_wait3A_116 : memref<128xi32, #tpu.memory_space<hbm>>) dst(%arg10 : memref<128xi32, #tpu.memory_space<vmem>>)
      %mul3A_117 = arith.constant 128 : i32
      %mul3A_118 = arith.muli %add3A_111, %mul3A_117 : i32
      %add3A_119 = arith.addi %mul3A_27, %mul3A_118 : i32
      %dma_wait3A_120 = tpu.memref_slice %arg4[%add3A_119] : memref<320000xi32, #tpu.memory_space<hbm>> -> memref<128xi32, #tpu.memory_space<hbm>>
      %dma_wait3A_121 = tpu.memref_slice %arg4[%add3A_119] : memref<320000xi32, #tpu.memory_space<hbm>> -> memref<128xi32, #tpu.memory_space<hbm>>
      tpu.wait_dma2 semaphore(%arg19 : memref<!tpu.dma_semaphore, #tpu.memory_space<semaphore_mem>>) src(%dma_wait3A_121 : memref<128xi32, #tpu.memory_space<hbm>>) dst(%arg12 : memref<128xi32, #tpu.memory_space<vmem>>)
      %dma_start3A_122 = arith.constant 0 : i32
      %dma_start3A_123 = arith.constant 0 : i32
      %dma_start3A_124 = tpu.memref_slice %arg2[%dma_start3A_122, %dma_start3A_123] : memref<10000x128xf32, #tpu.memory_space<hbm>> -> memref<10000x128xf32, #tpu.memory_space<hbm>>
      tpu.enqueue_indirect_dma source(%dma_start3A_124 : memref<10000x128xf32, #tpu.memory_space<hbm>>) target(%arg8 : memref<128x128xf32, #tpu.memory_space<vmem>>) offsets(%arg10 : memref<128xi32, #tpu.memory_space<vmem>>) semaphore(%arg17 : memref<!tpu.dma_semaphore, #tpu.memory_space<semaphore_mem>>)
      %dma_wait3A_125 = arith.constant 0 : i32
      %dma_wait3A_126 = arith.constant 0 : i32
      %dma_wait3A_127 = tpu.memref_slice %arg2[%dma_wait3A_125, %dma_wait3A_126] : memref<10000x128xf32, #tpu.memory_space<hbm>> -> memref<10000x128xf32, #tpu.memory_space<hbm>>
      tpu.wait_indirect_dma semaphore(%arg16 : memref<!tpu.dma_semaphore, #tpu.memory_space<semaphore_mem>>) src(%dma_wait3A_127 : memref<10000x128xf32, #tpu.memory_space<hbm>>) dst(%arg7 : memref<128x128xf32, #tpu.memory_space<vmem>>)
      "tpu.region"() ({
        %run_scoped3A = tpu.sem_alloc : memref<!tpu.dma_semaphore, #tpu.memory_space<semaphore_mem>>
        %dma_start3A_176 = arith.constant 0 : i32
        %dma_start3A_177 = arith.constant 0 : i32
        %dma_start3A_178 = tpu.memref_slice %arg6[%dma_start3A_176, %dma_start3A_177] : memref<10240x128xf32, #tpu.memory_space<vmem_shared>> -> memref<10240x128xf32, #tpu.memory_space<vmem_shared>>
        tpu.enqueue_indirect_dma source(%arg7 : memref<128x128xf32, #tpu.memory_space<vmem>>) target(%dma_start3A_178 : memref<10240x128xf32, #tpu.memory_space<vmem_shared>>) offsets(%arg11 : memref<128xi32, #tpu.memory_space<vmem>>) semaphore(%run_scoped3A : memref<!tpu.dma_semaphore, #tpu.memory_space<semaphore_mem>>) {add = true}
        %dma_wait3A_179 = arith.constant 0 : i32
        %dma_wait3A_180 = arith.constant 0 : i32
        %dma_wait3A_181 = tpu.memref_slice %arg6[%dma_wait3A_179, %dma_wait3A_180] : memref<10240x128xf32, #tpu.memory_space<vmem_shared>> -> memref<10240x128xf32, #tpu.memory_space<vmem_shared>>
        tpu.wait_indirect_dma semaphore(%run_scoped3A : memref<!tpu.dma_semaphore, #tpu.memory_space<semaphore_mem>>) src(%arg7 : memref<128x128xf32, #tpu.memory_space<vmem>>) dst(%dma_wait3A_181 : memref<10240x128xf32, #tpu.memory_space<vmem_shared>>)
        tpu.yield
      }) : () -> ()
      %mul3A_128 = arith.constant 2 : i32
      %mul3A_129 = arith.muli %mul3A_128, %scan3A_107 : i32
      %add3A_130 = arith.constant 2 : i32
      %add3A_131 = arith.addi %mul3A_129, %add3A_130 : i32
      %mul3A_132 = arith.constant 128 : i32
      %mul3A_133 = arith.muli %add3A_131, %mul3A_132 : i32
      %add3A_134 = arith.addi %mul3A_27, %mul3A_133 : i32
      %dma_start3A_135 = tpu.memref_slice %arg3[%add3A_134] : memref<320000xi32, #tpu.memory_space<hbm>> -> memref<128xi32, #tpu.memory_space<hbm>>
      %dma_start3A_136 = tpu.memref_slice %arg3[%add3A_134] : memref<320000xi32, #tpu.memory_space<hbm>> -> memref<128xi32, #tpu.memory_space<hbm>>
      tpu.enqueue_dma source(%dma_start3A_136 : memref<128xi32, #tpu.memory_space<hbm>>) target(%arg9 : memref<128xi32, #tpu.memory_space<vmem>>) target_semaphore(%arg18 : memref<!tpu.dma_semaphore, #tpu.memory_space<semaphore_mem>>)
      %mul3A_137 = arith.constant 128 : i32
      %mul3A_138 = arith.muli %add3A_131, %mul3A_137 : i32
      %add3A_139 = arith.addi %mul3A_27, %mul3A_138 : i32
      %dma_start3A_140 = tpu.memref_slice %arg4[%add3A_139] : memref<320000xi32, #tpu.memory_space<hbm>> -> memref<128xi32, #tpu.memory_space<hbm>>
      %dma_start3A_141 = tpu.memref_slice %arg4[%add3A_139] : memref<320000xi32, #tpu.memory_space<hbm>> -> memref<128xi32, #tpu.memory_space<hbm>>
      tpu.enqueue_dma source(%dma_start3A_141 : memref<128xi32, #tpu.memory_space<hbm>>) target(%arg11 : memref<128xi32, #tpu.memory_space<vmem>>) target_semaphore(%arg18 : memref<!tpu.dma_semaphore, #tpu.memory_space<semaphore_mem>>)
      %dma_wait3A_142 = arith.constant 0 : i32
      %dma_wait3A_143 = arith.constant 0 : i32
      %dma_wait3A_144 = tpu.memref_slice %arg2[%dma_wait3A_142, %dma_wait3A_143] : memref<10000x128xf32, #tpu.memory_space<hbm>> -> memref<10000x128xf32, #tpu.memory_space<hbm>>
      tpu.wait_indirect_dma semaphore(%arg17 : memref<!tpu.dma_semaphore, #tpu.memory_space<semaphore_mem>>) src(%dma_wait3A_144 : memref<10000x128xf32, #tpu.memory_space<hbm>>) dst(%arg8 : memref<128x128xf32, #tpu.memory_space<vmem>>)
      "tpu.region"() ({
        %run_scoped3A = tpu.sem_alloc : memref<!tpu.dma_semaphore, #tpu.memory_space<semaphore_mem>>
        %dma_start3A_176 = arith.constant 0 : i32
        %dma_start3A_177 = arith.constant 0 : i32
        %dma_start3A_178 = tpu.memref_slice %arg6[%dma_start3A_176, %dma_start3A_177] : memref<10240x128xf32, #tpu.memory_space<vmem_shared>> -> memref<10240x128xf32, #tpu.memory_space<vmem_shared>>
        tpu.enqueue_indirect_dma source(%arg8 : memref<128x128xf32, #tpu.memory_space<vmem>>) target(%dma_start3A_178 : memref<10240x128xf32, #tpu.memory_space<vmem_shared>>) offsets(%arg12 : memref<128xi32, #tpu.memory_space<vmem>>) semaphore(%run_scoped3A : memref<!tpu.dma_semaphore, #tpu.memory_space<semaphore_mem>>) {add = true}
        %dma_wait3A_179 = arith.constant 0 : i32
        %dma_wait3A_180 = arith.constant 0 : i32
        %dma_wait3A_181 = tpu.memref_slice %arg6[%dma_wait3A_179, %dma_wait3A_180] : memref<10240x128xf32, #tpu.memory_space<vmem_shared>> -> memref<10240x128xf32, #tpu.memory_space<vmem_shared>>
        tpu.wait_indirect_dma semaphore(%run_scoped3A : memref<!tpu.dma_semaphore, #tpu.memory_space<semaphore_mem>>) src(%arg8 : memref<128x128xf32, #tpu.memory_space<vmem>>) dst(%dma_wait3A_181 : memref<10240x128xf32, #tpu.memory_space<vmem_shared>>)
        tpu.yield
      }) : () -> ()
      %mul3A_145 = arith.constant 2 : i32
      %mul3A_146 = arith.muli %mul3A_145, %scan3A_107 : i32
      %add3A_147 = arith.constant 2 : i32
      %add3A_148 = arith.addi %mul3A_146, %add3A_147 : i32
      %mul3A_149 = arith.constant 128 : i32
      %mul3A_150 = arith.muli %add3A_148, %mul3A_149 : i32
      %add3A_151 = arith.addi %mul3A_27, %mul3A_150 : i32
      %dma_wait3A_152 = tpu.memref_slice %arg3[%add3A_151] : memref<320000xi32, #tpu.memory_space<hbm>> -> memref<128xi32, #tpu.memory_space<hbm>>
      %dma_wait3A_153 = tpu.memref_slice %arg3[%add3A_151] : memref<320000xi32, #tpu.memory_space<hbm>> -> memref<128xi32, #tpu.memory_space<hbm>>
      tpu.wait_dma2 semaphore(%arg18 : memref<!tpu.dma_semaphore, #tpu.memory_space<semaphore_mem>>) src(%dma_wait3A_153 : memref<128xi32, #tpu.memory_space<hbm>>) dst(%arg9 : memref<128xi32, #tpu.memory_space<vmem>>)
      %mul3A_154 = arith.constant 128 : i32
      %mul3A_155 = arith.muli %add3A_148, %mul3A_154 : i32
      %add3A_156 = arith.addi %mul3A_27, %mul3A_155 : i32
      %dma_wait3A_157 = tpu.memref_slice %arg4[%add3A_156] : memref<320000xi32, #tpu.memory_space<hbm>> -> memref<128xi32, #tpu.memory_space<hbm>>
      %dma_wait3A_158 = tpu.memref_slice %arg4[%add3A_156] : memref<320000xi32, #tpu.memory_space<hbm>> -> memref<128xi32, #tpu.memory_space<hbm>>
      tpu.wait_dma2 semaphore(%arg18 : memref<!tpu.dma_semaphore, #tpu.memory_space<semaphore_mem>>) src(%dma_wait3A_158 : memref<128xi32, #tpu.memory_space<hbm>>) dst(%arg11 : memref<128xi32, #tpu.memory_space<vmem>>)
      %dma_start3A_159 = arith.constant 0 : i32
      %dma_start3A_160 = arith.constant 0 : i32
      %dma_start3A_161 = tpu.memref_slice %arg2[%dma_start3A_159, %dma_start3A_160] : memref<10000x128xf32, #tpu.memory_space<hbm>> -> memref<10000x128xf32, #tpu.memory_space<hbm>>
      tpu.enqueue_indirect_dma source(%dma_start3A_161 : memref<10000x128xf32, #tpu.memory_space<hbm>>) target(%arg7 : memref<128x128xf32, #tpu.memory_space<vmem>>) offsets(%arg9 : memref<128xi32, #tpu.memory_space<vmem>>) semaphore(%arg16 : memref<!tpu.dma_semaphore, #tpu.memory_space<semaphore_mem>>)
      %mul3A_162 = arith.constant 2 : i32
      %mul3A_163 = arith.muli %mul3A_162, %scan3A_107 : i32
      %add3A_164 = arith.constant 3 : i32
      %add3A_165 = arith.addi %mul3A_163, %add3A_164 : i32
      %mul3A_166 = arith.constant 128 : i32
      %mul3A_167 = arith.muli %add3A_165, %mul3A_166 : i32
      %add3A_168 = arith.addi %mul3A_27, %mul3A_167 : i32
      %dma_start3A_169 = tpu.memref_slice %arg3[%add3A_168] : memref<320000xi32, #tpu.memory_space<hbm>> -> memref<128xi32, #tpu.memory_space<hbm>>
      %dma_start3A_170 = tpu.memref_slice %arg3[%add3A_168] : memref<320000xi32, #tpu.memory_space<hbm>> -> memref<128xi32, #tpu.memory_space<hbm>>
      tpu.enqueue_dma source(%dma_start3A_170 : memref<128xi32, #tpu.memory_space<hbm>>) target(%arg10 : memref<128xi32, #tpu.memory_space<vmem>>) target_semaphore(%arg19 : memref<!tpu.dma_semaphore, #tpu.memory_space<semaphore_mem>>)
      %mul3A_171 = arith.constant 128 : i32
      %mul3A_172 = arith.muli %add3A_165, %mul3A_171 : i32
      %add3A_173 = arith.addi %mul3A_27, %mul3A_172 : i32
      %dma_start3A_174 = tpu.memref_slice %arg4[%add3A_173] : memref<320000xi32, #tpu.memory_space<hbm>> -> memref<128xi32, #tpu.memory_space<hbm>>
      %dma_start3A_175 = tpu.memref_slice %arg4[%add3A_173] : memref<320000xi32, #tpu.memory_space<hbm>> -> memref<128xi32, #tpu.memory_space<hbm>>
      tpu.enqueue_dma source(%dma_start3A_175 : memref<128xi32, #tpu.memory_space<hbm>>) target(%arg12 : memref<128xi32, #tpu.memory_space<vmem>>) target_semaphore(%arg19 : memref<!tpu.dma_semaphore, #tpu.memory_space<semaphore_mem>>)
    }
    %scan3A_58 = arith.constant 38 : i32
    %add3A_59 = arith.constant 9856 : i32
    %add3A_60 = arith.addi %mul3A_27, %add3A_59 : i32
    %dma_wait3A_61 = tpu.memref_slice %arg3[%add3A_60] : memref<320000xi32, #tpu.memory_space<hbm>> -> memref<128xi32, #tpu.memory_space<hbm>>
    %dma_wait3A_62 = tpu.memref_slice %arg3[%add3A_60] : memref<320000xi32, #tpu.memory_space<hbm>> -> memref<128xi32, #tpu.memory_space<hbm>>
    tpu.wait_dma2 semaphore(%arg19 : memref<!tpu.dma_semaphore, #tpu.memory_space<semaphore_mem>>) src(%dma_wait3A_62 : memref<128xi32, #tpu.memory_space<hbm>>) dst(%arg10 : memref<128xi32, #tpu.memory_space<vmem>>)
    %add3A_63 = arith.constant 9856 : i32
    %add3A_64 = arith.addi %mul3A_27, %add3A_63 : i32
    %dma_wait3A_65 = tpu.memref_slice %arg4[%add3A_64] : memref<320000xi32, #tpu.memory_space<hbm>> -> memref<128xi32, #tpu.memory_space<hbm>>
    %dma_wait3A_66 = tpu.memref_slice %arg4[%add3A_64] : memref<320000xi32, #tpu.memory_space<hbm>> -> memref<128xi32, #tpu.memory_space<hbm>>
    tpu.wait_dma2 semaphore(%arg19 : memref<!tpu.dma_semaphore, #tpu.memory_space<semaphore_mem>>) src(%dma_wait3A_66 : memref<128xi32, #tpu.memory_space<hbm>>) dst(%arg12 : memref<128xi32, #tpu.memory_space<vmem>>)
    %dma_start3A_67 = arith.constant 0 : i32
    %dma_start3A_68 = arith.constant 0 : i32
    %dma_start3A_69 = tpu.memref_slice %arg2[%dma_start3A_67, %dma_start3A_68] : memref<10000x128xf32, #tpu.memory_space<hbm>> -> memref<10000x128xf32, #tpu.memory_space<hbm>>
    tpu.enqueue_indirect_dma source(%dma_start3A_69 : memref<10000x128xf32, #tpu.memory_space<hbm>>) target(%arg8 : memref<128x128xf32, #tpu.memory_space<vmem>>) offsets(%arg10 : memref<128xi32, #tpu.memory_space<vmem>>) semaphore(%arg17 : memref<!tpu.dma_semaphore, #tpu.memory_space<semaphore_mem>>)
    %dma_wait3A_70 = arith.constant 0 : i32
    %dma_wait3A_71 = arith.constant 0 : i32
    %dma_wait3A_72 = tpu.memref_slice %arg2[%dma_wait3A_70, %dma_wait3A_71] : memref<10000x128xf32, #tpu.memory_space<hbm>> -> memref<10000x128xf32, #tpu.memory_space<hbm>>
    tpu.wait_indirect_dma semaphore(%arg16 : memref<!tpu.dma_semaphore, #tpu.memory_space<semaphore_mem>>) src(%dma_wait3A_72 : memref<10000x128xf32, #tpu.memory_space<hbm>>) dst(%arg7 : memref<128x128xf32, #tpu.memory_space<vmem>>)
    "tpu.region"() ({
      %run_scoped3A = tpu.sem_alloc : memref<!tpu.dma_semaphore, #tpu.memory_space<semaphore_mem>>
      %dma_start3A_107 = arith.constant 0 : i32
      %dma_start3A_108 = arith.constant 0 : i32
      %dma_start3A_109 = tpu.memref_slice %arg6[%dma_start3A_107, %dma_start3A_108] : memref<10240x128xf32, #tpu.memory_space<vmem_shared>> -> memref<10240x128xf32, #tpu.memory_space<vmem_shared>>
      tpu.enqueue_indirect_dma source(%arg7 : memref<128x128xf32, #tpu.memory_space<vmem>>) target(%dma_start3A_109 : memref<10240x128xf32, #tpu.memory_space<vmem_shared>>) offsets(%arg11 : memref<128xi32, #tpu.memory_space<vmem>>) semaphore(%run_scoped3A : memref<!tpu.dma_semaphore, #tpu.memory_space<semaphore_mem>>) {add = true}
      %dma_wait3A_110 = arith.constant 0 : i32
      %dma_wait3A_111 = arith.constant 0 : i32
      %dma_wait3A_112 = tpu.memref_slice %arg6[%dma_wait3A_110, %dma_wait3A_111] : memref<10240x128xf32, #tpu.memory_space<vmem_shared>> -> memref<10240x128xf32, #tpu.memory_space<vmem_shared>>
      tpu.wait_indirect_dma semaphore(%run_scoped3A : memref<!tpu.dma_semaphore, #tpu.memory_space<semaphore_mem>>) src(%arg7 : memref<128x128xf32, #tpu.memory_space<vmem>>) dst(%dma_wait3A_112 : memref<10240x128xf32, #tpu.memory_space<vmem_shared>>)
      tpu.yield
    }) : () -> ()
    %dma_wait3A_73 = arith.constant 0 : i32
    %dma_wait3A_74 = arith.constant 0 : i32
    %dma_wait3A_75 = tpu.memref_slice %arg2[%dma_wait3A_73, %dma_wait3A_74] : memref<10000x128xf32, #tpu.memory_space<hbm>> -> memref<10000x128xf32, #tpu.memory_space<hbm>>
    tpu.wait_indirect_dma semaphore(%arg17 : memref<!tpu.dma_semaphore, #tpu.memory_space<semaphore_mem>>) src(%dma_wait3A_75 : memref<10000x128xf32, #tpu.memory_space<hbm>>) dst(%arg8 : memref<128x128xf32, #tpu.memory_space<vmem>>)
    "tpu.region"() ({
      %run_scoped3A = tpu.sem_alloc : memref<!tpu.dma_semaphore, #tpu.memory_space<semaphore_mem>>
      %dma_start3A_107 = arith.constant 0 : i32
      %dma_start3A_108 = arith.constant 0 : i32
      %dma_start3A_109 = tpu.memref_slice %arg6[%dma_start3A_107, %dma_start3A_108] : memref<10240x128xf32, #tpu.memory_space<vmem_shared>> -> memref<10240x128xf32, #tpu.memory_space<vmem_shared>>
      tpu.enqueue_indirect_dma source(%arg8 : memref<128x128xf32, #tpu.memory_space<vmem>>) target(%dma_start3A_109 : memref<10240x128xf32, #tpu.memory_space<vmem_shared>>) offsets(%arg12 : memref<128xi32, #tpu.memory_space<vmem>>) semaphore(%run_scoped3A : memref<!tpu.dma_semaphore, #tpu.memory_space<semaphore_mem>>) {add = true}
      %dma_wait3A_110 = arith.constant 0 : i32
      %dma_wait3A_111 = arith.constant 0 : i32
      %dma_wait3A_112 = tpu.memref_slice %arg6[%dma_wait3A_110, %dma_wait3A_111] : memref<10240x128xf32, #tpu.memory_space<vmem_shared>> -> memref<10240x128xf32, #tpu.memory_space<vmem_shared>>
      tpu.wait_indirect_dma semaphore(%run_scoped3A : memref<!tpu.dma_semaphore, #tpu.memory_space<semaphore_mem>>) src(%arg8 : memref<128x128xf32, #tpu.memory_space<vmem>>) dst(%dma_wait3A_112 : memref<10240x128xf32, #tpu.memory_space<vmem_shared>>)
      tpu.yield
    }) : () -> ()
    %add3A_76 = arith.constant 9984 : i32
    %add3A_77 = arith.addi %mul3A_27, %add3A_76 : i32
    "tpu.region"() ({
      %run_scoped3A = tpu.sem_alloc : memref<!tpu.dma_semaphore, #tpu.memory_space<semaphore_mem>>
      %dma_start3A_107 = tpu.memref_slice %arg3[%add3A_77] : memref<320000xi32, #tpu.memory_space<hbm>> -> memref<16xi32, #tpu.memory_space<hbm>>
      %dma_start3A_108 = tpu.memref_slice %arg3[%add3A_77] : memref<320000xi32, #tpu.memory_space<hbm>> -> memref<16xi32, #tpu.memory_space<hbm>>
      tpu.enqueue_dma source(%dma_start3A_108 : memref<16xi32, #tpu.memory_space<hbm>>) target(%arg13 : memref<16xi32, #tpu.memory_space<vmem>>) target_semaphore(%run_scoped3A : memref<!tpu.dma_semaphore, #tpu.memory_space<semaphore_mem>>)
      %dma_wait3A_109 = tpu.memref_slice %arg3[%add3A_77] : memref<320000xi32, #tpu.memory_space<hbm>> -> memref<16xi32, #tpu.memory_space<hbm>>
      %dma_wait3A_110 = tpu.memref_slice %arg3[%add3A_77] : memref<320000xi32, #tpu.memory_space<hbm>> -> memref<16xi32, #tpu.memory_space<hbm>>
      tpu.wait_dma2 semaphore(%run_scoped3A : memref<!tpu.dma_semaphore, #tpu.memory_space<semaphore_mem>>) src(%dma_wait3A_110 : memref<16xi32, #tpu.memory_space<hbm>>) dst(%arg13 : memref<16xi32, #tpu.memory_space<vmem>>)
      tpu.yield
    }) : () -> ()
    %add3A_78 = arith.constant 9984 : i32
    %add3A_79 = arith.addi %mul3A_27, %add3A_78 : i32
    "tpu.region"() ({
      %run_scoped3A = tpu.sem_alloc : memref<!tpu.dma_semaphore, #tpu.memory_space<semaphore_mem>>
      %dma_start3A_107 = tpu.memref_slice %arg4[%add3A_79] : memref<320000xi32, #tpu.memory_space<hbm>> -> memref<16xi32, #tpu.memory_space<hbm>>
      %dma_start3A_108 = tpu.memref_slice %arg4[%add3A_79] : memref<320000xi32, #tpu.memory_space<hbm>> -> memref<16xi32, #tpu.memory_space<hbm>>
      tpu.enqueue_dma source(%dma_start3A_108 : memref<16xi32, #tpu.memory_space<hbm>>) target(%arg14 : memref<16xi32, #tpu.memory_space<vmem>>) target_semaphore(%run_scoped3A : memref<!tpu.dma_semaphore, #tpu.memory_space<semaphore_mem>>)
      %dma_wait3A_109 = tpu.memref_slice %arg4[%add3A_79] : memref<320000xi32, #tpu.memory_space<hbm>> -> memref<16xi32, #tpu.memory_space<hbm>>
      %dma_wait3A_110 = tpu.memref_slice %arg4[%add3A_79] : memref<320000xi32, #tpu.memory_space<hbm>> -> memref<16xi32, #tpu.memory_space<hbm>>
      tpu.wait_dma2 semaphore(%run_scoped3A : memref<!tpu.dma_semaphore, #tpu.memory_space<semaphore_mem>>) src(%dma_wait3A_110 : memref<16xi32, #tpu.memory_space<hbm>>) dst(%arg14 : memref<16xi32, #tpu.memory_space<vmem>>)
      tpu.yield
    }) : () -> ()
    %dma_start3A_80 = arith.constant 0 : i32
    %dma_start3A_81 = arith.constant 0 : i32
    %dma_start3A_82 = tpu.memref_slice %arg2[%dma_start3A_80, %dma_start3A_81] : memref<10000x128xf32, #tpu.memory_space<hbm>> -> memref<10000x128xf32, #tpu.memory_space<hbm>>
    tpu.enqueue_indirect_dma source(%dma_start3A_82 : memref<10000x128xf32, #tpu.memory_space<hbm>>) target(%arg15 : memref<16x128xf32, #tpu.memory_space<vmem>>) offsets(%arg13 : memref<16xi32, #tpu.memory_space<vmem>>) semaphore(%arg16 : memref<!tpu.dma_semaphore, #tpu.memory_space<semaphore_mem>>)
    %dma_wait3A_83 = arith.constant 0 : i32
    %dma_wait3A_84 = arith.constant 0 : i32
    %dma_wait3A_85 = tpu.memref_slice %arg2[%dma_wait3A_83, %dma_wait3A_84] : memref<10000x128xf32, #tpu.memory_space<hbm>> -> memref<10000x128xf32, #tpu.memory_space<hbm>>
    tpu.wait_indirect_dma semaphore(%arg16 : memref<!tpu.dma_semaphore, #tpu.memory_space<semaphore_mem>>) src(%dma_wait3A_85 : memref<10000x128xf32, #tpu.memory_space<hbm>>) dst(%arg15 : memref<16x128xf32, #tpu.memory_space<vmem>>)
    "tpu.region"() ({
      %run_scoped3A = tpu.sem_alloc : memref<!tpu.dma_semaphore, #tpu.memory_space<semaphore_mem>>
      %dma_start3A_107 = arith.constant 0 : i32
      %dma_start3A_108 = arith.constant 0 : i32
      %dma_start3A_109 = tpu.memref_slice %arg6[%dma_start3A_107, %dma_start3A_108] : memref<10240x128xf32, #tpu.memory_space<vmem_shared>> -> memref<10240x128xf32, #tpu.memory_space<vmem_shared>>
      tpu.enqueue_indirect_dma source(%arg15 : memref<16x128xf32, #tpu.memory_space<vmem>>) target(%dma_start3A_109 : memref<10240x128xf32, #tpu.memory_space<vmem_shared>>) offsets(%arg14 : memref<16xi32, #tpu.memory_space<vmem>>) semaphore(%run_scoped3A : memref<!tpu.dma_semaphore, #tpu.memory_space<semaphore_mem>>) {add = true}
      %dma_wait3A_110 = arith.constant 0 : i32
      %dma_wait3A_111 = arith.constant 0 : i32
      %dma_wait3A_112 = tpu.memref_slice %arg6[%dma_wait3A_110, %dma_wait3A_111] : memref<10240x128xf32, #tpu.memory_space<vmem_shared>> -> memref<10240x128xf32, #tpu.memory_space<vmem_shared>>
      tpu.wait_indirect_dma semaphore(%run_scoped3A : memref<!tpu.dma_semaphore, #tpu.memory_space<semaphore_mem>>) src(%arg15 : memref<16x128xf32, #tpu.memory_space<vmem>>) dst(%dma_wait3A_112 : memref<10240x128xf32, #tpu.memory_space<vmem_shared>>)
      tpu.yield
    }) : () -> ()
    %barrier3A_86 = arith.constant 0 : index
    tpu.barrier barrier_id(%barrier3A_86)
    %mul3A_87 = arith.constant 640 : i32
    %mul3A_88 = arith.muli %arg1, %mul3A_87 : i32
    %add3A_89 = arith.constant 0 : i32
    %add3A_90 = arith.addi %mul3A_88, %add3A_89 : i32
    "tpu.region"() ({
      %run_scoped3A = tpu.sem_alloc : memref<!tpu.dma_semaphore, #tpu.memory_space<semaphore_mem>>
      %dma_start3A_107 = arith.constant 0 : i32
      %dma_start3A_108 = tpu.memref_slice %arg6[%add3A_90, %dma_start3A_107] : memref<10240x128xf32, #tpu.memory_space<vmem_shared>> -> memref<128x128xf32, #tpu.memory_space<vmem_shared>>
      %dma_start3A_109 = arith.constant 0 : i32
      %dma_start3A_110 = tpu.memref_slice %arg6[%add3A_90, %dma_start3A_109] : memref<10240x128xf32, #tpu.memory_space<vmem_shared>> -> memref<128x128xf32, #tpu.memory_space<vmem_shared>>
      tpu.enqueue_dma source(%dma_start3A_110 : memref<128x128xf32, #tpu.memory_space<vmem_shared>>) target(%arg7 : memref<128x128xf32, #tpu.memory_space<vmem>>) target_semaphore(%run_scoped3A : memref<!tpu.dma_semaphore, #tpu.memory_space<semaphore_mem>>)
      %dma_wait3A_111 = arith.constant 0 : i32
      %dma_wait3A_112 = tpu.memref_slice %arg6[%add3A_90, %dma_wait3A_111] : memref<10240x128xf32, #tpu.memory_space<vmem_shared>> -> memref<128x128xf32, #tpu.memory_space<vmem_shared>>
      %dma_wait3A_113 = arith.constant 0 : i32
      %dma_wait3A_114 = tpu.memref_slice %arg6[%add3A_90, %dma_wait3A_113] : memref<10240x128xf32, #tpu.memory_space<vmem_shared>> -> memref<128x128xf32, #tpu.memory_space<vmem_shared>>
      tpu.wait_dma2 semaphore(%run_scoped3A : memref<!tpu.dma_semaphore, #tpu.memory_space<semaphore_mem>>) src(%dma_wait3A_114 : memref<128x128xf32, #tpu.memory_space<vmem_shared>>) dst(%arg7 : memref<128x128xf32, #tpu.memory_space<vmem>>)
      tpu.yield
    }) : () -> ()
    "tpu.region"() ({
      %run_scoped3A = tpu.sem_alloc : memref<!tpu.dma_semaphore, #tpu.memory_space<semaphore_mem>>
      %dma_start3A_107 = arith.constant 0 : i32
      %dma_start3A_108 = tpu.memref_slice %arg5[%arg0, %add3A_90, %dma_start3A_107] : memref<2x10240x128xf32, #tpu.memory_space<hbm>> -> memref<1x128x128xf32, #tpu.memory_space<hbm>>
      %dma_start3A_109 = tpu.memref_squeeze %dma_start3A_108 : memref<1x128x128xf32, #tpu.memory_space<hbm>> -> memref<128x128xf32, #tpu.memory_space<hbm>>
      %dma_start3A_110 = arith.constant 0 : i32
      %dma_start3A_111 = tpu.memref_slice %arg5[%arg0, %add3A_90, %dma_start3A_110] : memref<2x10240x128xf32, #tpu.memory_space<hbm>> -> memref<1x128x128xf32, #tpu.memory_space<hbm>>
      %dma_start3A_112 = tpu.memref_squeeze %dma_start3A_111 : memref<1x128x128xf32, #tpu.memory_space<hbm>> -> memref<128x128xf32, #tpu.memory_space<hbm>>
      tpu.enqueue_dma source(%arg7 : memref<128x128xf32, #tpu.memory_space<vmem>>) target(%dma_start3A_112 : memref<128x128xf32, #tpu.memory_space<hbm>>) target_semaphore(%run_scoped3A : memref<!tpu.dma_semaphore, #tpu.memory_space<semaphore_mem>>)
      %dma_wait3A_113 = arith.constant 0 : i32
      %dma_wait3A_114 = tpu.memref_slice %arg5[%arg0, %add3A_90, %dma_wait3A_113] : memref<2x10240x128xf32, #tpu.memory_space<hbm>> -> memref<1x128x128xf32, #tpu.memory_space<hbm>>
      %dma_wait3A_115 = tpu.memref_squeeze %dma_wait3A_114 : memref<1x128x128xf32, #tpu.memory_space<hbm>> -> memref<128x128xf32, #tpu.memory_space<hbm>>
      %dma_wait3A_116 = arith.constant 0 : i32
      %dma_wait3A_117 = tpu.memref_slice %arg5[%arg0, %add3A_90, %dma_wait3A_116] : memref<2x10240x128xf32, #tpu.memory_space<hbm>> -> memref<1x128x128xf32, #tpu.memory_space<hbm>>
      %dma_wait3A_118 = tpu.memref_squeeze %dma_wait3A_117 : memref<1x128x128xf32, #tpu.memory_space<hbm>> -> memref<128x128xf32, #tpu.memory_space<hbm>>
      tpu.wait_dma2 semaphore(%run_scoped3A : memref<!tpu.dma_semaphore, #tpu.memory_space<semaphore_mem>>) src(%arg7 : memref<128x128xf32, #tpu.memory_space<vmem>>) dst(%dma_wait3A_118 : memref<128x128xf32, #tpu.memory_space<hbm>>)
      tpu.yield
    }) : () -> ()
    %mul3A_91 = arith.constant 640 : i32
    %mul3A_92 = arith.muli %arg1, %mul3A_91 : i32
    %add3A_93 = arith.constant 128 : i32
    %add3A_94 = arith.addi %mul3A_92, %add3A_93 : i32
    "tpu.region"() ({
      %run_scoped3A = tpu.sem_alloc : memref<!tpu.dma_semaphore, #tpu.memory_space<semaphore_mem>>
      %dma_start3A_107 = arith.constant 0 : i32
      %dma_start3A_108 = tpu.memref_slice %arg6[%add3A_94, %dma_start3A_107] : memref<10240x128xf32, #tpu.memory_space<vmem_shared>> -> memref<128x128xf32, #tpu.memory_space<vmem_shared>>
      %dma_start3A_109 = arith.constant 0 : i32
      %dma_start3A_110 = tpu.memref_slice %arg6[%add3A_94, %dma_start3A_109] : memref<10240x128xf32, #tpu.memory_space<vmem_shared>> -> memref<128x128xf32, #tpu.memory_space<vmem_shared>>
      tpu.enqueue_dma source(%dma_start3A_110 : memref<128x128xf32, #tpu.memory_space<vmem_shared>>) target(%arg7 : memref<128x128xf32, #tpu.memory_space<vmem>>) target_semaphore(%run_scoped3A : memref<!tpu.dma_semaphore, #tpu.memory_space<semaphore_mem>>)
      %dma_wait3A_111 = arith.constant 0 : i32
      %dma_wait3A_112 = tpu.memref_slice %arg6[%add3A_94, %dma_wait3A_111] : memref<10240x128xf32, #tpu.memory_space<vmem_shared>> -> memref<128x128xf32, #tpu.memory_space<vmem_shared>>
      %dma_wait3A_113 = arith.constant 0 : i32
      %dma_wait3A_114 = tpu.memref_slice %arg6[%add3A_94, %dma_wait3A_113] : memref<10240x128xf32, #tpu.memory_space<vmem_shared>> -> memref<128x128xf32, #tpu.memory_space<vmem_shared>>
      tpu.wait_dma2 semaphore(%run_scoped3A : memref<!tpu.dma_semaphore, #tpu.memory_space<semaphore_mem>>) src(%dma_wait3A_114 : memref<128x128xf32, #tpu.memory_space<vmem_shared>>) dst(%arg7 : memref<128x128xf32, #tpu.memory_space<vmem>>)
      tpu.yield
    }) : () -> ()
    "tpu.region"() ({
      %run_scoped3A = tpu.sem_alloc : memref<!tpu.dma_semaphore, #tpu.memory_space<semaphore_mem>>
      %dma_start3A_107 = arith.constant 0 : i32
      %dma_start3A_108 = tpu.memref_slice %arg5[%arg0, %add3A_94, %dma_start3A_107] : memref<2x10240x128xf32, #tpu.memory_space<hbm>> -> memref<1x128x128xf32, #tpu.memory_space<hbm>>
      %dma_start3A_109 = tpu.memref_squeeze %dma_start3A_108 : memref<1x128x128xf32, #tpu.memory_space<hbm>> -> memref<128x128xf32, #tpu.memory_space<hbm>>
      %dma_start3A_110 = arith.constant 0 : i32
      %dma_start3A_111 = tpu.memref_slice %arg5[%arg0, %add3A_94, %dma_start3A_110] : memref<2x10240x128xf32, #tpu.memory_space<hbm>> -> memref<1x128x128xf32, #tpu.memory_space<hbm>>
      %dma_start3A_112 = tpu.memref_squeeze %dma_start3A_111 : memref<1x128x128xf32, #tpu.memory_space<hbm>> -> memref<128x128xf32, #tpu.memory_space<hbm>>
      tpu.enqueue_dma source(%arg7 : memref<128x128xf32, #tpu.memory_space<vmem>>) target(%dma_start3A_112 : memref<128x128xf32, #tpu.memory_space<hbm>>) target_semaphore(%run_scoped3A : memref<!tpu.dma_semaphore, #tpu.memory_space<semaphore_mem>>)
      %dma_wait3A_113 = arith.constant 0 : i32
      %dma_wait3A_114 = tpu.memref_slice %arg5[%arg0, %add3A_94, %dma_wait3A_113] : memref<2x10240x128xf32, #tpu.memory_space<hbm>> -> memref<1x128x128xf32, #tpu.memory_space<hbm>>
      %dma_wait3A_115 = tpu.memref_squeeze %dma_wait3A_114 : memref<1x128x128xf32, #tpu.memory_space<hbm>> -> memref<128x128xf32, #tpu.memory_space<hbm>>
      %dma_wait3A_116 = arith.constant 0 : i32
      %dma_wait3A_117 = tpu.memref_slice %arg5[%arg0, %add3A_94, %dma_wait3A_116] : memref<2x10240x128xf32, #tpu.memory_space<hbm>> -> memref<1x128x128xf32, #tpu.memory_space<hbm>>
      %dma_wait3A_118 = tpu.memref_squeeze %dma_wait3A_117 : memref<1x128x128xf32, #tpu.memory_space<hbm>> -> memref<128x128xf32, #tpu.memory_space<hbm>>
      tpu.wait_dma2 semaphore(%run_scoped3A : memref<!tpu.dma_semaphore, #tpu.memory_space<semaphore_mem>>) src(%arg7 : memref<128x128xf32, #tpu.memory_space<vmem>>) dst(%dma_wait3A_118 : memref<128x128xf32, #tpu.memory_space<hbm>>)
      tpu.yield
    }) : () -> ()
    %mul3A_95 = arith.constant 640 : i32
    %mul3A_96 = arith.muli %arg1, %mul3A_95 : i32
    %add3A_97 = arith.constant 256 : i32
    %add3A_98 = arith.addi %mul3A_96, %add3A_97 : i32
    "tpu.region"() ({
      %run_scoped3A = tpu.sem_alloc : memref<!tpu.dma_semaphore, #tpu.memory_space<semaphore_mem>>
      %dma_start3A_107 = arith.constant 0 : i32
      %dma_start3A_108 = tpu.memref_slice %arg6[%add3A_98, %dma_start3A_107] : memref<10240x128xf32, #tpu.memory_space<vmem_shared>> -> memref<128x128xf32, #tpu.memory_space<vmem_shared>>
      %dma_start3A_109 = arith.constant 0 : i32
      %dma_start3A_110 = tpu.memref_slice %arg6[%add3A_98, %dma_start3A_109] : memref<10240x128xf32, #tpu.memory_space<vmem_shared>> -> memref<128x128xf32, #tpu.memory_space<vmem_shared>>
      tpu.enqueue_dma source(%dma_start3A_110 : memref<128x128xf32, #tpu.memory_space<vmem_shared>>) target(%arg7 : memref<128x128xf32, #tpu.memory_space<vmem>>) target_semaphore(%run_scoped3A : memref<!tpu.dma_semaphore, #tpu.memory_space<semaphore_mem>>)
      %dma_wait3A_111 = arith.constant 0 : i32
      %dma_wait3A_112 = tpu.memref_slice %arg6[%add3A_98, %dma_wait3A_111] : memref<10240x128xf32, #tpu.memory_space<vmem_shared>> -> memref<128x128xf32, #tpu.memory_space<vmem_shared>>
      %dma_wait3A_113 = arith.constant 0 : i32
      %dma_wait3A_114 = tpu.memref_slice %arg6[%add3A_98, %dma_wait3A_113] : memref<10240x128xf32, #tpu.memory_space<vmem_shared>> -> memref<128x128xf32, #tpu.memory_space<vmem_shared>>
      tpu.wait_dma2 semaphore(%run_scoped3A : memref<!tpu.dma_semaphore, #tpu.memory_space<semaphore_mem>>) src(%dma_wait3A_114 : memref<128x128xf32, #tpu.memory_space<vmem_shared>>) dst(%arg7 : memref<128x128xf32, #tpu.memory_space<vmem>>)
      tpu.yield
    }) : () -> ()
    "tpu.region"() ({
      %run_scoped3A = tpu.sem_alloc : memref<!tpu.dma_semaphore, #tpu.memory_space<semaphore_mem>>
      %dma_start3A_107 = arith.constant 0 : i32
      %dma_start3A_108 = tpu.memref_slice %arg5[%arg0, %add3A_98, %dma_start3A_107] : memref<2x10240x128xf32, #tpu.memory_space<hbm>> -> memref<1x128x128xf32, #tpu.memory_space<hbm>>
      %dma_start3A_109 = tpu.memref_squeeze %dma_start3A_108 : memref<1x128x128xf32, #tpu.memory_space<hbm>> -> memref<128x128xf32, #tpu.memory_space<hbm>>
      %dma_start3A_110 = arith.constant 0 : i32
      %dma_start3A_111 = tpu.memref_slice %arg5[%arg0, %add3A_98, %dma_start3A_110] : memref<2x10240x128xf32, #tpu.memory_space<hbm>> -> memref<1x128x128xf32, #tpu.memory_space<hbm>>
      %dma_start3A_112 = tpu.memref_squeeze %dma_start3A_111 : memref<1x128x128xf32, #tpu.memory_space<hbm>> -> memref<128x128xf32, #tpu.memory_space<hbm>>
      tpu.enqueue_dma source(%arg7 : memref<128x128xf32, #tpu.memory_space<vmem>>) target(%dma_start3A_112 : memref<128x128xf32, #tpu.memory_space<hbm>>) target_semaphore(%run_scoped3A : memref<!tpu.dma_semaphore, #tpu.memory_space<semaphore_mem>>)
      %dma_wait3A_113 = arith.constant 0 : i32
      %dma_wait3A_114 = tpu.memref_slice %arg5[%arg0, %add3A_98, %dma_wait3A_113] : memref<2x10240x128xf32, #tpu.memory_space<hbm>> -> memref<1x128x128xf32, #tpu.memory_space<hbm>>
      %dma_wait3A_115 = tpu.memref_squeeze %dma_wait3A_114 : memref<1x128x128xf32, #tpu.memory_space<hbm>> -> memref<128x128xf32, #tpu.memory_space<hbm>>
      %dma_wait3A_116 = arith.constant 0 : i32
      %dma_wait3A_117 = tpu.memref_slice %arg5[%arg0, %add3A_98, %dma_wait3A_116] : memref<2x10240x128xf32, #tpu.memory_space<hbm>> -> memref<1x128x128xf32, #tpu.memory_space<hbm>>
      %dma_wait3A_118 = tpu.memref_squeeze %dma_wait3A_117 : memref<1x128x128xf32, #tpu.memory_space<hbm>> -> memref<128x128xf32, #tpu.memory_space<hbm>>
      tpu.wait_dma2 semaphore(%run_scoped3A : memref<!tpu.dma_semaphore, #tpu.memory_space<semaphore_mem>>) src(%arg7 : memref<128x128xf32, #tpu.memory_space<vmem>>) dst(%dma_wait3A_118 : memref<128x128xf32, #tpu.memory_space<hbm>>)
      tpu.yield
    }) : () -> ()
    %mul3A_99 = arith.constant 640 : i32
    %mul3A_100 = arith.muli %arg1, %mul3A_99 : i32
    %add3A_101 = arith.constant 384 : i32
    %add3A_102 = arith.addi %mul3A_100, %add3A_101 : i32
    "tpu.region"() ({
      %run_scoped3A = tpu.sem_alloc : memref<!tpu.dma_semaphore, #tpu.memory_space<semaphore_mem>>
      %dma_start3A_107 = arith.constant 0 : i32
      %dma_start3A_108 = tpu.memref_slice %arg6[%add3A_102, %dma_start3A_107] : memref<10240x128xf32, #tpu.memory_space<vmem_shared>> -> memref<128x128xf32, #tpu.memory_space<vmem_shared>>
      %dma_start3A_109 = arith.constant 0 : i32
      %dma_start3A_110 = tpu.memref_slice %arg6[%add3A_102, %dma_start3A_109] : memref<10240x128xf32, #tpu.memory_space<vmem_shared>> -> memref<128x128xf32, #tpu.memory_space<vmem_shared>>
      tpu.enqueue_dma source(%dma_start3A_110 : memref<128x128xf32, #tpu.memory_space<vmem_shared>>) target(%arg7 : memref<128x128xf32, #tpu.memory_space<vmem>>) target_semaphore(%run_scoped3A : memref<!tpu.dma_semaphore, #tpu.memory_space<semaphore_mem>>)
      %dma_wait3A_111 = arith.constant 0 : i32
      %dma_wait3A_112 = tpu.memref_slice %arg6[%add3A_102, %dma_wait3A_111] : memref<10240x128xf32, #tpu.memory_space<vmem_shared>> -> memref<128x128xf32, #tpu.memory_space<vmem_shared>>
      %dma_wait3A_113 = arith.constant 0 : i32
      %dma_wait3A_114 = tpu.memref_slice %arg6[%add3A_102, %dma_wait3A_113] : memref<10240x128xf32, #tpu.memory_space<vmem_shared>> -> memref<128x128xf32, #tpu.memory_space<vmem_shared>>
      tpu.wait_dma2 semaphore(%run_scoped3A : memref<!tpu.dma_semaphore, #tpu.memory_space<semaphore_mem>>) src(%dma_wait3A_114 : memref<128x128xf32, #tpu.memory_space<vmem_shared>>) dst(%arg7 : memref<128x128xf32, #tpu.memory_space<vmem>>)
      tpu.yield
    }) : () -> ()
    "tpu.region"() ({
      %run_scoped3A = tpu.sem_alloc : memref<!tpu.dma_semaphore, #tpu.memory_space<semaphore_mem>>
      %dma_start3A_107 = arith.constant 0 : i32
      %dma_start3A_108 = tpu.memref_slice %arg5[%arg0, %add3A_102, %dma_start3A_107] : memref<2x10240x128xf32, #tpu.memory_space<hbm>> -> memref<1x128x128xf32, #tpu.memory_space<hbm>>
      %dma_start3A_109 = tpu.memref_squeeze %dma_start3A_108 : memref<1x128x128xf32, #tpu.memory_space<hbm>> -> memref<128x128xf32, #tpu.memory_space<hbm>>
      %dma_start3A_110 = arith.constant 0 : i32
      %dma_start3A_111 = tpu.memref_slice %arg5[%arg0, %add3A_102, %dma_start3A_110] : memref<2x10240x128xf32, #tpu.memory_space<hbm>> -> memref<1x128x128xf32, #tpu.memory_space<hbm>>
      %dma_start3A_112 = tpu.memref_squeeze %dma_start3A_111 : memref<1x128x128xf32, #tpu.memory_space<hbm>> -> memref<128x128xf32, #tpu.memory_space<hbm>>
      tpu.enqueue_dma source(%arg7 : memref<128x128xf32, #tpu.memory_space<vmem>>) target(%dma_start3A_112 : memref<128x128xf32, #tpu.memory_space<hbm>>) target_semaphore(%run_scoped3A : memref<!tpu.dma_semaphore, #tpu.memory_space<semaphore_mem>>)
      %dma_wait3A_113 = arith.constant 0 : i32
      %dma_wait3A_114 = tpu.memref_slice %arg5[%arg0, %add3A_102, %dma_wait3A_113] : memref<2x10240x128xf32, #tpu.memory_space<hbm>> -> memref<1x128x128xf32, #tpu.memory_space<hbm>>
      %dma_wait3A_115 = tpu.memref_squeeze %dma_wait3A_114 : memref<1x128x128xf32, #tpu.memory_space<hbm>> -> memref<128x128xf32, #tpu.memory_space<hbm>>
      %dma_wait3A_116 = arith.constant 0 : i32
      %dma_wait3A_117 = tpu.memref_slice %arg5[%arg0, %add3A_102, %dma_wait3A_116] : memref<2x10240x128xf32, #tpu.memory_space<hbm>> -> memref<1x128x128xf32, #tpu.memory_space<hbm>>
      %dma_wait3A_118 = tpu.memref_squeeze %dma_wait3A_117 : memref<1x128x128xf32, #tpu.memory_space<hbm>> -> memref<128x128xf32, #tpu.memory_space<hbm>>
      tpu.wait_dma2 semaphore(%run_scoped3A : memref<!tpu.dma_semaphore, #tpu.memory_space<semaphore_mem>>) src(%arg7 : memref<128x128xf32, #tpu.memory_space<vmem>>) dst(%dma_wait3A_118 : memref<128x128xf32, #tpu.memory_space<hbm>>)
      tpu.yield
    }) : () -> ()
    %mul3A_103 = arith.constant 640 : i32
    %mul3A_104 = arith.muli %arg1, %mul3A_103 : i32
    %add3A_105 = arith.constant 512 : i32
    %add3A_106 = arith.addi %mul3A_104, %add3A_105 : i32
    "tpu.region"() ({
      %run_scoped3A = tpu.sem_alloc : memref<!tpu.dma_semaphore, #tpu.memory_space<semaphore_mem>>
      %dma_start3A_107 = arith.constant 0 : i32
      %dma_start3A_108 = tpu.memref_slice %arg6[%add3A_106, %dma_start3A_107] : memref<10240x128xf32, #tpu.memory_space<vmem_shared>> -> memref<128x128xf32, #tpu.memory_space<vmem_shared>>
      %dma_start3A_109 = arith.constant 0 : i32
      %dma_start3A_110 = tpu.memref_slice %arg6[%add3A_106, %dma_start3A_109] : memref<10240x128xf32, #tpu.memory_space<vmem_shared>> -> memref<128x128xf32, #tpu.memory_space<vmem_shared>>
      tpu.enqueue_dma source(%dma_start3A_110 : memref<128x128xf32, #tpu.memory_space<vmem_shared>>) target(%arg7 : memref<128x128xf32, #tpu.memory_space<vmem>>) target_semaphore(%run_scoped3A : memref<!tpu.dma_semaphore, #tpu.memory_space<semaphore_mem>>)
      %dma_wait3A_111 = arith.constant 0 : i32
      %dma_wait3A_112 = tpu.memref_slice %arg6[%add3A_106, %dma_wait3A_111] : memref<10240x128xf32, #tpu.memory_space<vmem_shared>> -> memref<128x128xf32, #tpu.memory_space<vmem_shared>>
      %dma_wait3A_113 = arith.constant 0 : i32
      %dma_wait3A_114 = tpu.memref_slice %arg6[%add3A_106, %dma_wait3A_113] : memref<10240x128xf32, #tpu.memory_space<vmem_shared>> -> memref<128x128xf32, #tpu.memory_space<vmem_shared>>
      tpu.wait_dma2 semaphore(%run_scoped3A : memref<!tpu.dma_semaphore, #tpu.memory_space<semaphore_mem>>) src(%dma_wait3A_114 : memref<128x128xf32, #tpu.memory_space<vmem_shared>>) dst(%arg7 : memref<128x128xf32, #tpu.memory_space<vmem>>)
      tpu.yield
    }) : () -> ()
    "tpu.region"() ({
      %run_scoped3A = tpu.sem_alloc : memref<!tpu.dma_semaphore, #tpu.memory_space<semaphore_mem>>
      %dma_start3A_107 = arith.constant 0 : i32
      %dma_start3A_108 = tpu.memref_slice %arg5[%arg0, %add3A_106, %dma_start3A_107] : memref<2x10240x128xf32, #tpu.memory_space<hbm>> -> memref<1x128x128xf32, #tpu.memory_space<hbm>>
      %dma_start3A_109 = tpu.memref_squeeze %dma_start3A_108 : memref<1x128x128xf32, #tpu.memory_space<hbm>> -> memref<128x128xf32, #tpu.memory_space<hbm>>
      %dma_start3A_110 = arith.constant 0 : i32
      %dma_start3A_111 = tpu.memref_slice %arg5[%arg0, %add3A_106, %dma_start3A_110] : memref<2x10240x128xf32, #tpu.memory_space<hbm>> -> memref<1x128x128xf32, #tpu.memory_space<hbm>>
      %dma_start3A_112 = tpu.memref_squeeze %dma_start3A_111 : memref<1x128x128xf32, #tpu.memory_space<hbm>> -> memref<128x128xf32, #tpu.memory_space<hbm>>
      tpu.enqueue_dma source(%arg7 : memref<128x128xf32, #tpu.memory_space<vmem>>) target(%dma_start3A_112 : memref<128x128xf32, #tpu.memory_space<hbm>>) target_semaphore(%run_scoped3A : memref<!tpu.dma_semaphore, #tpu.memory_space<semaphore_mem>>)
      %dma_wait3A_113 = arith.constant 0 : i32
      %dma_wait3A_114 = tpu.memref_slice %arg5[%arg0, %add3A_106, %dma_wait3A_113] : memref<2x10240x128xf32, #tpu.memory_space<hbm>> -> memref<1x128x128xf32, #tpu.memory_space<hbm>>
      %dma_wait3A_115 = tpu.memref_squeeze %dma_wait3A_114 : memref<1x128x128xf32, #tpu.memory_space<hbm>> -> memref<128x128xf32, #tpu.memory_space<hbm>>
      %dma_wait3A_116 = arith.constant 0 : i32
      %dma_wait3A_117 = tpu.memref_slice %arg5[%arg0, %add3A_106, %dma_wait3A_116] : memref<2x10240x128xf32, #tpu.memory_space<hbm>> -> memref<1x128x128xf32, #tpu.memory_space<hbm>>
      %dma_wait3A_118 = tpu.memref_squeeze %dma_wait3A_117 : memref<1x128x128xf32, #tpu.memory_space<hbm>> -> memref<128x128xf32, #tpu.memory_space<hbm>>
      tpu.wait_dma2 semaphore(%run_scoped3A : memref<!tpu.dma_semaphore, #tpu.memory_space<semaphore_mem>>) src(%arg7 : memref<128x128xf32, #tpu.memory_space<vmem>>) dst(%dma_wait3A_118 : memref<128x128xf32, #tpu.memory_space<hbm>>)
      tpu.yield
    }) : () -> ()
    return
  }
}

module attributes {stable_mosaic.version = 14 : i64} {
  func.func @_gru_body(%arg0: i32, %arg1: memref<8x2000x128xf32, #tpu.memory_space<vmem>>, %arg2: memref<384x128xf32, #tpu.memory_space<vmem>>, %arg3: memref<384x128xf32, #tpu.memory_space<vmem>>, %arg4: memref<1x384xf32, #tpu.memory_space<vmem>>, %arg5: memref<1x384xf32, #tpu.memory_space<vmem>>, %arg6: memref<128x128xf32, #tpu.memory_space<vmem>>, %arg7: memref<2000x128xf32, #tpu.memory_space<vmem>>) attributes {dimension_semantics = [#tpu.dimension_semantics<arbitrary>], iteration_bounds = array<i64: 5>, scalar_prefetch = 0 : i64, scratch_operands = 0 : i64, tpu.core_type = #tpu.core_type<tc>, window_params = [{transform_indices = @transform_0, window_bounds = array<i64: 8, 2000, 128>}, {pipeline_mode = #tpu.pipeline_mode<synchronous>, transform_indices = @transform_1, window_bounds = array<i64: 384, 128>}, {pipeline_mode = #tpu.pipeline_mode<synchronous>, transform_indices = @transform_2, window_bounds = array<i64: 384, 128>}, {pipeline_mode = #tpu.pipeline_mode<synchronous>, transform_indices = @transform_3, window_bounds = array<i64: 1, 384>}, {pipeline_mode = #tpu.pipeline_mode<synchronous>, transform_indices = @transform_4, window_bounds = array<i64: 1, 384>}, {pipeline_mode = #tpu.pipeline_mode<synchronous>, transform_indices = @transform_5, window_bounds = array<i64: 128, 128>}, {transform_indices = @transform_6, window_bounds = array<i64: 2000, 128>}]} {
    %get3A = arith.constant 0 : index
    %get3A_0 = arith.constant 0 : index
    %get3A_1 = vector.load %arg2[%get3A, %get3A_0] : memref<384x128xf32, #tpu.memory_space<vmem>>, vector<384x128xf32>
    %get3A_2 = arith.constant 0 : index
    %get3A_3 = arith.constant 0 : index
    %get3A_4 = vector.load %arg3[%get3A_2, %get3A_3] : memref<384x128xf32, #tpu.memory_space<vmem>>, vector<384x128xf32>
    %get3A_5 = arith.constant 0 : index
    %get3A_6 = arith.constant 0 : index
    %get3A_7 = vector.load %arg4[%get3A_5, %get3A_6] : memref<1x384xf32, #tpu.memory_space<vmem>>, vector<1x384xf32>
    %get3A_8 = arith.constant 0 : index
    %get3A_9 = arith.constant 0 : index
    %get3A_10 = vector.load %arg5[%get3A_8, %get3A_9] : memref<1x384xf32, #tpu.memory_space<vmem>>, vector<1x384xf32>
    %broadcast_in_dim3A = arith.constant 0.000000e+00 : f32
    %broadcast_in_dim3A_11 = vector.broadcast %broadcast_in_dim3A : f32 to vector<2000x128xf32>
    %get3A_12 = arith.constant 0 : index
    %get3A_13 = arith.constant 0 : index
    %get3A_14 = arith.constant 0 : index
    %get3A_15 = vector.load %arg1[%get3A_12, %get3A_13, %get3A_14] : memref<8x2000x128xf32, #tpu.memory_space<vmem>>, vector<1x2000x128xf32>
    %get3A_16 = vector.shape_cast %get3A_15 : vector<1x2000x128xf32> to vector<2000x128xf32>
    %dot_general3A = arith.constant dense<0.000000e+00> : vector<2000x384xf32>
    %dot_general3A_17 = tpu.matmul %get3A_16, %get3A_1, %dot_general3A {dimension_numbers = #tpu.dot_dimension_numbers<[1], [1], [0], [0], [0, 0, 1, 0], [], []>, transpose_lhs_hint = false} : vector<2000x128xf32>, vector<384x128xf32>, vector<2000x384xf32> -> vector<2000x384xf32>
    %add3A = vector.broadcast %get3A_7 : vector<1x384xf32> to vector<2000x384xf32>
    %add3A_18 = arith.addf %dot_general3A_17, %add3A : vector<2000x384xf32>
    %dot_general3A_19 = arith.constant dense<0.000000e+00> : vector<2000x384xf32>
    %dot_general3A_20 = tpu.matmul %broadcast_in_dim3A_11, %get3A_4, %dot_general3A_19 {dimension_numbers = #tpu.dot_dimension_numbers<[1], [1], [0], [0], [0, 0, 1, 0], [], []>, transpose_lhs_hint = false} : vector<2000x128xf32>, vector<384x128xf32>, vector<2000x384xf32> -> vector<2000x384xf32>
    %add3A_21 = vector.broadcast %get3A_10 : vector<1x384xf32> to vector<2000x384xf32>
    %add3A_22 = arith.addf %dot_general3A_20, %add3A_21 : vector<2000x384xf32>
    %slice3A = vector.extract_strided_slice %add3A_18 {offsets = [0, 0], sizes = [2000, 128], strides = [1, 1]} : vector<2000x384xf32> to vector<2000x128xf32>
    %slice3A_23 = vector.extract_strided_slice %add3A_18 {offsets = [0, 128], sizes = [2000, 128], strides = [1, 1]} : vector<2000x384xf32> to vector<2000x128xf32>
    %slice3A_24 = vector.extract_strided_slice %add3A_18 {offsets = [0, 256], sizes = [2000, 128], strides = [1, 1]} : vector<2000x384xf32> to vector<2000x128xf32>
    %slice3A_25 = vector.extract_strided_slice %add3A_22 {offsets = [0, 0], sizes = [2000, 128], strides = [1, 1]} : vector<2000x384xf32> to vector<2000x128xf32>
    %slice3A_26 = vector.extract_strided_slice %add3A_22 {offsets = [0, 128], sizes = [2000, 128], strides = [1, 1]} : vector<2000x384xf32> to vector<2000x128xf32>
    %slice3A_27 = vector.extract_strided_slice %add3A_22 {offsets = [0, 256], sizes = [2000, 128], strides = [1, 1]} : vector<2000x384xf32> to vector<2000x128xf32>
    %add3A_28 = arith.addf %slice3A, %slice3A_25 : vector<2000x128xf32>
    %logistic3A = arith.negf %add3A_28 : vector<2000x128xf32>
    %logistic3A_29 = math.exp %logistic3A : vector<2000x128xf32>
    %logistic3A_30 = arith.constant 1.000000e+00 : f32
    %logistic3A_31 = vector.broadcast %logistic3A_30 : f32 to vector<2000x128xf32>
    %logistic3A_32 = arith.addf %logistic3A_31, %logistic3A_29 : vector<2000x128xf32>
    %logistic3A_33 = arith.divf %logistic3A_31, %logistic3A_32 : vector<2000x128xf32>
    %add3A_34 = arith.addf %slice3A_23, %slice3A_26 : vector<2000x128xf32>
    %logistic3A_35 = arith.negf %add3A_34 : vector<2000x128xf32>
    %logistic3A_36 = math.exp %logistic3A_35 : vector<2000x128xf32>
    %logistic3A_37 = arith.constant 1.000000e+00 : f32
    %logistic3A_38 = vector.broadcast %logistic3A_37 : f32 to vector<2000x128xf32>
    %logistic3A_39 = arith.addf %logistic3A_38, %logistic3A_36 : vector<2000x128xf32>
    %logistic3A_40 = arith.divf %logistic3A_38, %logistic3A_39 : vector<2000x128xf32>
    %mul3A = arith.mulf %logistic3A_33, %slice3A_27 : vector<2000x128xf32>
    %add3A_41 = arith.addf %slice3A_24, %mul3A : vector<2000x128xf32>
    %tanh3A = math.tanh %add3A_41 : vector<2000x128xf32>
    %sub3A = arith.constant 1.000000e+00 : f32
    %sub3A_42 = vector.broadcast %sub3A : f32 to vector<2000x128xf32>
    %sub3A_43 = arith.subf %sub3A_42, %logistic3A_40 : vector<2000x128xf32>
    %mul3A_44 = arith.mulf %sub3A_43, %tanh3A : vector<2000x128xf32>
    %mul3A_45 = arith.mulf %logistic3A_40, %broadcast_in_dim3A_11 : vector<2000x128xf32>
    %add3A_46 = arith.addf %mul3A_44, %mul3A_45 : vector<2000x128xf32>
    %get3A_47 = arith.constant 1 : index
    %get3A_48 = arith.constant 0 : index
    %get3A_49 = arith.constant 0 : index
    %get3A_50 = vector.load %arg1[%get3A_47, %get3A_48, %get3A_49] : memref<8x2000x128xf32, #tpu.memory_space<vmem>>, vector<1x2000x128xf32>
    %get3A_51 = vector.shape_cast %get3A_50 : vector<1x2000x128xf32> to vector<2000x128xf32>
    %dot_general3A_52 = arith.constant dense<0.000000e+00> : vector<2000x384xf32>
    %dot_general3A_53 = tpu.matmul %get3A_51, %get3A_1, %dot_general3A_52 {dimension_numbers = #tpu.dot_dimension_numbers<[1], [1], [0], [0], [0, 0, 1, 0], [], []>, transpose_lhs_hint = false} : vector<2000x128xf32>, vector<384x128xf32>, vector<2000x384xf32> -> vector<2000x384xf32>
    %add3A_54 = vector.broadcast %get3A_7 : vector<1x384xf32> to vector<2000x384xf32>
    %add3A_55 = arith.addf %dot_general3A_53, %add3A_54 : vector<2000x384xf32>
    %dot_general3A_56 = arith.constant dense<0.000000e+00> : vector<2000x384xf32>
    %dot_general3A_57 = tpu.matmul %add3A_46, %get3A_4, %dot_general3A_56 {dimension_numbers = #tpu.dot_dimension_numbers<[1], [1], [0], [0], [0, 0, 1, 0], [], []>, transpose_lhs_hint = false} : vector<2000x128xf32>, vector<384x128xf32>, vector<2000x384xf32> -> vector<2000x384xf32>
    %add3A_58 = vector.broadcast %get3A_10 : vector<1x384xf32> to vector<2000x384xf32>
    %add3A_59 = arith.addf %dot_general3A_57, %add3A_58 : vector<2000x384xf32>
    %slice3A_60 = vector.extract_strided_slice %add3A_55 {offsets = [0, 0], sizes = [2000, 128], strides = [1, 1]} : vector<2000x384xf32> to vector<2000x128xf32>
    %slice3A_61 = vector.extract_strided_slice %add3A_55 {offsets = [0, 128], sizes = [2000, 128], strides = [1, 1]} : vector<2000x384xf32> to vector<2000x128xf32>
    %slice3A_62 = vector.extract_strided_slice %add3A_55 {offsets = [0, 256], sizes = [2000, 128], strides = [1, 1]} : vector<2000x384xf32> to vector<2000x128xf32>
    %slice3A_63 = vector.extract_strided_slice %add3A_59 {offsets = [0, 0], sizes = [2000, 128], strides = [1, 1]} : vector<2000x384xf32> to vector<2000x128xf32>
    %slice3A_64 = vector.extract_strided_slice %add3A_59 {offsets = [0, 128], sizes = [2000, 128], strides = [1, 1]} : vector<2000x384xf32> to vector<2000x128xf32>
    %slice3A_65 = vector.extract_strided_slice %add3A_59 {offsets = [0, 256], sizes = [2000, 128], strides = [1, 1]} : vector<2000x384xf32> to vector<2000x128xf32>
    %add3A_66 = arith.addf %slice3A_60, %slice3A_63 : vector<2000x128xf32>
    %logistic3A_67 = arith.negf %add3A_66 : vector<2000x128xf32>
    %logistic3A_68 = math.exp %logistic3A_67 : vector<2000x128xf32>
    %logistic3A_69 = arith.constant 1.000000e+00 : f32
    %logistic3A_70 = vector.broadcast %logistic3A_69 : f32 to vector<2000x128xf32>
    %logistic3A_71 = arith.addf %logistic3A_70, %logistic3A_68 : vector<2000x128xf32>
    %logistic3A_72 = arith.divf %logistic3A_70, %logistic3A_71 : vector<2000x128xf32>
    %add3A_73 = arith.addf %slice3A_61, %slice3A_64 : vector<2000x128xf32>
    %logistic3A_74 = arith.negf %add3A_73 : vector<2000x128xf32>
    %logistic3A_75 = math.exp %logistic3A_74 : vector<2000x128xf32>
    %logistic3A_76 = arith.constant 1.000000e+00 : f32
    %logistic3A_77 = vector.broadcast %logistic3A_76 : f32 to vector<2000x128xf32>
    %logistic3A_78 = arith.addf %logistic3A_77, %logistic3A_75 : vector<2000x128xf32>
    %logistic3A_79 = arith.divf %logistic3A_77, %logistic3A_78 : vector<2000x128xf32>
    %mul3A_80 = arith.mulf %logistic3A_72, %slice3A_65 : vector<2000x128xf32>
    %add3A_81 = arith.addf %slice3A_62, %mul3A_80 : vector<2000x128xf32>
    %tanh3A_82 = math.tanh %add3A_81 : vector<2000x128xf32>
    %sub3A_83 = arith.constant 1.000000e+00 : f32
    %sub3A_84 = vector.broadcast %sub3A_83 : f32 to vector<2000x128xf32>
    %sub3A_85 = arith.subf %sub3A_84, %logistic3A_79 : vector<2000x128xf32>
    %mul3A_86 = arith.mulf %sub3A_85, %tanh3A_82 : vector<2000x128xf32>
    %mul3A_87 = arith.mulf %logistic3A_79, %add3A_46 : vector<2000x128xf32>
    %add3A_88 = arith.addf %mul3A_86, %mul3A_87 : vector<2000x128xf32>
    %get3A_89 = arith.constant 2 : index
    %get3A_90 = arith.constant 0 : index
    %get3A_91 = arith.constant 0 : index
    %get3A_92 = vector.load %arg1[%get3A_89, %get3A_90, %get3A_91] : memref<8x2000x128xf32, #tpu.memory_space<vmem>>, vector<1x2000x128xf32>
    %get3A_93 = vector.shape_cast %get3A_92 : vector<1x2000x128xf32> to vector<2000x128xf32>
    %dot_general3A_94 = arith.constant dense<0.000000e+00> : vector<2000x384xf32>
    %dot_general3A_95 = tpu.matmul %get3A_93, %get3A_1, %dot_general3A_94 {dimension_numbers = #tpu.dot_dimension_numbers<[1], [1], [0], [0], [0, 0, 1, 0], [], []>, transpose_lhs_hint = false} : vector<2000x128xf32>, vector<384x128xf32>, vector<2000x384xf32> -> vector<2000x384xf32>
    %add3A_96 = vector.broadcast %get3A_7 : vector<1x384xf32> to vector<2000x384xf32>
    %add3A_97 = arith.addf %dot_general3A_95, %add3A_96 : vector<2000x384xf32>
    %dot_general3A_98 = arith.constant dense<0.000000e+00> : vector<2000x384xf32>
    %dot_general3A_99 = tpu.matmul %add3A_88, %get3A_4, %dot_general3A_98 {dimension_numbers = #tpu.dot_dimension_numbers<[1], [1], [0], [0], [0, 0, 1, 0], [], []>, transpose_lhs_hint = false} : vector<2000x128xf32>, vector<384x128xf32>, vector<2000x384xf32> -> vector<2000x384xf32>
    %add3A_100 = vector.broadcast %get3A_10 : vector<1x384xf32> to vector<2000x384xf32>
    %add3A_101 = arith.addf %dot_general3A_99, %add3A_100 : vector<2000x384xf32>
    %slice3A_102 = vector.extract_strided_slice %add3A_97 {offsets = [0, 0], sizes = [2000, 128], strides = [1, 1]} : vector<2000x384xf32> to vector<2000x128xf32>
    %slice3A_103 = vector.extract_strided_slice %add3A_97 {offsets = [0, 128], sizes = [2000, 128], strides = [1, 1]} : vector<2000x384xf32> to vector<2000x128xf32>
    %slice3A_104 = vector.extract_strided_slice %add3A_97 {offsets = [0, 256], sizes = [2000, 128], strides = [1, 1]} : vector<2000x384xf32> to vector<2000x128xf32>
    %slice3A_105 = vector.extract_strided_slice %add3A_101 {offsets = [0, 0], sizes = [2000, 128], strides = [1, 1]} : vector<2000x384xf32> to vector<2000x128xf32>
    %slice3A_106 = vector.extract_strided_slice %add3A_101 {offsets = [0, 128], sizes = [2000, 128], strides = [1, 1]} : vector<2000x384xf32> to vector<2000x128xf32>
    %slice3A_107 = vector.extract_strided_slice %add3A_101 {offsets = [0, 256], sizes = [2000, 128], strides = [1, 1]} : vector<2000x384xf32> to vector<2000x128xf32>
    %add3A_108 = arith.addf %slice3A_102, %slice3A_105 : vector<2000x128xf32>
    %logistic3A_109 = arith.negf %add3A_108 : vector<2000x128xf32>
    %logistic3A_110 = math.exp %logistic3A_109 : vector<2000x128xf32>
    %logistic3A_111 = arith.constant 1.000000e+00 : f32
    %logistic3A_112 = vector.broadcast %logistic3A_111 : f32 to vector<2000x128xf32>
    %logistic3A_113 = arith.addf %logistic3A_112, %logistic3A_110 : vector<2000x128xf32>
    %logistic3A_114 = arith.divf %logistic3A_112, %logistic3A_113 : vector<2000x128xf32>
    %add3A_115 = arith.addf %slice3A_103, %slice3A_106 : vector<2000x128xf32>
    %logistic3A_116 = arith.negf %add3A_115 : vector<2000x128xf32>
    %logistic3A_117 = math.exp %logistic3A_116 : vector<2000x128xf32>
    %logistic3A_118 = arith.constant 1.000000e+00 : f32
    %logistic3A_119 = vector.broadcast %logistic3A_118 : f32 to vector<2000x128xf32>
    %logistic3A_120 = arith.addf %logistic3A_119, %logistic3A_117 : vector<2000x128xf32>
    %logistic3A_121 = arith.divf %logistic3A_119, %logistic3A_120 : vector<2000x128xf32>
    %mul3A_122 = arith.mulf %logistic3A_114, %slice3A_107 : vector<2000x128xf32>
    %add3A_123 = arith.addf %slice3A_104, %mul3A_122 : vector<2000x128xf32>
    %tanh3A_124 = math.tanh %add3A_123 : vector<2000x128xf32>
    %sub3A_125 = arith.constant 1.000000e+00 : f32
    %sub3A_126 = vector.broadcast %sub3A_125 : f32 to vector<2000x128xf32>
    %sub3A_127 = arith.subf %sub3A_126, %logistic3A_121 : vector<2000x128xf32>
    %mul3A_128 = arith.mulf %sub3A_127, %tanh3A_124 : vector<2000x128xf32>
    %mul3A_129 = arith.mulf %logistic3A_121, %add3A_88 : vector<2000x128xf32>
    %add3A_130 = arith.addf %mul3A_128, %mul3A_129 : vector<2000x128xf32>
    %get3A_131 = arith.constant 3 : index
    %get3A_132 = arith.constant 0 : index
    %get3A_133 = arith.constant 0 : index
    %get3A_134 = vector.load %arg1[%get3A_131, %get3A_132, %get3A_133] : memref<8x2000x128xf32, #tpu.memory_space<vmem>>, vector<1x2000x128xf32>
    %get3A_135 = vector.shape_cast %get3A_134 : vector<1x2000x128xf32> to vector<2000x128xf32>
    %dot_general3A_136 = arith.constant dense<0.000000e+00> : vector<2000x384xf32>
    %dot_general3A_137 = tpu.matmul %get3A_135, %get3A_1, %dot_general3A_136 {dimension_numbers = #tpu.dot_dimension_numbers<[1], [1], [0], [0], [0, 0, 1, 0], [], []>, transpose_lhs_hint = false} : vector<2000x128xf32>, vector<384x128xf32>, vector<2000x384xf32> -> vector<2000x384xf32>
    %add3A_138 = vector.broadcast %get3A_7 : vector<1x384xf32> to vector<2000x384xf32>
    %add3A_139 = arith.addf %dot_general3A_137, %add3A_138 : vector<2000x384xf32>
    %dot_general3A_140 = arith.constant dense<0.000000e+00> : vector<2000x384xf32>
    %dot_general3A_141 = tpu.matmul %add3A_130, %get3A_4, %dot_general3A_140 {dimension_numbers = #tpu.dot_dimension_numbers<[1], [1], [0], [0], [0, 0, 1, 0], [], []>, transpose_lhs_hint = false} : vector<2000x128xf32>, vector<384x128xf32>, vector<2000x384xf32> -> vector<2000x384xf32>
    %add3A_142 = vector.broadcast %get3A_10 : vector<1x384xf32> to vector<2000x384xf32>
    %add3A_143 = arith.addf %dot_general3A_141, %add3A_142 : vector<2000x384xf32>
    %slice3A_144 = vector.extract_strided_slice %add3A_139 {offsets = [0, 0], sizes = [2000, 128], strides = [1, 1]} : vector<2000x384xf32> to vector<2000x128xf32>
    %slice3A_145 = vector.extract_strided_slice %add3A_139 {offsets = [0, 128], sizes = [2000, 128], strides = [1, 1]} : vector<2000x384xf32> to vector<2000x128xf32>
    %slice3A_146 = vector.extract_strided_slice %add3A_139 {offsets = [0, 256], sizes = [2000, 128], strides = [1, 1]} : vector<2000x384xf32> to vector<2000x128xf32>
    %slice3A_147 = vector.extract_strided_slice %add3A_143 {offsets = [0, 0], sizes = [2000, 128], strides = [1, 1]} : vector<2000x384xf32> to vector<2000x128xf32>
    %slice3A_148 = vector.extract_strided_slice %add3A_143 {offsets = [0, 128], sizes = [2000, 128], strides = [1, 1]} : vector<2000x384xf32> to vector<2000x128xf32>
    %slice3A_149 = vector.extract_strided_slice %add3A_143 {offsets = [0, 256], sizes = [2000, 128], strides = [1, 1]} : vector<2000x384xf32> to vector<2000x128xf32>
    %add3A_150 = arith.addf %slice3A_144, %slice3A_147 : vector<2000x128xf32>
    %logistic3A_151 = arith.negf %add3A_150 : vector<2000x128xf32>
    %logistic3A_152 = math.exp %logistic3A_151 : vector<2000x128xf32>
    %logistic3A_153 = arith.constant 1.000000e+00 : f32
    %logistic3A_154 = vector.broadcast %logistic3A_153 : f32 to vector<2000x128xf32>
    %logistic3A_155 = arith.addf %logistic3A_154, %logistic3A_152 : vector<2000x128xf32>
    %logistic3A_156 = arith.divf %logistic3A_154, %logistic3A_155 : vector<2000x128xf32>
    %add3A_157 = arith.addf %slice3A_145, %slice3A_148 : vector<2000x128xf32>
    %logistic3A_158 = arith.negf %add3A_157 : vector<2000x128xf32>
    %logistic3A_159 = math.exp %logistic3A_158 : vector<2000x128xf32>
    %logistic3A_160 = arith.constant 1.000000e+00 : f32
    %logistic3A_161 = vector.broadcast %logistic3A_160 : f32 to vector<2000x128xf32>
    %logistic3A_162 = arith.addf %logistic3A_161, %logistic3A_159 : vector<2000x128xf32>
    %logistic3A_163 = arith.divf %logistic3A_161, %logistic3A_162 : vector<2000x128xf32>
    %mul3A_164 = arith.mulf %logistic3A_156, %slice3A_149 : vector<2000x128xf32>
    %add3A_165 = arith.addf %slice3A_146, %mul3A_164 : vector<2000x128xf32>
    %tanh3A_166 = math.tanh %add3A_165 : vector<2000x128xf32>
    %sub3A_167 = arith.constant 1.000000e+00 : f32
    %sub3A_168 = vector.broadcast %sub3A_167 : f32 to vector<2000x128xf32>
    %sub3A_169 = arith.subf %sub3A_168, %logistic3A_163 : vector<2000x128xf32>
    %mul3A_170 = arith.mulf %sub3A_169, %tanh3A_166 : vector<2000x128xf32>
    %mul3A_171 = arith.mulf %logistic3A_163, %add3A_130 : vector<2000x128xf32>
    %add3A_172 = arith.addf %mul3A_170, %mul3A_171 : vector<2000x128xf32>
    %get3A_173 = arith.constant 4 : index
    %get3A_174 = arith.constant 0 : index
    %get3A_175 = arith.constant 0 : index
    %get3A_176 = vector.load %arg1[%get3A_173, %get3A_174, %get3A_175] : memref<8x2000x128xf32, #tpu.memory_space<vmem>>, vector<1x2000x128xf32>
    %get3A_177 = vector.shape_cast %get3A_176 : vector<1x2000x128xf32> to vector<2000x128xf32>
    %dot_general3A_178 = arith.constant dense<0.000000e+00> : vector<2000x384xf32>
    %dot_general3A_179 = tpu.matmul %get3A_177, %get3A_1, %dot_general3A_178 {dimension_numbers = #tpu.dot_dimension_numbers<[1], [1], [0], [0], [0, 0, 1, 0], [], []>, transpose_lhs_hint = false} : vector<2000x128xf32>, vector<384x128xf32>, vector<2000x384xf32> -> vector<2000x384xf32>
    %add3A_180 = vector.broadcast %get3A_7 : vector<1x384xf32> to vector<2000x384xf32>
    %add3A_181 = arith.addf %dot_general3A_179, %add3A_180 : vector<2000x384xf32>
    %dot_general3A_182 = arith.constant dense<0.000000e+00> : vector<2000x384xf32>
    %dot_general3A_183 = tpu.matmul %add3A_172, %get3A_4, %dot_general3A_182 {dimension_numbers = #tpu.dot_dimension_numbers<[1], [1], [0], [0], [0, 0, 1, 0], [], []>, transpose_lhs_hint = false} : vector<2000x128xf32>, vector<384x128xf32>, vector<2000x384xf32> -> vector<2000x384xf32>
    %add3A_184 = vector.broadcast %get3A_10 : vector<1x384xf32> to vector<2000x384xf32>
    %add3A_185 = arith.addf %dot_general3A_183, %add3A_184 : vector<2000x384xf32>
    %slice3A_186 = vector.extract_strided_slice %add3A_181 {offsets = [0, 0], sizes = [2000, 128], strides = [1, 1]} : vector<2000x384xf32> to vector<2000x128xf32>
    %slice3A_187 = vector.extract_strided_slice %add3A_181 {offsets = [0, 128], sizes = [2000, 128], strides = [1, 1]} : vector<2000x384xf32> to vector<2000x128xf32>
    %slice3A_188 = vector.extract_strided_slice %add3A_181 {offsets = [0, 256], sizes = [2000, 128], strides = [1, 1]} : vector<2000x384xf32> to vector<2000x128xf32>
    %slice3A_189 = vector.extract_strided_slice %add3A_185 {offsets = [0, 0], sizes = [2000, 128], strides = [1, 1]} : vector<2000x384xf32> to vector<2000x128xf32>
    %slice3A_190 = vector.extract_strided_slice %add3A_185 {offsets = [0, 128], sizes = [2000, 128], strides = [1, 1]} : vector<2000x384xf32> to vector<2000x128xf32>
    %slice3A_191 = vector.extract_strided_slice %add3A_185 {offsets = [0, 256], sizes = [2000, 128], strides = [1, 1]} : vector<2000x384xf32> to vector<2000x128xf32>
    %add3A_192 = arith.addf %slice3A_186, %slice3A_189 : vector<2000x128xf32>
    %logistic3A_193 = arith.negf %add3A_192 : vector<2000x128xf32>
    %logistic3A_194 = math.exp %logistic3A_193 : vector<2000x128xf32>
    %logistic3A_195 = arith.constant 1.000000e+00 : f32
    %logistic3A_196 = vector.broadcast %logistic3A_195 : f32 to vector<2000x128xf32>
    %logistic3A_197 = arith.addf %logistic3A_196, %logistic3A_194 : vector<2000x128xf32>
    %logistic3A_198 = arith.divf %logistic3A_196, %logistic3A_197 : vector<2000x128xf32>
    %add3A_199 = arith.addf %slice3A_187, %slice3A_190 : vector<2000x128xf32>
    %logistic3A_200 = arith.negf %add3A_199 : vector<2000x128xf32>
    %logistic3A_201 = math.exp %logistic3A_200 : vector<2000x128xf32>
    %logistic3A_202 = arith.constant 1.000000e+00 : f32
    %logistic3A_203 = vector.broadcast %logistic3A_202 : f32 to vector<2000x128xf32>
    %logistic3A_204 = arith.addf %logistic3A_203, %logistic3A_201 : vector<2000x128xf32>
    %logistic3A_205 = arith.divf %logistic3A_203, %logistic3A_204 : vector<2000x128xf32>
    %mul3A_206 = arith.mulf %logistic3A_198, %slice3A_191 : vector<2000x128xf32>
    %add3A_207 = arith.addf %slice3A_188, %mul3A_206 : vector<2000x128xf32>
    %tanh3A_208 = math.tanh %add3A_207 : vector<2000x128xf32>
    %sub3A_209 = arith.constant 1.000000e+00 : f32
    %sub3A_210 = vector.broadcast %sub3A_209 : f32 to vector<2000x128xf32>
    %sub3A_211 = arith.subf %sub3A_210, %logistic3A_205 : vector<2000x128xf32>
    %mul3A_212 = arith.mulf %sub3A_211, %tanh3A_208 : vector<2000x128xf32>
    %mul3A_213 = arith.mulf %logistic3A_205, %add3A_172 : vector<2000x128xf32>
    %add3A_214 = arith.addf %mul3A_212, %mul3A_213 : vector<2000x128xf32>
    %get3A_215 = arith.constant 5 : index
    %get3A_216 = arith.constant 0 : index
    %get3A_217 = arith.constant 0 : index
    %get3A_218 = vector.load %arg1[%get3A_215, %get3A_216, %get3A_217] : memref<8x2000x128xf32, #tpu.memory_space<vmem>>, vector<1x2000x128xf32>
    %get3A_219 = vector.shape_cast %get3A_218 : vector<1x2000x128xf32> to vector<2000x128xf32>
    %dot_general3A_220 = arith.constant dense<0.000000e+00> : vector<2000x384xf32>
    %dot_general3A_221 = tpu.matmul %get3A_219, %get3A_1, %dot_general3A_220 {dimension_numbers = #tpu.dot_dimension_numbers<[1], [1], [0], [0], [0, 0, 1, 0], [], []>, transpose_lhs_hint = false} : vector<2000x128xf32>, vector<384x128xf32>, vector<2000x384xf32> -> vector<2000x384xf32>
    %add3A_222 = vector.broadcast %get3A_7 : vector<1x384xf32> to vector<2000x384xf32>
    %add3A_223 = arith.addf %dot_general3A_221, %add3A_222 : vector<2000x384xf32>
    %dot_general3A_224 = arith.constant dense<0.000000e+00> : vector<2000x384xf32>
    %dot_general3A_225 = tpu.matmul %add3A_214, %get3A_4, %dot_general3A_224 {dimension_numbers = #tpu.dot_dimension_numbers<[1], [1], [0], [0], [0, 0, 1, 0], [], []>, transpose_lhs_hint = false} : vector<2000x128xf32>, vector<384x128xf32>, vector<2000x384xf32> -> vector<2000x384xf32>
    %add3A_226 = vector.broadcast %get3A_10 : vector<1x384xf32> to vector<2000x384xf32>
    %add3A_227 = arith.addf %dot_general3A_225, %add3A_226 : vector<2000x384xf32>
    %slice3A_228 = vector.extract_strided_slice %add3A_223 {offsets = [0, 0], sizes = [2000, 128], strides = [1, 1]} : vector<2000x384xf32> to vector<2000x128xf32>
    %slice3A_229 = vector.extract_strided_slice %add3A_223 {offsets = [0, 128], sizes = [2000, 128], strides = [1, 1]} : vector<2000x384xf32> to vector<2000x128xf32>
    %slice3A_230 = vector.extract_strided_slice %add3A_223 {offsets = [0, 256], sizes = [2000, 128], strides = [1, 1]} : vector<2000x384xf32> to vector<2000x128xf32>
    %slice3A_231 = vector.extract_strided_slice %add3A_227 {offsets = [0, 0], sizes = [2000, 128], strides = [1, 1]} : vector<2000x384xf32> to vector<2000x128xf32>
    %slice3A_232 = vector.extract_strided_slice %add3A_227 {offsets = [0, 128], sizes = [2000, 128], strides = [1, 1]} : vector<2000x384xf32> to vector<2000x128xf32>
    %slice3A_233 = vector.extract_strided_slice %add3A_227 {offsets = [0, 256], sizes = [2000, 128], strides = [1, 1]} : vector<2000x384xf32> to vector<2000x128xf32>
    %add3A_234 = arith.addf %slice3A_228, %slice3A_231 : vector<2000x128xf32>
    %logistic3A_235 = arith.negf %add3A_234 : vector<2000x128xf32>
    %logistic3A_236 = math.exp %logistic3A_235 : vector<2000x128xf32>
    %logistic3A_237 = arith.constant 1.000000e+00 : f32
    %logistic3A_238 = vector.broadcast %logistic3A_237 : f32 to vector<2000x128xf32>
    %logistic3A_239 = arith.addf %logistic3A_238, %logistic3A_236 : vector<2000x128xf32>
    %logistic3A_240 = arith.divf %logistic3A_238, %logistic3A_239 : vector<2000x128xf32>
    %add3A_241 = arith.addf %slice3A_229, %slice3A_232 : vector<2000x128xf32>
    %logistic3A_242 = arith.negf %add3A_241 : vector<2000x128xf32>
    %logistic3A_243 = math.exp %logistic3A_242 : vector<2000x128xf32>
    %logistic3A_244 = arith.constant 1.000000e+00 : f32
    %logistic3A_245 = vector.broadcast %logistic3A_244 : f32 to vector<2000x128xf32>
    %logistic3A_246 = arith.addf %logistic3A_245, %logistic3A_243 : vector<2000x128xf32>
    %logistic3A_247 = arith.divf %logistic3A_245, %logistic3A_246 : vector<2000x128xf32>
    %mul3A_248 = arith.mulf %logistic3A_240, %slice3A_233 : vector<2000x128xf32>
    %add3A_249 = arith.addf %slice3A_230, %mul3A_248 : vector<2000x128xf32>
    %tanh3A_250 = math.tanh %add3A_249 : vector<2000x128xf32>
    %sub3A_251 = arith.constant 1.000000e+00 : f32
    %sub3A_252 = vector.broadcast %sub3A_251 : f32 to vector<2000x128xf32>
    %sub3A_253 = arith.subf %sub3A_252, %logistic3A_247 : vector<2000x128xf32>
    %mul3A_254 = arith.mulf %sub3A_253, %tanh3A_250 : vector<2000x128xf32>
    %mul3A_255 = arith.mulf %logistic3A_247, %add3A_214 : vector<2000x128xf32>
    %add3A_256 = arith.addf %mul3A_254, %mul3A_255 : vector<2000x128xf32>
    %get3A_257 = arith.constant 6 : index
    %get3A_258 = arith.constant 0 : index
    %get3A_259 = arith.constant 0 : index
    %get3A_260 = vector.load %arg1[%get3A_257, %get3A_258, %get3A_259] : memref<8x2000x128xf32, #tpu.memory_space<vmem>>, vector<1x2000x128xf32>
    %get3A_261 = vector.shape_cast %get3A_260 : vector<1x2000x128xf32> to vector<2000x128xf32>
    %dot_general3A_262 = arith.constant dense<0.000000e+00> : vector<2000x384xf32>
    %dot_general3A_263 = tpu.matmul %get3A_261, %get3A_1, %dot_general3A_262 {dimension_numbers = #tpu.dot_dimension_numbers<[1], [1], [0], [0], [0, 0, 1, 0], [], []>, transpose_lhs_hint = false} : vector<2000x128xf32>, vector<384x128xf32>, vector<2000x384xf32> -> vector<2000x384xf32>
    %add3A_264 = vector.broadcast %get3A_7 : vector<1x384xf32> to vector<2000x384xf32>
    %add3A_265 = arith.addf %dot_general3A_263, %add3A_264 : vector<2000x384xf32>
    %dot_general3A_266 = arith.constant dense<0.000000e+00> : vector<2000x384xf32>
    %dot_general3A_267 = tpu.matmul %add3A_256, %get3A_4, %dot_general3A_266 {dimension_numbers = #tpu.dot_dimension_numbers<[1], [1], [0], [0], [0, 0, 1, 0], [], []>, transpose_lhs_hint = false} : vector<2000x128xf32>, vector<384x128xf32>, vector<2000x384xf32> -> vector<2000x384xf32>
    %add3A_268 = vector.broadcast %get3A_10 : vector<1x384xf32> to vector<2000x384xf32>
    %add3A_269 = arith.addf %dot_general3A_267, %add3A_268 : vector<2000x384xf32>
    %slice3A_270 = vector.extract_strided_slice %add3A_265 {offsets = [0, 0], sizes = [2000, 128], strides = [1, 1]} : vector<2000x384xf32> to vector<2000x128xf32>
    %slice3A_271 = vector.extract_strided_slice %add3A_265 {offsets = [0, 128], sizes = [2000, 128], strides = [1, 1]} : vector<2000x384xf32> to vector<2000x128xf32>
    %slice3A_272 = vector.extract_strided_slice %add3A_265 {offsets = [0, 256], sizes = [2000, 128], strides = [1, 1]} : vector<2000x384xf32> to vector<2000x128xf32>
    %slice3A_273 = vector.extract_strided_slice %add3A_269 {offsets = [0, 0], sizes = [2000, 128], strides = [1, 1]} : vector<2000x384xf32> to vector<2000x128xf32>
    %slice3A_274 = vector.extract_strided_slice %add3A_269 {offsets = [0, 128], sizes = [2000, 128], strides = [1, 1]} : vector<2000x384xf32> to vector<2000x128xf32>
    %slice3A_275 = vector.extract_strided_slice %add3A_269 {offsets = [0, 256], sizes = [2000, 128], strides = [1, 1]} : vector<2000x384xf32> to vector<2000x128xf32>
    %add3A_276 = arith.addf %slice3A_270, %slice3A_273 : vector<2000x128xf32>
    %logistic3A_277 = arith.negf %add3A_276 : vector<2000x128xf32>
    %logistic3A_278 = math.exp %logistic3A_277 : vector<2000x128xf32>
    %logistic3A_279 = arith.constant 1.000000e+00 : f32
    %logistic3A_280 = vector.broadcast %logistic3A_279 : f32 to vector<2000x128xf32>
    %logistic3A_281 = arith.addf %logistic3A_280, %logistic3A_278 : vector<2000x128xf32>
    %logistic3A_282 = arith.divf %logistic3A_280, %logistic3A_281 : vector<2000x128xf32>
    %add3A_283 = arith.addf %slice3A_271, %slice3A_274 : vector<2000x128xf32>
    %logistic3A_284 = arith.negf %add3A_283 : vector<2000x128xf32>
    %logistic3A_285 = math.exp %logistic3A_284 : vector<2000x128xf32>
    %logistic3A_286 = arith.constant 1.000000e+00 : f32
    %logistic3A_287 = vector.broadcast %logistic3A_286 : f32 to vector<2000x128xf32>
    %logistic3A_288 = arith.addf %logistic3A_287, %logistic3A_285 : vector<2000x128xf32>
    %logistic3A_289 = arith.divf %logistic3A_287, %logistic3A_288 : vector<2000x128xf32>
    %mul3A_290 = arith.mulf %logistic3A_282, %slice3A_275 : vector<2000x128xf32>
    %add3A_291 = arith.addf %slice3A_272, %mul3A_290 : vector<2000x128xf32>
    %tanh3A_292 = math.tanh %add3A_291 : vector<2000x128xf32>
    %sub3A_293 = arith.constant 1.000000e+00 : f32
    %sub3A_294 = vector.broadcast %sub3A_293 : f32 to vector<2000x128xf32>
    %sub3A_295 = arith.subf %sub3A_294, %logistic3A_289 : vector<2000x128xf32>
    %mul3A_296 = arith.mulf %sub3A_295, %tanh3A_292 : vector<2000x128xf32>
    %mul3A_297 = arith.mulf %logistic3A_289, %add3A_256 : vector<2000x128xf32>
    %add3A_298 = arith.addf %mul3A_296, %mul3A_297 : vector<2000x128xf32>
    %get3A_299 = arith.constant 7 : index
    %get3A_300 = arith.constant 0 : index
    %get3A_301 = arith.constant 0 : index
    %get3A_302 = vector.load %arg1[%get3A_299, %get3A_300, %get3A_301] : memref<8x2000x128xf32, #tpu.memory_space<vmem>>, vector<1x2000x128xf32>
    %get3A_303 = vector.shape_cast %get3A_302 : vector<1x2000x128xf32> to vector<2000x128xf32>
    %dot_general3A_304 = arith.constant dense<0.000000e+00> : vector<2000x384xf32>
    %dot_general3A_305 = tpu.matmul %get3A_303, %get3A_1, %dot_general3A_304 {dimension_numbers = #tpu.dot_dimension_numbers<[1], [1], [0], [0], [0, 0, 1, 0], [], []>, transpose_lhs_hint = false} : vector<2000x128xf32>, vector<384x128xf32>, vector<2000x384xf32> -> vector<2000x384xf32>
    %add3A_306 = vector.broadcast %get3A_7 : vector<1x384xf32> to vector<2000x384xf32>
    %add3A_307 = arith.addf %dot_general3A_305, %add3A_306 : vector<2000x384xf32>
    %dot_general3A_308 = arith.constant dense<0.000000e+00> : vector<2000x384xf32>
    %dot_general3A_309 = tpu.matmul %add3A_298, %get3A_4, %dot_general3A_308 {dimension_numbers = #tpu.dot_dimension_numbers<[1], [1], [0], [0], [0, 0, 1, 0], [], []>, transpose_lhs_hint = false} : vector<2000x128xf32>, vector<384x128xf32>, vector<2000x384xf32> -> vector<2000x384xf32>
    %add3A_310 = vector.broadcast %get3A_10 : vector<1x384xf32> to vector<2000x384xf32>
    %add3A_311 = arith.addf %dot_general3A_309, %add3A_310 : vector<2000x384xf32>
    %slice3A_312 = vector.extract_strided_slice %add3A_307 {offsets = [0, 0], sizes = [2000, 128], strides = [1, 1]} : vector<2000x384xf32> to vector<2000x128xf32>
    %slice3A_313 = vector.extract_strided_slice %add3A_307 {offsets = [0, 128], sizes = [2000, 128], strides = [1, 1]} : vector<2000x384xf32> to vector<2000x128xf32>
    %slice3A_314 = vector.extract_strided_slice %add3A_307 {offsets = [0, 256], sizes = [2000, 128], strides = [1, 1]} : vector<2000x384xf32> to vector<2000x128xf32>
    %slice3A_315 = vector.extract_strided_slice %add3A_311 {offsets = [0, 0], sizes = [2000, 128], strides = [1, 1]} : vector<2000x384xf32> to vector<2000x128xf32>
    %slice3A_316 = vector.extract_strided_slice %add3A_311 {offsets = [0, 128], sizes = [2000, 128], strides = [1, 1]} : vector<2000x384xf32> to vector<2000x128xf32>
    %slice3A_317 = vector.extract_strided_slice %add3A_311 {offsets = [0, 256], sizes = [2000, 128], strides = [1, 1]} : vector<2000x384xf32> to vector<2000x128xf32>
    %add3A_318 = arith.addf %slice3A_312, %slice3A_315 : vector<2000x128xf32>
    %logistic3A_319 = arith.negf %add3A_318 : vector<2000x128xf32>
    %logistic3A_320 = math.exp %logistic3A_319 : vector<2000x128xf32>
    %logistic3A_321 = arith.constant 1.000000e+00 : f32
    %logistic3A_322 = vector.broadcast %logistic3A_321 : f32 to vector<2000x128xf32>
    %logistic3A_323 = arith.addf %logistic3A_322, %logistic3A_320 : vector<2000x128xf32>
    %logistic3A_324 = arith.divf %logistic3A_322, %logistic3A_323 : vector<2000x128xf32>
    %add3A_325 = arith.addf %slice3A_313, %slice3A_316 : vector<2000x128xf32>
    %logistic3A_326 = arith.negf %add3A_325 : vector<2000x128xf32>
    %logistic3A_327 = math.exp %logistic3A_326 : vector<2000x128xf32>
    %logistic3A_328 = arith.constant 1.000000e+00 : f32
    %logistic3A_329 = vector.broadcast %logistic3A_328 : f32 to vector<2000x128xf32>
    %logistic3A_330 = arith.addf %logistic3A_329, %logistic3A_327 : vector<2000x128xf32>
    %logistic3A_331 = arith.divf %logistic3A_329, %logistic3A_330 : vector<2000x128xf32>
    %mul3A_332 = arith.mulf %logistic3A_324, %slice3A_317 : vector<2000x128xf32>
    %add3A_333 = arith.addf %slice3A_314, %mul3A_332 : vector<2000x128xf32>
    %tanh3A_334 = math.tanh %add3A_333 : vector<2000x128xf32>
    %sub3A_335 = arith.constant 1.000000e+00 : f32
    %sub3A_336 = vector.broadcast %sub3A_335 : f32 to vector<2000x128xf32>
    %sub3A_337 = arith.subf %sub3A_336, %logistic3A_331 : vector<2000x128xf32>
    %mul3A_338 = arith.mulf %sub3A_337, %tanh3A_334 : vector<2000x128xf32>
    %mul3A_339 = arith.mulf %logistic3A_331, %add3A_298 : vector<2000x128xf32>
    %add3A_340 = arith.addf %mul3A_338, %mul3A_339 : vector<2000x128xf32>
    %get3A_341 = arith.constant 0 : index
    %get3A_342 = arith.constant 0 : index
    %get3A_343 = vector.load %arg6[%get3A_341, %get3A_342] : memref<128x128xf32, #tpu.memory_space<vmem>>, vector<128x128xf32>
    %dot_general3A_344 = arith.constant dense<0.000000e+00> : vector<2000x128xf32>
    %dot_general3A_345 = tpu.matmul %add3A_340, %get3A_343, %dot_general3A_344 {dimension_numbers = #tpu.dot_dimension_numbers<[1], [0], [0], [1], [0, 0, 1, 1], [], []>, transpose_lhs_hint = false} : vector<2000x128xf32>, vector<128x128xf32>, vector<2000x128xf32> -> vector<2000x128xf32>
    %swap3A = arith.constant 0 : index
    %swap3A_346 = arith.constant 0 : index
    %swap3A_347 = vector.load %arg7[%swap3A, %swap3A_346] : memref<2000x128xf32, #tpu.memory_space<vmem>>, vector<2000x128xf32>
    tpu.vector_store %arg7[%swap3A, %swap3A_346], %dot_general3A_345 {strides = array<i32>} : memref<2000x128xf32, #tpu.memory_space<vmem>>, vector<2000x128xf32>,
    return
  }
  func.func @transform_0(%arg0: i32) -> (i32, i32, i32) {
    %c0_i32 = arith.constant 0 : i32
    %c0_i32_0 = arith.constant 0 : i32
    %c0_i32_1 = arith.constant 0 : i32
    return %c0_i32, %arg0, %c0_i32_0 : i32, i32, i32
  }
  func.func @transform_1(%arg0: i32) -> (i32, i32) {
    %c0_i32 = arith.constant 0 : i32
    %c0_i32_0 = arith.constant 0 : i32
    %c0_i32_1 = arith.constant 0 : i32
    return %c0_i32, %c0_i32_0 : i32, i32
  }
  func.func @transform_2(%arg0: i32) -> (i32, i32) {
    %c0_i32 = arith.constant 0 : i32
    %c0_i32_0 = arith.constant 0 : i32
    %c0_i32_1 = arith.constant 0 : i32
    return %c0_i32, %c0_i32_0 : i32, i32
  }
  func.func @transform_3(%arg0: i32) -> (i32, i32) {
    %c0_i32 = arith.constant 0 : i32
    %c0_i32_0 = arith.constant 0 : i32
    %c0_i32_1 = arith.constant 0 : i32
    return %c0_i32, %c0_i32_0 : i32, i32
  }
  func.func @transform_4(%arg0: i32) -> (i32, i32) {
    %c0_i32 = arith.constant 0 : i32
    %c0_i32_0 = arith.constant 0 : i32
    %c0_i32_1 = arith.constant 0 : i32
    return %c0_i32, %c0_i32_0 : i32, i32
  }
  func.func @transform_5(%arg0: i32) -> (i32, i32) {
    %c0_i32 = arith.constant 0 : i32
    %c0_i32_0 = arith.constant 0 : i32
    %c0_i32_1 = arith.constant 0 : i32
    return %c0_i32, %c0_i32_0 : i32, i32
  }
  func.func @transform_6(%arg0: i32) -> (i32, i32) {
    %c0_i32 = arith.constant 0 : i32
    %c0_i32_0 = arith.constant 0 : i32
    return %arg0, %c0_i32 : i32, i32
  }
}

module attributes {stable_mosaic.version = 14 : i64} {
  func.func @_scale_body(%arg0: i32, %arg1: memref<2000x128xf32, #tpu.memory_space<vmem>>, %arg2: memref<2x2000x16xf32, #tpu.memory_space<vmem>>, %arg3: memref<2000x128xf32, #tpu.memory_space<vmem>>) attributes {dimension_semantics = [#tpu.dimension_semantics<arbitrary>], iteration_bounds = array<i64: 5>, scalar_prefetch = 0 : i64, scratch_operands = 0 : i64, tpu.core_type = #tpu.core_type<tc>, window_params = [{transform_indices = @transform_0, window_bounds = array<i64: 2000, 128>}, {transform_indices = @transform_1, window_bounds = array<i64: 2, 2000, 16>}, {transform_indices = @transform_2, window_bounds = array<i64: 2000, 128>}]} {
    %get3A = arith.constant 0 : index
    %get3A_0 = arith.constant 0 : index
    %get3A_1 = arith.constant 0 : index
    %get3A_2 = vector.load %arg2[%get3A, %get3A_0, %get3A_1] : memref<2x2000x16xf32, #tpu.memory_space<vmem>>, vector<1x2000x1xf32>
    %get3A_3 = vector.shape_cast %get3A_2 : vector<1x2000x1xf32> to vector<2000x1xf32>
    %get3A_4 = arith.constant 1 : index
    %get3A_5 = arith.constant 0 : index
    %get3A_6 = arith.constant 0 : index
    %get3A_7 = vector.load %arg2[%get3A_4, %get3A_5, %get3A_6] : memref<2x2000x16xf32, #tpu.memory_space<vmem>>, vector<1x2000x1xf32>
    %get3A_8 = vector.shape_cast %get3A_7 : vector<1x2000x1xf32> to vector<2000x1xf32>
    %add3A = arith.addf %get3A_3, %get3A_8 : vector<2000x1xf32>
    %add3A_9 = arith.constant 1.000000e+00 : f32
    %add3A_10 = vector.broadcast %add3A_9 : f32 to vector<2000x1xf32>
    %add3A_11 = arith.addf %add3A, %add3A_10 : vector<2000x1xf32>
    %get3A_12 = arith.constant 0 : index
    %get3A_13 = arith.constant 0 : index
    %get3A_14 = vector.load %arg1[%get3A_12, %get3A_13] : memref<2000x128xf32, #tpu.memory_space<vmem>>, vector<2000x128xf32>
    %rsqrt3A = math.rsqrt %add3A_11 : vector<2000x1xf32>
    %mul3A = vector.broadcast %rsqrt3A : vector<2000x1xf32> to vector<2000x128xf32>
    %mul3A_15 = arith.mulf %get3A_14, %mul3A : vector<2000x128xf32>
    %swap3A = arith.constant 0 : index
    %swap3A_16 = arith.constant 0 : index
    %swap3A_17 = vector.load %arg3[%swap3A, %swap3A_16] : memref<2000x128xf32, #tpu.memory_space<vmem>>, vector<2000x128xf32>
    tpu.vector_store %arg3[%swap3A, %swap3A_16], %mul3A_15 {strides = array<i32>} : memref<2000x128xf32, #tpu.memory_space<vmem>>, vector<2000x128xf32>,
    return
  }
  func.func @transform_0(%arg0: i32) -> (i32, i32) {
    %c0_i32 = arith.constant 0 : i32
    %c0_i32_0 = arith.constant 0 : i32
    return %arg0, %c0_i32 : i32, i32
  }
  func.func @transform_1(%arg0: i32) -> (i32, i32, i32) {
    %c0_i32 = arith.constant 0 : i32
    %c0_i32_0 = arith.constant 0 : i32
    %c0_i32_1 = arith.constant 0 : i32
    return %c0_i32, %arg0, %c0_i32_0 : i32, i32, i32
  }
  func.func @transform_2(%arg0: i32) -> (i32, i32) {
    %c0_i32 = arith.constant 0 : i32
    %c0_i32_0 = arith.constant 0 : i32
    return %arg0, %c0_i32 : i32, i32
  }
}

module attributes {stable_mosaic.version = 14 : i64} {
  func.func @_head_body(%arg0: i32, %arg1: memref<2x2000x128xf32, #tpu.memory_space<vmem>>, %arg2: memref<2000x128xf32, #tpu.memory_space<vmem>>, %arg3: memref<2x2000x16xf32, #tpu.memory_space<vmem>>, %arg4: memref<1x128xf32, #tpu.memory_space<vmem>>, %arg5: memref<128x64xf32, #tpu.memory_space<vmem>>, %arg6: memref<1x64xf32, #tpu.memory_space<vmem>>, %arg7: memref<64x1xf32, #tpu.memory_space<vmem>>, %arg8: memref<1x1xf32, #tpu.memory_space<vmem>>, %arg9: memref<128x16xf32, #tpu.memory_space<vmem>>, %arg10: memref<1x16xf32, #tpu.memory_space<vmem>>, %arg11: memref<2000x1xf32, #tpu.memory_space<vmem>>, %arg12: memref<2000x16xf32, #tpu.memory_space<vmem>>) attributes {dimension_semantics = [#tpu.dimension_semantics<arbitrary>], iteration_bounds = array<i64: 5>, scalar_prefetch = 0 : i64, scratch_operands = 0 : i64, tpu.core_type = #tpu.core_type<tc>, window_params = [{transform_indices = @transform_0, window_bounds = array<i64: 2, 2000, 128>}, {transform_indices = @transform_1, window_bounds = array<i64: 2000, 128>}, {transform_indices = @transform_2, window_bounds = array<i64: 2, 2000, 16>}, {pipeline_mode = #tpu.pipeline_mode<synchronous>, transform_indices = @transform_3, window_bounds = array<i64: 1, 128>}, {pipeline_mode = #tpu.pipeline_mode<synchronous>, transform_indices = @transform_4, window_bounds = array<i64: 128, 64>}, {pipeline_mode = #tpu.pipeline_mode<synchronous>, transform_indices = @transform_5, window_bounds = array<i64: 1, 64>}, {pipeline_mode = #tpu.pipeline_mode<synchronous>, transform_indices = @transform_6, window_bounds = array<i64: 64, 1>}, {pipeline_mode = #tpu.pipeline_mode<synchronous>, transform_indices = @transform_7, window_bounds = array<i64: 1, 1>}, {pipeline_mode = #tpu.pipeline_mode<synchronous>, transform_indices = @transform_8, window_bounds = array<i64: 128, 16>}, {pipeline_mode = #tpu.pipeline_mode<synchronous>, transform_indices = @transform_9, window_bounds = array<i64: 1, 16>}, {transform_indices = @transform_10, window_bounds = array<i64: 2000, 1>}, {transform_indices = @transform_11, window_bounds = array<i64: 2000, 16>}]} {
    %get3A = arith.constant 0 : index
    %get3A_0 = arith.constant 0 : index
    %get3A_1 = arith.constant 0 : index
    %get3A_2 = vector.load %arg3[%get3A, %get3A_0, %get3A_1] : memref<2x2000x16xf32, #tpu.memory_space<vmem>>, vector<1x2000x1xf32>
    %get3A_3 = vector.shape_cast %get3A_2 : vector<1x2000x1xf32> to vector<2000x1xf32>
    %get3A_4 = arith.constant 1 : index
    %get3A_5 = arith.constant 0 : index
    %get3A_6 = arith.constant 0 : index
    %get3A_7 = vector.load %arg3[%get3A_4, %get3A_5, %get3A_6] : memref<2x2000x16xf32, #tpu.memory_space<vmem>>, vector<1x2000x1xf32>
    %get3A_8 = vector.shape_cast %get3A_7 : vector<1x2000x1xf32> to vector<2000x1xf32>
    %add3A = arith.addf %get3A_3, %get3A_8 : vector<2000x1xf32>
    %add3A_9 = arith.constant 1.000000e+00 : f32
    %add3A_10 = vector.broadcast %add3A_9 : f32 to vector<2000x1xf32>
    %add3A_11 = arith.addf %add3A, %add3A_10 : vector<2000x1xf32>
    %rsqrt3A = math.rsqrt %add3A_11 : vector<2000x1xf32>
    %get3A_12 = arith.constant 0 : index
    %get3A_13 = arith.constant 0 : index
    %get3A_14 = arith.constant 0 : index
    %get3A_15 = vector.load %arg1[%get3A_12, %get3A_13, %get3A_14] : memref<2x2000x128xf32, #tpu.memory_space<vmem>>, vector<1x2000x128xf32>
    %get3A_16 = vector.shape_cast %get3A_15 : vector<1x2000x128xf32> to vector<2000x128xf32>
    %get3A_17 = arith.constant 1 : index
    %get3A_18 = arith.constant 0 : index
    %get3A_19 = arith.constant 0 : index
    %get3A_20 = vector.load %arg1[%get3A_17, %get3A_18, %get3A_19] : memref<2x2000x128xf32, #tpu.memory_space<vmem>>, vector<1x2000x128xf32>
    %get3A_21 = vector.shape_cast %get3A_20 : vector<1x2000x128xf32> to vector<2000x128xf32>
    %add3A_22 = arith.addf %get3A_16, %get3A_21 : vector<2000x128xf32>
    %get3A_23 = arith.constant 0 : index
    %get3A_24 = arith.constant 0 : index
    %get3A_25 = vector.load %arg2[%get3A_23, %get3A_24] : memref<2000x128xf32, #tpu.memory_space<vmem>>, vector<2000x128xf32>
    %add3A_26 = arith.addf %add3A_22, %get3A_25 : vector<2000x128xf32>
    %mul3A = vector.broadcast %rsqrt3A : vector<2000x1xf32> to vector<2000x128xf32>
    %mul3A_27 = arith.mulf %add3A_26, %mul3A : vector<2000x128xf32>
    %get3A_28 = arith.constant 0 : index
    %get3A_29 = arith.constant 0 : index
    %get3A_30 = vector.load %arg4[%get3A_28, %get3A_29] : memref<1x128xf32, #tpu.memory_space<vmem>>, vector<1x128xf32>
    %add3A_31 = vector.broadcast %get3A_30 : vector<1x128xf32> to vector<2000x128xf32>
    %add3A_32 = arith.addf %mul3A_27, %add3A_31 : vector<2000x128xf32>
    %get3A_33 = arith.constant 0 : index
    %get3A_34 = arith.constant 0 : index
    %get3A_35 = vector.load %arg5[%get3A_33, %get3A_34] : memref<128x64xf32, #tpu.memory_space<vmem>>, vector<128x64xf32>
    %dot_general3A = arith.constant dense<0.000000e+00> : vector<2000x64xf32>
    %dot_general3A_36 = tpu.matmul %add3A_32, %get3A_35, %dot_general3A {dimension_numbers = #tpu.dot_dimension_numbers<[1], [0], [0], [1], [0, 0, 1, 1], [], []>, transpose_lhs_hint = false} : vector<2000x128xf32>, vector<128x64xf32>, vector<2000x64xf32> -> vector<2000x64xf32>
    %get3A_37 = arith.constant 0 : index
    %get3A_38 = arith.constant 0 : index
    %get3A_39 = vector.load %arg6[%get3A_37, %get3A_38] : memref<1x64xf32, #tpu.memory_space<vmem>>, vector<1x64xf32>
    %add3A_40 = vector.broadcast %get3A_39 : vector<1x64xf32> to vector<2000x64xf32>
    %add3A_41 = arith.addf %dot_general3A_36, %add3A_40 : vector<2000x64xf32>
    %max3A = arith.constant 0.000000e+00 : f32
    %max3A_42 = vector.broadcast %max3A : f32 to vector<2000x64xf32>
    %max3A_43 = arith.maximumf %add3A_41, %max3A_42 : vector<2000x64xf32>
    %get3A_44 = arith.constant 0 : index
    %get3A_45 = arith.constant 0 : index
    %get3A_46 = vector.load %arg7[%get3A_44, %get3A_45] : memref<64x1xf32, #tpu.memory_space<vmem>>, vector<64x1xf32>
    %dot_general3A_47 = arith.constant dense<0.000000e+00> : vector<2000x1xf32>
    %dot_general3A_48 = tpu.matmul %max3A_43, %get3A_46, %dot_general3A_47 {dimension_numbers = #tpu.dot_dimension_numbers<[1], [0], [0], [1], [0, 0, 1, 1], [], []>, transpose_lhs_hint = false} : vector<2000x64xf32>, vector<64x1xf32>, vector<2000x1xf32> -> vector<2000x1xf32>
    %get3A_49 = arith.constant 0 : index
    %get3A_50 = arith.constant 0 : index
    %get3A_51 = vector.load %arg8[%get3A_49, %get3A_50] : memref<1x1xf32, #tpu.memory_space<vmem>>, vector<1x1xf32>
    %add3A_52 = vector.broadcast %get3A_51 : vector<1x1xf32> to vector<2000x1xf32>
    %add3A_53 = arith.addf %dot_general3A_48, %add3A_52 : vector<2000x1xf32>
    %swap3A = arith.constant 0 : index
    %swap3A_54 = arith.constant 0 : index
    %swap3A_55 = vector.load %arg11[%swap3A, %swap3A_54] : memref<2000x1xf32, #tpu.memory_space<vmem>>, vector<2000x1xf32>
    tpu.vector_store %arg11[%swap3A, %swap3A_54], %add3A_53 {strides = array<i32>} : memref<2000x1xf32, #tpu.memory_space<vmem>>, vector<2000x1xf32>,
    %get3A_56 = arith.constant 0 : index
    %get3A_57 = arith.constant 0 : index
    %get3A_58 = vector.load %arg9[%get3A_56, %get3A_57] : memref<128x16xf32, #tpu.memory_space<vmem>>, vector<128x16xf32>
    %dot_general3A_59 = arith.constant dense<0.000000e+00> : vector<2000x16xf32>
    %dot_general3A_60 = tpu.matmul %add3A_32, %get3A_58, %dot_general3A_59 {dimension_numbers = #tpu.dot_dimension_numbers<[1], [0], [0], [1], [0, 0, 1, 1], [], []>, transpose_lhs_hint = false} : vector<2000x128xf32>, vector<128x16xf32>, vector<2000x16xf32> -> vector<2000x16xf32>
    %get3A_61 = arith.constant 0 : index
    %get3A_62 = arith.constant 0 : index
    %get3A_63 = vector.load %arg10[%get3A_61, %get3A_62] : memref<1x16xf32, #tpu.memory_space<vmem>>, vector<1x16xf32>
    %add3A_64 = vector.broadcast %get3A_63 : vector<1x16xf32> to vector<2000x16xf32>
    %add3A_65 = arith.addf %dot_general3A_60, %add3A_64 : vector<2000x16xf32>
    %swap3A_66 = arith.constant 0 : index
    %swap3A_67 = arith.constant 0 : index
    %swap3A_68 = vector.load %arg12[%swap3A_66, %swap3A_67] : memref<2000x16xf32, #tpu.memory_space<vmem>>, vector<2000x16xf32>
    tpu.vector_store %arg12[%swap3A_66, %swap3A_67], %add3A_65 {strides = array<i32>} : memref<2000x16xf32, #tpu.memory_space<vmem>>, vector<2000x16xf32>,
    return
  }
  func.func @transform_0(%arg0: i32) -> (i32, i32, i32) {
    %c0_i32 = arith.constant 0 : i32
    %c0_i32_0 = arith.constant 0 : i32
    %c0_i32_1 = arith.constant 0 : i32
    return %c0_i32, %arg0, %c0_i32_0 : i32, i32, i32
  }
  func.func @transform_1(%arg0: i32) -> (i32, i32) {
    %c0_i32 = arith.constant 0 : i32
    %c0_i32_0 = arith.constant 0 : i32
    return %arg0, %c0_i32 : i32, i32
  }
  func.func @transform_2(%arg0: i32) -> (i32, i32, i32) {
    %c0_i32 = arith.constant 0 : i32
    %c0_i32_0 = arith.constant 0 : i32
    %c0_i32_1 = arith.constant 0 : i32
    return %c0_i32, %arg0, %c0_i32_0 : i32, i32, i32
  }
  func.func @transform_3(%arg0: i32) -> (i32, i32) {
    %c0_i32 = arith.constant 0 : i32
    %c0_i32_0 = arith.constant 0 : i32
    %c0_i32_1 = arith.constant 0 : i32
    return %c0_i32, %c0_i32_0 : i32, i32
  }
  func.func @transform_4(%arg0: i32) -> (i32, i32) {
    %c0_i32 = arith.constant 0 : i32
    %c0_i32_0 = arith.constant 0 : i32
    %c0_i32_1 = arith.constant 0 : i32
    return %c0_i32, %c0_i32_0 : i32, i32
  }
  func.func @transform_5(%arg0: i32) -> (i32, i32) {
    %c0_i32 = arith.constant 0 : i32
    %c0_i32_0 = arith.constant 0 : i32
    %c0_i32_1 = arith.constant 0 : i32
    return %c0_i32, %c0_i32_0 : i32, i32
  }
  func.func @transform_6(%arg0: i32) -> (i32, i32) {
    %c0_i32 = arith.constant 0 : i32
    %c0_i32_0 = arith.constant 0 : i32
    %c0_i32_1 = arith.constant 0 : i32
    return %c0_i32, %c0_i32_0 : i32, i32
  }
  func.func @transform_7(%arg0: i32) -> (i32, i32) {
    %c0_i32 = arith.constant 0 : i32
    %c0_i32_0 = arith.constant 0 : i32
    %c0_i32_1 = arith.constant 0 : i32
    return %c0_i32, %c0_i32_0 : i32, i32
  }
  func.func @transform_8(%arg0: i32) -> (i32, i32) {
    %c0_i32 = arith.constant 0 : i32
    %c0_i32_0 = arith.constant 0 : i32
    %c0_i32_1 = arith.constant 0 : i32
    return %c0_i32, %c0_i32_0 : i32, i32
  }
  func.func @transform_9(%arg0: i32) -> (i32, i32) {
    %c0_i32 = arith.constant 0 : i32
    %c0_i32_0 = arith.constant 0 : i32
    %c0_i32_1 = arith.constant 0 : i32
    return %c0_i32, %c0_i32_0 : i32, i32
  }
  func.func @transform_10(%arg0: i32) -> (i32, i32) {
    %c0_i32 = arith.constant 0 : i32
    %c0_i32_0 = arith.constant 0 : i32
    return %arg0, %c0_i32 : i32, i32
  }
  func.func @transform_11(%arg0: i32) -> (i32, i32) {
    %c0_i32 = arith.constant 0 : i32
    %c0_i32_0 = arith.constant 0 : i32
    return %arg0, %c0_i32 : i32, i32
  }
}

</mosaic_0001>

<sc_bundles>
// kernel: kernel.10.cloned.1.call-start
scs
__scs_entry_jumppad:
0x0: {  	(pc) =	sbr.rel $0x88, $3  }
0x1: {  	(tag) =	ssettag $0x0;
	lr =	simm.s32 $0x1  }
0x2: {  	[smem:$0x3F93] =	sst lr;
	_ =	strace $0xD0000000  }
0x3: {  	_ = 	snop  }
0x4: {  	_ = 	snop  }
0x5: {  	_ = 	snop  }
0x6: {  	_ = 	snop  }
0x7: {  	_ = 	snop  }
__scs_overlays_trampoline_lowered:
0x8: {  	[smem:$0x3FA2] =	sst s0  }
0x9: {  	[smem:$0x3FA3] =	sst s1  }
0xa: {  	[smem:$0x3FA4] =	sst s2  }
0xb: {  	[smem:$0x3FA5] =	sst s3  }
0xc: {  	[smem:$0x3FA6] =	sst s4  }
0xd: {  	[smem:$0x3FA7] =	sst s5  }
0xe: {  	[smem:$0x3FA8] =	sst s6  }
0xf: {  	[smem:$0x3FA9] =	sst s7  }
0x10: {  	[smem:$0x3FAA] =	sst s8  }
0x11: {  	[smem:$0x3FAB] =	sst s9;
	s0 =	simm.s32 @!p0 $0x0  }
0x12: {  	s1 =	sld [smem:$0x3F91];
	s0 =	simm.s32 @p0 $0x1  }
0x13: {  	[smem:$0x3FAC] =	sst s0;
	s0 =	simm.s32 @!p1 $0x0  }
0x14: {  	s2 =	sld [smem:$0x3F90];
	s0 =	simm.s32 @p1 $0x1  }
0x15: {  	[smem:$0x3FAD] =	sst s0;
	s0 =	simm.s32 @!p2 $0x0  }
0x16: {  	s3 =	sld [smem:$0x3FDB];
	s0 =	simm.s32 @p2 $0x1  }
0x17: {  	s4 =	simm.s32 $0x1BF5;
	[smem:$0x3FAF] =	sst s0  }
0x18: {  	s0 =	sld [smem:$0x3F92];
	_ =	swait.ge [sflag:s4], $0x0  }
0x19: {  	s7 =	sld [smem:$0x3F93]  }
0x1a: {  	s8 =	sadd.s32 $0xFFFFE003, lr  }
0x1b: {  	s9 =	sadd.s32 $0xFFFFFEF7, lr;
	s5 =	simm.s32 $0xFFFFFFFF;
	p2 =	slt.u32 s8, $0xFFFFF086  }
0x1c: {  	p1 =	slt.u32 s9, $0xF7A;
	s5 =	simm.s32 @!p2 $0x0  }
0x1d: {  	s5 =	simm.s32 @p1 $0x1;
	p0 =	seq.s32 s7, s2  }
0x1e: {  	s7 =	smul.u32 @!p0 $0xF7A, s2;
	p2 =	seq.s32 @!p0 s5, $0x0  }
0x1f: {  	s9 =	smul.u32 $0xF7A, s1;
	s8 =	simm.s32 @!p0 $0x1BF5;
	p2 =	por !p2, p0  }
0x20: {  	[sflag:s8] =	ssyncset.s32 @!p0 $0xFFFFF086;
	s6 =	sadd.s32 @!p0 s3, s7;
	s7 =	simm.s32 @!p0 $0x108  }
0x21: {  	s3 =	sadd.s32 s3, s9;
	s6 =	sadd.s32 @!p0 $0x88, s6;
	s7 =	simm.s32 @p2 $0x1082  }
0x22: {  	[simem:s7], [sflag:s8] =	dma.local @!p0 [hbm:s6], $0xF7A  }
0x23: {  	s9 =	sor.u32 $0xD0000000, s2;
	s6 =	simm.s32 $0x108;
	_ =	swait.ge @!p0 [sflag:s8], $0x0  }
0x24: {  	s3 =	sadd.s32 $0x88, s3;
	s6 =	simm.s32 @!p1 $0x1082;
	[sflag:s4] =	ssyncset.s32 $0xFFFFF086  }
0x25: {  	[simem:s6], [sflag:s4] =	dma.local [hbm:s3], $0xF7A  }
0x26: {  	[smem:$0x3F93] =	sst s1;
	(tag) =	ssettag s2;
	_ =	strace s9  }
0x27: {  	s1 =	sld [smem:$0x3FA3]  }
0x28: {  	s2 =	sld [smem:$0x3FA4]  }
0x29: {  	s4 =	sld [smem:$0x3FA6]  }
0x2a: {  	p0 =	seq.s32 s5, $0x0;
	s5 =	sld [smem:$0x3FA7]  }
0x2b: {  	s6 =	sld [smem:$0x3FA8]  }
0x2c: {  	s7 =	sld [smem:$0x3FA9]  }
0x2d: {  	s3 =	simm.s32 $0x108;
	s8 =	sld [smem:$0x3FAA]  }
0x2e: {  	s3 =	simm.s32 @!p0 $0x1082;
	s9 =	sld [smem:$0x3FAB]  }
0x2f: {  	lr =	sadd.s32 s0, s3;
	s0 =	sld [smem:$0x3FA2]  }
0x30: {  	s3 =	sld [smem:$0x3FA5]  }
0x31: {  	[smem:$0x3FAE] =	sst s10  }
0x32: {  	s10 =	sld [smem:$0x3FAC];
	_ =	sdelay $0x3  }
0x33: {  	p0 =	seq.s32 s10, $0x1;
	s10 =	sld [smem:$0x3FAE];
	_ =	sdelay $0x3  }
0x34: {  	[smem:$0x3FAE] =	sst s10  }
0x35: {  	s10 =	sld [smem:$0x3FAD];
	_ =	sdelay $0x3  }
0x36: {  	p1 =	seq.s32 s10, $0x1;
	s10 =	sld [smem:$0x3FAE];
	_ =	sdelay $0x3  }
0x37: {  	[smem:$0x3FAE] =	sst s10  }
0x38: {  	s10 =	sld [smem:$0x3FAF]  }
0x39: {  	_ = 	snop;
	(pc) =	sbr.ind lr, $3  }
0x3a: {  	_ = 	snop  }
0x3b: {  	_ = 	snop  }
0x3c: {  	p2 =	seq.s32 s10, $0x1;
	s10 =	sld [smem:$0x3FAE]  }
0x3d: {  	_ =	shalt  }
0x3e: {  	_ =	shalt  }
0x3f: {  	_ =	shalt  }
0x40: {  	_ =	shalt  }
0x41: {  	_ =	shalt  }
0x42: {  	_ =	shalt  }
0x43: {  	_ =	shalt  }
0x44: {  	_ =	shalt  }
0x45: {  	_ =	shalt  }
0x46: {  	_ =	shalt  }
0x47: {  	_ =	shalt  }
0x48: {  	_ =	shalt  }
0x49: {  	_ =	shalt  }
0x4a: {  	_ =	shalt  }
0x4b: {  	_ =	shalt  }
0x4c: {  	_ =	shalt  }
0x4d: {  	_ =	shalt  }
0x4e: {  	_ =	shalt  }
0x4f: {  	_ =	shalt  }
0x50: {  	_ =	shalt  }
0x51: {  	_ =	shalt  }
0x52: {  	_ =	shalt  }
0x53: {  	_ =	shalt  }
0x54: {  	_ =	shalt  }
0x55: {  	_ =	shalt  }
0x56: {  	_ =	shalt  }
0x57: {  	_ =	shalt  }
0x58: {  	_ =	shalt  }
0x59: {  	_ =	shalt  }
0x5a: {  	_ =	shalt  }
0x5b: {  	_ =	shalt  }
0x5c: {  	_ =	shalt  }
0x5d: {  	_ =	shalt  }
0x5e: {  	_ =	shalt  }
0x5f: {  	_ =	shalt  }
0x60: {  	_ =	shalt  }
0x61: {  	_ =	shalt  }
0x62: {  	_ =	shalt  }
0x63: {  	_ =	shalt  }
0x64: {  	_ =	shalt  }
0x65: {  	_ =	shalt  }
0x66: {  	_ =	shalt  }
0x67: {  	_ =	shalt  }
0x68: {  	_ =	shalt  }
0x69: {  	_ =	shalt  }
0x6a: {  	_ =	shalt  }
0x6b: {  	_ =	shalt  }
0x6c: {  	_ =	shalt  }
0x6d: {  	_ =	shalt  }
0x6e: {  	_ =	shalt  }
0x6f: {  	_ =	shalt  }
0x70: {  	_ =	shalt  }
0x71: {  	_ =	shalt  }
0x72: {  	_ =	shalt  }
0x73: {  	_ =	shalt  }
0x74: {  	_ =	shalt  }
0x75: {  	_ =	shalt  }
0x76: {  	_ =	shalt  }
0x77: {  	_ =	shalt  }
0x78: {  	_ =	shalt  }
0x79: {  	_ =	shalt  }
0x7a: {  	_ =	shalt  }
0x7b: {  	_ =	shalt  }
0x7c: {  	_ =	shalt  }
0x7d: {  	_ =	shalt  }
0x7e: {  	_ =	shalt  }
0x7f: {  	_ =	shalt  }
0x80: {  	_ =	shalt  }
0x81: {  	_ =	shalt  }
0x82: {  	_ =	shalt  }
0x83: {  	_ =	shalt  }
0x84: {  	_ =	shalt  }
0x85: {  	_ =	shalt  }
0x86: {  	_ =	shalt  }
0x87: {  	_ =	shalt  }
.Lfunc_end0:
.L_simem_size_0:
called_computation.1_lowered:
.L_overlay_start_0:
0x88: {  	s2 =	sld [smem:$0x3FD9]  }
0x89: {  	s3 =	sld [smem:$0x3FFE];
	_ =	sdelay $0x1  }
0x8a: {  	s1 =	srdreg.scid  }
0x8b: {  	s0 =	sand.u32 $0x1, s1  }
0x8c: {  	s16 =	sshll.u32 s0, $0xA;
	s2 =	sadd.s32 s3, s2  }
0x8d: {  	s2 =	sadd.s32 s2, s16  }
0x8e: {  	[smem:$0x3FBA] =	sst s2  }
0x8f: {  	_ = 	snop  }
0x90: {  	(tm) =	ssettm $0x1  }
0x91: {  	s17 =	sld [smem:$0x3FFB];
	_ =	sdelay $0x3  }
0x92: {  	_ =	strace s17  }
0x93: {  	s2 =	sld [smem:$0x3FFC];
	_ =	sdelay $0x3  }
0x94: {  	_ =	strace s2  }
0x95: {  	s2 =	sld [smem:$0x3FFD];
	_ =	sdelay $0x3  }
0x96: {  	_ =	strace s2  }
0x97: {  	_ =	strace $0x8FFFFFFF  }
0x98: {  	s18 =	sld [smem:$0x3FDB];
	_ =	sdelay $0x1  }
0x99: {  	s19 =	simm.s32 $_scs_section_size  }
0x9a: {  	s4 =	simm.s32 $_size__tile_overlayer_lowered;
	s5 =	simm.s32 $_tile_overlayer_lowered  }
0x9b: {  	s22 =	simm.s32 $0x1BFF;
	s21 =	sshll.u32 s5, $0x1;
	s2 =	sadd.s32 s19, s18  }
0x9c: {  	s6 =	simm.s32 $0x0;
	s20 =	sshll.u32 s4, $0x1;
	s4 =	sadd.s32 s21, s2  }
0x9d: {  	[timem:s6], [sflag:s22] =	dma.local [hbm:s4], s20  }
0x9e: {  	_ =	swait.ge [sflag:s22], s20  }
0x9f: {  	s3 =	ssub.s32 $0x0, s20;
	[sflag:s22] =	ssyncset.done $0x0  }
0xa0: {  	[sflag:s22] =	ssyncadd.s32 s3;
	_ =	sdelay $0x1  }
0xa1: {  	s23 =	simm.s32 $0x1B8B  }
0xa2: {  	_ =	swait.ge [sflag:s23], $0x1  }
0xa3: {  	[sflag:s23] =	ssyncset.done $0x0  }
0xa4: {  	s25 =	simm.s32 $0x1B8E;
	s24 =	sld [smem:$0x3FFE];
	[sflag:s23] =	ssyncadd.s32 $0xFFFFFFFF  }
0xa5: {  	s26 =	simm.s32 $execute0_lowered;
	[smem:$0x3FD2] =	sst s25  }
0xa6: {  	s4 =	sshll.u32 s26, $0x1;
	_ =	strace $0x80000049;
	[dreg:$0x1] =	wrdreg $0xFFFFFFFF  }
0xa7: {  	s28 =	simm.s32 $_size_execute0_lowered;
	s2 =	sadd.s32 s2, s4;
	[dreg:$0x0] =	wrdreg $0x0  }
0xa8: {  	s4 =	sshll.u32 s28, $0x1;
	[dreg:$0x2] =	wrdreg s2  }
0xa9: {  	[dreg:$0x3] =	wrdreg s4  }
0xaa: {  	[dreg:$0x4] =	wrdreg $0xC0  }
0xab: {  	_ =	task [dreg:s6], $0x5FFFF  }
0xac: {  	[dreg:$0x1] =	wrdreg $0xFFFFFFFF  }
0xad: {  	[dreg:$0x0] =	wrdreg $0x60  }
0xae: {  	[dreg:$0x2] =	wrdreg s24  }
0xaf: {  	[dreg:$0x3] =	wrdreg $0x0  }
0xb0: {  	[dreg:$0x4] =	wrdreg $0x9  }
0xb1: {  	_ =	task.clear_ibuf [dreg:s6], $0x5FFFF;
	_ =	strace $0x90000049  }
0xb2: {  	s29 =	simm.s32 $0x9;
	_ =	strace $0x8000004B  }
0xb3: {  	_ =	swait.ge [sflag:s29], $0x1  }
0xb4: {  	[sflag:s29] =	ssyncadd.s32 $0xFFFFFFFF  }
0xb5: {  	_ =	strace $0x9000004B  }
0xb6: {  	_ =	sfence  }
0xb7: {  	s30 =	sld [smem:$0x0];
	_ =	sdelay $0x2  }
0xb8: {  	s31 =	sshll.u32 s1, $0xD;
	s1 =	sshrl.u32 s1, $0x2  }
0xb9: {  	s3 =	sand.u32 $0x4000, s31;
	s1 =	sadd.s32 s1, s30  }
0xba: {  	s0 =	sor.u32 s3, s0;
	s1 =	sshll.u32 s1, $0x11  }
0xbb: {  	s0 =	sor.u32 s1, s0  }
0xbc: {  	s0 =	sadd.s32 $0x8F2B, s0  }
0xbd: {  	[sflag:s0] =	ssyncadd.remote.s32 $0x1  }
0xbe: {  	_ =	sfence.sel $0xFFFF  }
0xbf: {  	[dreg:$0x0] =	wrdreg $0xFFFFFFFF;
	(pc) =	sbr.abs _section_cstart, $3  }
0xc0: {  	[dreg:$0x1] =	wrdreg $0xFFFFFFFF  }
0xc1: {  	_ =	task.clear_ibuf [dreg:s6], $0x2FFFF;
	_ =	strace $0x9FFFFFFF  }
0xc2: {  	(tm) =	ssettm $0x7FFFFFFF  }
0xc3: {  	_ =	shalt  }
tec
execute0_lowered:
.L_overlay_start_1:
0x0: {  	(tag) =	ssettag $0x1  }
0x1: {  	s0 =	rddreg [dreg:$0x0]  }
0x2: {  	s1 =	rddreg [dreg:$0x1]  }
0x3: {  	s2 =	simm.s32 $0x0;
	s3 =	srdreg.scid;
	s21 =	stileid.u32  }
0x4: {  	s28 =	simm.s32 $0x14000;
	s29 =	simm.s32 $0x5;
	s30 =	simm.s32 $0x1C000  }
0x5: {  	s31 =	simm.s32 $0x1C100;
	[smem:$0x7FF] =	sst s2;
	s8 =	smul.u32 $0x50000, s21  }
0x6: {  	s4 =	sadd.s32 $0x66000, s0;
	s3 =	sand.u32 $0x1, s3;
	s12 =	smul.u32 $0x14000, s21  }
0x7: {  	s5 =	sadd.s32 $0x2400, s0;
	s6 =	sadd.s32 $0xC200, s0;
	s26 =	smul.u32 $0x2710, s21  }
0x8: {  	s0 =	sadd.s32 $0x8D200, s0;
	_ =	strace $0x8000004A;
	s20 =	smul.u32 $0x140000, s3  }
0x9: {  	s7 =	ssub.s32 $0x2, s3;
	s10 =	sshll.u32 s3, $0x4;
	s3 =	smul.u32 $0x27100, s3  }
0xa: {  	s9 =	sshrl.u32 s7, $0x1;
	s8 =	sshrl.u32 s8, $0x2;
	s23 =	sor.u32 s21, s10  }
0xb: {  	s14 =	sadd.s32 $0x4000, s12;
	s15 =	sadd.s32 $0x8000, s12;
	s16 =	sadd.s32 $0xC000, s12  }
0xc: {  	s17 =	sadd.s32 $0x10000, s12;
	s13 =	ssub.s32 s7, s9;
	s7 =	sadd.s32 s8, s1  }
0xd: {  	s11 =	smul.u32 $0x2710, s23;
	s8 =	sadd.s32 s14, s1;
	s9 =	sadd.s32 s15, s1  }
0xe: {  	s10 =	sadd.s32 s16, s1;
	s12 =	sadd.s32 s12, s20;
	s14 =	sadd.s32 s20, s14  }
0xf: {  	s15 =	sadd.s32 s20, s15;
	s16 =	sadd.s32 s20, s16;
	s3 =	sadd.s32 s26, s3  }
0x10: {  	s12 =	sshrl.u32 s12, $0x3;
	s14 =	sshrl.u32 s14, $0x3;
	s15 =	sshrl.u32 s15, $0x3  }
0x11: {  	s21 =	sshrl.u32 s16, $0x3;
	s23 =	sadd.s32 $0x180, s3;
	s26 =	smax.u32 s13, $0x1  }
0x12: {  	s13 =	simm.s32 $0x80;
	s16 =	simm.s32 $0x1;
	s18 =	sshrl.u32 s11, $0x3  }
0x13: {  	s11 =	sadd.s32 s17, s1;
	s12 =	sadd.s32 s0, s12;
	[dreg:$0xe] =	wrdreg s26  }
0x14: {  	s17 =	sadd.s32 s20, s17;
	s14 =	sadd.s32 s0, s14;
	[dreg:$0x7] =	wrdreg s12  }
0x15: {  	s20 =	sadd.s32 s0, s15;
	s26 =	sadd.s32 $0x100, s3;
	[dreg:$0x8] =	wrdreg s14  }
0x16: {  	s3 =	simm.s32 $0x1C180;
	s22 =	sadd.s32 s5, s18;
	[dreg:$0x9] =	wrdreg s20  }
0x17: {  	s15 =	simm.s32 $0x18000;
	s24 =	sadd.s32 s6, s18;
	[dreg:$0x3] =	wrdreg s22  }
0x18: {  	s19 =	sadd.s32 $0x10, s18;
	s12 =	sadd.s32 s0, s21;
	[dreg:$0x4] =	wrdreg s24  }
0x19: {  	s18 =	sadd.s32 $0x4E0, s18;
	s25 =	sadd.s32 s5, s19;
	[dreg:$0xa] =	wrdreg s12  }
0x1a: {  	s14 =	simm.s32 $0x4;
	s19 =	sadd.s32 s6, s19;
	[dreg:$0x5] =	wrdreg s25  }
0x1b: {  	s22 =	sshrl.u32 s17, $0x3;
	s24 =	sadd.s32 s5, s18;
	[dreg:$0x6] =	wrdreg s19  }
0x1c: {  	s12 =	simm.s32 $0x3;
	s0 =	sadd.s32 s0, s22;
	[dreg:$0xc] =	wrdreg s24  }
0x1d: {  	s17 =	simm.s32 $0x2;
	s25 =	sadd.s32 s6, s18;
	[dreg:$0xb] =	wrdreg s0  }
0x1e: {  	s22 =	simm.s32 $0x0;
	[dreg:$0xd] =	wrdreg s25;
	s0 =	sshrl.u32 s23, $0x3  }
0x1f: {  	v0 =	vimm.f32 $0.0e+00;
	s24 =	sadd.s32 s0, s6;
	s25 =	sadd.s32 s0, s5;
	s0 =	simm.s32 $0x1C080  }
.LBB2_1:
0x20: {  	s18 =	sand.u32 $0xFE00, s2  }
0x21: {  	s19 =	sand.u32 $0x70, s2;
	s23 =	sshrl.u32 s18, $0x2  }
0x22: {  	s18 =	simm.s32 $0x40;
	s23 =	sor.u32 s19, s23;
	s19 =	simm.s32 $0x0  }
.LBB2_2:
0x23: {  	p0 =	sne.s32 s18, $0xFFC0  }
0x24: {  	[tilespmem:s23+$0x14000] =	vst v0;
	s19 =	sadd.s32 $0x10, s19;
	s23 =	smov.u32 s18;
	s18 =	sadd.s32 $0x40, s18  }
.Ltmp0:
0x25: {  	(pc) =	sbr.rel @p0 .LBB2_2-.Ltmp0, $4  }
0x26: {  	_ = 	snop  }
0x27: {  	s23 =	sand.u32 $0xFE00, s23  }
0x28: {  	s20 =	sand.u32 $0x70, s19;
	s23 =	sshrl.u32 s23, $0x2  }
0x29: {  	s23 =	sor.u32 s20, s23  }
0x2a: {  	[tilespmem:s23+$0x14000] =	vst v0  }
0x2b: {  	[spmem:s7] =	stream.linear.scatter [tilespmem:s28], [sflag:$0x5], $0x4000, $0x38;
	[tilespmem:$0x1CB00] =	vst v63  }
0x2c: {  	_ =	swait.ge [sflag:s29], $0x4000  }
0x2d: {  	[sflag:s29] =	ssyncset.done $0x0  }
0x2e: {  	[sflag:s29] =	ssyncadd.s32 $0xFFFFC000  }
0x2f: {  	[spmem:s8] =	stream.linear.scatter [tilespmem:s28], [sflag:$0x5], $0x4000, $0x38;
	[tilespmem:$0x1CB00] =	vst v63  }
0x30: {  	_ =	swait.ge [sflag:s29], $0x4000  }
0x31: {  	[sflag:s29] =	ssyncset.done $0x0  }
0x32: {  	[sflag:s29] =	ssyncadd.s32 $0xFFFFC000  }
0x33: {  	[spmem:s9] =	stream.linear.scatter [tilespmem:s28], [sflag:$0x5], $0x4000, $0x38;
	[tilespmem:$0x1CB00] =	vst v63  }
0x34: {  	_ =	swait.ge [sflag:s29], $0x4000  }
0x35: {  	[sflag:s29] =	ssyncset.done $0x0  }
0x36: {  	[sflag:s29] =	ssyncadd.s32 $0xFFFFC000  }
0x37: {  	[spmem:s10] =	stream.linear.scatter [tilespmem:s28], [sflag:$0x5], $0x4000, $0x38;
	[tilespmem:$0x1CB00] =	vst v63  }
0x38: {  	_ =	swait.ge [sflag:s29], $0x4000  }
0x39: {  	[sflag:s29] =	ssyncset.done $0x0  }
0x3a: {  	[sflag:s29] =	ssyncadd.s32 $0xFFFFC000  }
0x3b: {  	[spmem:s11] =	stream.linear.scatter [tilespmem:s28], [sflag:$0x5], $0x4000, $0x38;
	[tilespmem:$0x1CB00] =	vst v63  }
0x3c: {  	_ =	swait.ge [sflag:s29], $0x4000  }
0x3d: {  	[sflag:s29] =	ssyncset.done $0x0  }
0x3e: {  	[sflag:s29] =	ssyncadd.s32 $0xFFFFC000  }
0x3f: {  	[bflag:$0x0] =	sbarrier.arrive $0xFFFF  }
0x40: {  	s18 =	simm.s32 $0x0;
	s19 =	rddreg [dreg:$0x3]  }
0x41: {  	[tilespmem:s30], [sflag:$0x3] =	stream.linear.gather [hbm4b:s19+s18], $0x80, $0x38;
	[tilespmem:$0x1CB00] =	vst v63  }
0x42: {  	s20 =	rddreg [dreg:$0x4]  }
0x43: {  	[tilespmem:s31], [sflag:$0x3] =	stream.linear.gather [hbm4b:s20+s18], $0x80, $0x38;
	[tilespmem:$0x1CB00] =	vst v63  }
0x44: {  	s21 =	rddreg [dreg:$0x5]  }
0x45: {  	[tilespmem:s0], [sflag:$0x4] =	stream.linear.gather [hbm4b:s21+s18], $0x80, $0x38;
	[tilespmem:$0x1CB00] =	vst v63  }
0x46: {  	s23 =	rddreg [dreg:$0x6]  }
0x47: {  	[tilespmem:s3], [sflag:$0x4] =	stream.linear.gather [hbm4b:s23+s18], $0x80, $0x38;
	[tilespmem:$0x1CB00] =	vst v63  }
0x48: {  	_ =	swait.ge [sflag:s12], $0x80  }
0x49: {  	[sflag:s12] =	ssyncset.done $0x0  }
0x4a: {  	[sflag:s12] =	ssyncadd.s32 $0xFFFFFF80  }
0x4b: {  	_ =	swait.ge [sflag:s12], $0x80  }
0x4c: {  	[sflag:s12] =	ssyncset.done $0x0  }
0x4d: {  	[sflag:s12] =	ssyncadd.s32 $0xFFFFFF80  }
0x4e: {  	[tilespmem:s28], [sflag:$0x1] =	stream.indirect.gather [hbm4b:s4+s13], $0x80, s30, s13, $0xb8;
	[tilespmem:$0x1CB00] =	vst v63  }
0x4f: {  	_ =	swait.ge [sflag:s14], $0x80  }
0x50: {  	[sflag:s14] =	ssyncset.done $0x0  }
0x51: {  	[sflag:s14] =	ssyncadd.s32 $0xFFFFFF80  }
0x52: {  	_ =	swait.ge [sflag:s14], $0x80  }
0x53: {  	[sflag:s14] =	ssyncset.done $0x0  }
0x54: {  	[sflag:s14] =	ssyncadd.s32 $0xFFFFFF80  }
0x55: {  	[tilespmem:s15], [sflag:$0x2] =	stream.indirect.gather [hbm4b:s4+s13], $0x80, s0, s13, $0xb8;
	[tilespmem:$0x1CB00] =	vst v63  }
0x56: {  	_ =	swait.ge [sflag:s16], $0x4000  }
0x57: {  	[sflag:s16] =	ssyncset.done $0x0  }
0x58: {  	[sflag:s16] =	ssyncadd.s32 $0xFFFFC000  }
0x59: {  	[spmem:s1] =	stream.indirect.scatter.add.f32 [tilespmem:s28], [sflag:$0x5], $0x80, s31, s13, $0xb8;
	[tilespmem:$0x1CB00] =	vst v63  }
0x5a: {  	_ =	swait.ge [sflag:s29], $0x4000  }
0x5b: {  	s20 =	sshrl.u32 s26, $0x3;
	[sflag:s29] =	ssyncset.done $0x0  }
0x5c: {  	s21 =	sadd.s32 s5, s20;
	[sflag:s29] =	ssyncadd.s32 $0xFFFFC000  }
0x5d: {  	[tilespmem:s30], [sflag:$0x3] =	stream.linear.gather [hbm4b:s21+s2], $0x80, $0x38;
	[tilespmem:$0x1CB00] =	vst v63  }
0x5e: {  	s18 =	sadd.s32 s6, s20  }
0x5f: {  	[tilespmem:s31], [sflag:$0x3] =	stream.linear.gather [hbm4b:s18+s2], $0x80, $0x38;
	[tilespmem:$0x1CB00] =	vst v63  }
0x60: {  	_ =	swait.ge [sflag:s17], $0x4000  }
0x61: {  	[sflag:s17] =	ssyncset.done $0x0  }
0x62: {  	[sflag:s17] =	ssyncadd.s32 $0xFFFFC000  }
0x63: {  	[spmem:s1] =	stream.indirect.scatter.add.f32 [tilespmem:s15], [sflag:$0x5], $0x80, s3, s13, $0xb8;
	[tilespmem:$0x1CB00] =	vst v63  }
0x64: {  	_ =	swait.ge [sflag:s29], $0x4000  }
0x65: {  	[sflag:s29] =	ssyncset.done $0x0  }
0x66: {  	[sflag:s29] =	ssyncadd.s32 $0xFFFFC000  }
0x67: {  	_ =	swait.ge [sflag:s12], $0x80  }
0x68: {  	[sflag:s12] =	ssyncset.done $0x0  }
0x69: {  	[sflag:s12] =	ssyncadd.s32 $0xFFFFFF80  }
0x6a: {  	_ =	swait.ge [sflag:s12], $0x80  }
0x6b: {  	[sflag:s12] =	ssyncset.done $0x0  }
0x6c: {  	[sflag:s12] =	ssyncadd.s32 $0xFFFFFF80  }
0x6d: {  	[tilespmem:s28], [sflag:$0x1] =	stream.indirect.gather [hbm4b:s4+s13], $0x80, s30, s13, $0xb8;
	[tilespmem:$0x1CB00] =	vst v63  }
0x6e: {  	s23 =	sadd.s32 $0x0, s25  }
0x6f: {  	[tilespmem:s0], [sflag:$0x4] =	stream.linear.gather [hbm4b:s23+s2], $0x80, $0x38;
	[tilespmem:$0x1CB00] =	vst v63  }
0x70: {  	s19 =	sadd.s32 $0x0, s24;
	s18 =	sadd.s32 $0x100, s26;
	s23 =	simm.s32 $0x20  }
.LBB2_4:
0x71: {  	[tilespmem:s3], [sflag:$0x4] =	stream.linear.gather [hbm4b:s19+s2], $0x80, $0x38;
	[tilespmem:$0x1CB00] =	vst v63  }
0x72: {  	s19 =	smov.u32 s23  }
0x73: {  	p0 =	sne.s32 s23, $0x4A0;
	s23 =	sadd.s32 $0x20, s23;
	_ =	swait.ge [sflag:s14], $0x80  }
0x74: {  	[sflag:s14] =	ssyncset.done $0x0  }
0x75: {  	[sflag:s14] =	ssyncadd.s32 $0xFFFFFF80  }
0x76: {  	_ =	swait.ge [sflag:s14], $0x80  }
0x77: {  	[sflag:s14] =	ssyncset.done $0x0  }
0x78: {  	[sflag:s14] =	ssyncadd.s32 $0xFFFFFF80  }
0x79: {  	[tilespmem:s15], [sflag:$0x2] =	stream.indirect.gather [hbm4b:s4+s13], $0x80, s0, s13, $0xb8;
	[tilespmem:$0x1CB00] =	vst v63  }
0x7a: {  	_ =	swait.ge [sflag:s16], $0x4000  }
0x7b: {  	[sflag:s16] =	ssyncset.done $0x0  }
0x7c: {  	[sflag:s16] =	ssyncadd.s32 $0xFFFFC000  }
0x7d: {  	[spmem:s1] =	stream.indirect.scatter.add.f32 [tilespmem:s28], [sflag:$0x5], $0x80, s31, s13, $0xb8;
	[tilespmem:$0x1CB00] =	vst v63  }
0x7e: {  	_ =	swait.ge [sflag:s29], $0x4000  }
0x7f: {  	s20 =	sshrl.u32 s18, $0x3;
	[sflag:s29] =	ssyncset.done $0x0  }
0x80: {  	s21 =	sadd.s32 s5, s20;
	[sflag:s29] =	ssyncadd.s32 $0xFFFFC000  }
0x81: {  	[tilespmem:s30], [sflag:$0x3] =	stream.linear.gather [hbm4b:s21+s2], $0x80, $0x38;
	[tilespmem:$0x1CB00] =	vst v63  }
0x82: {  	s20 =	sadd.s32 s6, s20  }
0x83: {  	[tilespmem:s31], [sflag:$0x3] =	stream.linear.gather [hbm4b:s20+s2], $0x80, $0x38;
	[tilespmem:$0x1CB00] =	vst v63  }
0x84: {  	_ =	swait.ge [sflag:s17], $0x4000  }
0x85: {  	[sflag:s17] =	ssyncset.done $0x0  }
0x86: {  	[sflag:s17] =	ssyncadd.s32 $0xFFFFC000  }
0x87: {  	[spmem:s1] =	stream.indirect.scatter.add.f32 [tilespmem:s15], [sflag:$0x5], $0x80, s3, s13, $0xb8;
	[tilespmem:$0x1CB00] =	vst v63  }
0x88: {  	_ =	swait.ge [sflag:s29], $0x4000  }
0x89: {  	[sflag:s29] =	ssyncset.done $0x0  }
0x8a: {  	[sflag:s29] =	ssyncadd.s32 $0xFFFFC000  }
0x8b: {  	_ =	swait.ge [sflag:s12], $0x80  }
0x8c: {  	[sflag:s12] =	ssyncset.done $0x0  }
0x8d: {  	[sflag:s12] =	ssyncadd.s32 $0xFFFFFF80  }
0x8e: {  	_ =	swait.ge [sflag:s12], $0x80  }
0x8f: {  	[sflag:s12] =	ssyncset.done $0x0  }
.Ltmp1:
0x90: {  	[sflag:s12] =	ssyncadd.s32 $0xFFFFFF80;
	(pc) =	sbr.rel @p0 .LBB2_4-.Ltmp1, $4  }
0x91: {  	[tilespmem:s28], [sflag:$0x1] =	stream.indirect.gather [hbm4b:s4+s13], $0x80, s30, s13, $0xb8;
	[tilespmem:$0x1CB00] =	vst v63  }
0x92: {  	s20 =	sadd.s32 s19, s25  }
0x93: {  	[tilespmem:s0], [sflag:$0x4] =	stream.linear.gather [hbm4b:s20+s2], $0x80, $0x38;
	[tilespmem:$0x1CB00] =	vst v63  }
0x94: {  	s18 =	sadd.s32 $0x100, s18;
	s19 =	sadd.s32 s19, s24  }
0x95: {  	[tilespmem:s3], [sflag:$0x4] =	stream.linear.gather [hbm4b:s19+s2], $0x80, $0x38;
	[tilespmem:$0x1CB00] =	vst v63  }
0x96: {  	_ =	swait.ge [sflag:s14], $0x80  }
0x97: {  	[sflag:s14] =	ssyncset.done $0x0  }
0x98: {  	[sflag:s14] =	ssyncadd.s32 $0xFFFFFF80  }
0x99: {  	_ =	swait.ge [sflag:s14], $0x80  }
0x9a: {  	[sflag:s14] =	ssyncset.done $0x0  }
0x9b: {  	[sflag:s14] =	ssyncadd.s32 $0xFFFFFF80  }
0x9c: {  	[tilespmem:s15], [sflag:$0x2] =	stream.indirect.gather [hbm4b:s4+s13], $0x80, s0, s13, $0xb8;
	[tilespmem:$0x1CB00] =	vst v63  }
0x9d: {  	_ =	swait.ge [sflag:s16], $0x4000  }
0x9e: {  	[sflag:s16] =	ssyncset.done $0x0  }
0x9f: {  	[sflag:s16] =	ssyncadd.s32 $0xFFFFC000  }
0xa0: {  	[spmem:s1] =	stream.indirect.scatter.add.f32 [tilespmem:s28], [sflag:$0x5], $0x80, s31, s13, $0xb8;
	[tilespmem:$0x1CB00] =	vst v63  }
0xa1: {  	_ =	swait.ge [sflag:s29], $0x4000  }
0xa2: {  	[sflag:s29] =	ssyncset.done $0x0  }
0xa3: {  	[sflag:s29] =	ssyncadd.s32 $0xFFFFC000  }
0xa4: {  	_ =	swait.ge [sflag:s17], $0x4000  }
0xa5: {  	[sflag:s17] =	ssyncset.done $0x0  }
0xa6: {  	[sflag:s17] =	ssyncadd.s32 $0xFFFFC000  }
0xa7: {  	[spmem:s1] =	stream.indirect.scatter.add.f32 [tilespmem:s15], [sflag:$0x5], $0x80, s3, s13, $0xb8;
	[tilespmem:$0x1CB00] =	vst v63  }
0xa8: {  	_ =	swait.ge [sflag:s29], $0x4000  }
0xa9: {  	[sflag:s29] =	ssyncset.done $0x0  }
0xaa: {  	s19 =	simm.s32 $0x1C200;
	s18 =	rddreg [dreg:$0xc];
	[sflag:s29] =	ssyncadd.s32 $0xFFFFC000  }
0xab: {  	[tilespmem:s19], [sflag:$0x5] =	stream.linear.gather [hbm4b:s18+s2], $0x10, $0x38;
	[tilespmem:$0x1CB00] =	vst v63  }
0xac: {  	_ =	swait.ge [sflag:s29], $0x10  }
0xad: {  	[sflag:s29] =	ssyncset.done $0x0  }
0xae: {  	s20 =	simm.s32 $0x1C280;
	s21 =	rddreg [dreg:$0xd];
	[sflag:s29] =	ssyncadd.s32 $0xFFFFFFF0  }
0xaf: {  	[tilespmem:s20], [sflag:$0x5] =	stream.linear.gather [hbm4b:s21+s2], $0x10, $0x38;
	[tilespmem:$0x1CB00] =	vst v63  }
0xb0: {  	_ =	swait.ge [sflag:s29], $0x10  }
0xb1: {  	[sflag:s29] =	ssyncset.done $0x0  }
0xb2: {  	s23 =	simm.s32 $0x10;
	s21 =	simm.s32 $0x1C300;
	[sflag:s29] =	ssyncadd.s32 $0xFFFFFFF0  }
0xb3: {  	[tilespmem:s21], [sflag:$0x1] =	stream.indirect.gather [hbm4b:s4+s23], $0x80, s19, s23, $0xb8;
	[tilespmem:$0x1CB00] =	vst v63  }
0xb4: {  	_ =	swait.ge [sflag:s16], $0x800  }
0xb5: {  	[sflag:s16] =	ssyncset.done $0x0  }
0xb6: {  	[sflag:s16] =	ssyncadd.s32 $0xFFFFF800  }
0xb7: {  	[spmem:s1] =	stream.indirect.scatter.add.f32 [tilespmem:s21], [sflag:$0x5], $0x80, s20, s23, $0xb8;
	[tilespmem:$0x1CB00] =	vst v63  }
0xb8: {  	_ =	swait.ge [sflag:s29], $0x800  }
0xb9: {  	[sflag:s29] =	ssyncset.done $0x0  }
0xba: {  	[sflag:s29] =	ssyncadd.s32 $0xFFFFF800  }
0xbb: {  	[bflag:$0x0] =	sbarrier.arrive $0xFFFF  }
0xbc: {  	[tilespmem:s28], [sflag:$0x5] =	stream.linear.gather [spmem:s7], $0x4000, $0x38;
	[tilespmem:$0x1CB00] =	vst v63  }
0xbd: {  	_ =	swait.ge [sflag:s29], $0x4000  }
0xbe: {  	[sflag:s29] =	ssyncset.done $0x0  }
0xbf: {  	s21 =	rddreg [dreg:$0x7];
	[sflag:s29] =	ssyncadd.s32 $0xFFFFC000  }
0xc0: {  	[hbm4b:s21+s2] =	stream.linear.scatter [tilespmem:s28], [sflag:$0x5], $0x4000, $0x38;
	[tilespmem:$0x1CB00] =	vst v63  }
0xc1: {  	_ =	swait.ge [sflag:s29], $0x4000  }
0xc2: {  	[sflag:s29] =	ssyncset.done $0x0  }
0xc3: {  	[sflag:s29] =	ssyncadd.s32 $0xFFFFC000  }
0xc4: {  	[tilespmem:s28], [sflag:$0x5] =	stream.linear.gather [spmem:s8], $0x4000, $0x38;
	[tilespmem:$0x1CB00] =	vst v63  }
0xc5: {  	_ =	swait.ge [sflag:s29], $0x4000  }
0xc6: {  	[sflag:s29] =	ssyncset.done $0x0  }
0xc7: {  	s23 =	rddreg [dreg:$0x8];
	[sflag:s29] =	ssyncadd.s32 $0xFFFFC000  }
0xc8: {  	[hbm4b:s23+s2] =	stream.linear.scatter [tilespmem:s28], [sflag:$0x5], $0x4000, $0x38;
	[tilespmem:$0x1CB00] =	vst v63  }
0xc9: {  	_ =	swait.ge [sflag:s29], $0x4000  }
0xca: {  	[sflag:s29] =	ssyncset.done $0x0  }
0xcb: {  	[sflag:s29] =	ssyncadd.s32 $0xFFFFC000  }
0xcc: {  	[tilespmem:s28], [sflag:$0x5] =	stream.linear.gather [spmem:s9], $0x4000, $0x38;
	[tilespmem:$0x1CB00] =	vst v63  }
0xcd: {  	_ =	swait.ge [sflag:s29], $0x4000  }
0xce: {  	[sflag:s29] =	ssyncset.done $0x0  }
0xcf: {  	s19 =	rddreg [dreg:$0x9];
	[sflag:s29] =	ssyncadd.s32 $0xFFFFC000  }
0xd0: {  	[hbm4b:s19+s2] =	stream.linear.scatter [tilespmem:s28], [sflag:$0x5], $0x4000, $0x38;
	[tilespmem:$0x1CB00] =	vst v63  }
0xd1: {  	_ =	swait.ge [sflag:s29], $0x4000  }
0xd2: {  	[sflag:s29] =	ssyncset.done $0x0  }
0xd3: {  	[sflag:s29] =	ssyncadd.s32 $0xFFFFC000  }
0xd4: {  	[tilespmem:s28], [sflag:$0x5] =	stream.linear.gather [spmem:s10], $0x4000, $0x38;
	[tilespmem:$0x1CB00] =	vst v63  }
0xd5: {  	_ =	swait.ge [sflag:s29], $0x4000  }
0xd6: {  	[sflag:s29] =	ssyncset.done $0x0  }
0xd7: {  	s20 =	rddreg [dreg:$0xa];
	[sflag:s29] =	ssyncadd.s32 $0xFFFFC000  }
0xd8: {  	[hbm4b:s20+s2] =	stream.linear.scatter [tilespmem:s28], [sflag:$0x5], $0x4000, $0x38;
	[tilespmem:$0x1CB00] =	vst v63  }
0xd9: {  	_ =	swait.ge [sflag:s29], $0x4000  }
0xda: {  	[sflag:s29] =	ssyncset.done $0x0  }
0xdb: {  	[sflag:s29] =	ssyncadd.s32 $0xFFFFC000  }
0xdc: {  	[tilespmem:s28], [sflag:$0x5] =	stream.linear.gather [spmem:s11], $0x4000, $0x38;
	[tilespmem:$0x1CB00] =	vst v63  }
0xdd: {  	_ =	swait.ge [sflag:s29], $0x4000  }
0xde: {  	[sflag:s29] =	ssyncset.done $0x0  }
0xdf: {  	s21 =	rddreg [dreg:$0xb];
	[sflag:s29] =	ssyncadd.s32 $0xFFFFC000  }
0xe0: {  	[hbm4b:s21+s2] =	stream.linear.scatter [tilespmem:s28], [sflag:$0x5], $0x4000, $0x38;
	[tilespmem:$0x1CB00] =	vst v63  }
0xe1: {  	_ =	swait.ge [sflag:s29], $0x4000  }
0xe2: {  	s22 =	sadd.s32 $0x1, s22;
	s23 =	rddreg [dreg:$0xe]  }
0xe3: {  	p0 =	sne.s32 s22, s23  }
.Ltmp2:
0xe4: {  	_ = 	snop;
	(pc) =	sbr.rel @p0 .LBB2_1-.Ltmp2, $3  }
0xe5: {  	_ =	sdelay $0x1  }
0xe6: {  	[sflag:s29] =	ssyncset.done $0x0  }
0xe7: {  	[sflag:s29] =	ssyncadd.s32 $0xFFFFC000  }
0xe8: {  	_ =	sfence.sel $0x180000  }
0xe9: {  	[bflag:$0x0] =	sbarrier.arrive $0xFFFF  }
0xea: {  	_ =	strace $0x9000004A  }
0xeb: {  	s0 =	stileid.u32;
	[bflag:$0x2] =	sbarrier.arrive $0xFFFF  }
0xec: {  	p0 =	sne.s32 s0, $0x0;
	s0 =	rddreg [dreg:$0x2]  }
0xed: {  	s0 =	sadd.s32 @!p0 $0x100000, s0  }
0xee: {  	[sflag:s0] =	ssyncadd.tile.s32 @!p0 $0x1;
	_ =	shalt  }
.Lfunc_end2:
_tile_overlayer_lowered:
.L_overlay_start_2:
0xef: {  	(tag) =	ssettag $0x2  }
0xf0: {  	s0 =	rddreg [dreg:$0x0];
	s2 =	stileid.u32  }
0xf1: {  	s1 =	rddreg [dreg:$0x1];
	p0 =	sne.s32 s2, $0x0  }
0xf2: {  	s3 =	rddreg [dreg:$0x2];
	[bflag:$0x3] =	sbarrier.arrive $0xFFFF;
	s2 =	simm.s32 @!p0 $0x1C05  }
0xf3: {  	[timem:s3], [sflag:s2] =	dma.local @!p0 [hbm:s0], s1  }
0xf4: {  	s0 =	simm.s32 @!p0 $0x5  }
0xf5: {  	_ =	swait.ge @!p0 [sflag:s0], s1  }
0xf6: {  	s1 =	ssub.s32 @!p0 $0x0, s1;
	[sflag:s0] =	ssyncset.done @!p0 $0x0  }
0xf7: {  	[sflag:s0] =	ssyncadd.s32 @!p0 s1  }
0xf8: {  	[bflag:$0x3] =	sbarrier.arrive $0xFFFF  }
0xf9: {  	_ =	shalt  }

// kernel: kernel.7.cloned.1.call-start
scs
__scs_entry_jumppad:
0x0: {  	(pc) =	sbr.rel $0x88, $3  }
0x1: {  	(tag) =	ssettag $0x0;
	lr =	simm.s32 $0x1  }
0x2: {  	[smem:$0x3F93] =	sst lr;
	_ =	strace $0xD0000000  }
0x3: {  	_ = 	snop  }
0x4: {  	_ = 	snop  }
0x5: {  	_ = 	snop  }
0x6: {  	_ = 	snop  }
0x7: {  	_ = 	snop  }
__scs_overlays_trampoline_lowered:
0x8: {  	[smem:$0x3FA2] =	sst s0  }
0x9: {  	[smem:$0x3FA3] =	sst s1  }
0xa: {  	[smem:$0x3FA4] =	sst s2  }
0xb: {  	[smem:$0x3FA5] =	sst s3  }
0xc: {  	[smem:$0x3FA6] =	sst s4  }
0xd: {  	[smem:$0x3FA7] =	sst s5  }
0xe: {  	[smem:$0x3FA8] =	sst s6  }
0xf: {  	[smem:$0x3FA9] =	sst s7  }
0x10: {  	[smem:$0x3FAA] =	sst s8  }
0x11: {  	[smem:$0x3FAB] =	sst s9;
	s0 =	simm.s32 @!p0 $0x0  }
0x12: {  	s1 =	sld [smem:$0x3F91];
	s0 =	simm.s32 @p0 $0x1  }
0x13: {  	[smem:$0x3FAC] =	sst s0;
	s0 =	simm.s32 @!p1 $0x0  }
0x14: {  	s2 =	sld [smem:$0x3F90];
	s0 =	simm.s32 @p1 $0x1  }
0x15: {  	[smem:$0x3FAD] =	sst s0;
	s0 =	simm.s32 @!p2 $0x0  }
0x16: {  	s3 =	sld [smem:$0x3FDB];
	s0 =	simm.s32 @p2 $0x1  }
0x17: {  	s4 =	simm.s32 $0x1BF5;
	[smem:$0x3FAF] =	sst s0  }
0x18: {  	s0 =	sld [smem:$0x3F92];
	_ =	swait.ge [sflag:s4], $0x0  }
0x19: {  	s7 =	sld [smem:$0x3F93]  }
0x1a: {  	s8 =	sadd.s32 $0xFFFFE003, lr  }
0x1b: {  	s9 =	sadd.s32 $0xFFFFFEF7, lr;
	s5 =	simm.s32 $0xFFFFFFFF;
	p2 =	slt.u32 s8, $0xFFFFF086  }
0x1c: {  	p1 =	slt.u32 s9, $0xF7A;
	s5 =	simm.s32 @!p2 $0x0  }
0x1d: {  	s5 =	simm.s32 @p1 $0x1;
	p0 =	seq.s32 s7, s2  }
0x1e: {  	s7 =	smul.u32 @!p0 $0xF7A, s2;
	p2 =	seq.s32 @!p0 s5, $0x0  }
0x1f: {  	s9 =	smul.u32 $0xF7A, s1;
	s8 =	simm.s32 @!p0 $0x1BF5;
	p2 =	por !p2, p0  }
0x20: {  	[sflag:s8] =	ssyncset.s32 @!p0 $0xFFFFF086;
	s6 =	sadd.s32 @!p0 s3, s7;
	s7 =	simm.s32 @!p0 $0x108  }
0x21: {  	s3 =	sadd.s32 s3, s9;
	s6 =	sadd.s32 @!p0 $0x88, s6;
	s7 =	simm.s32 @p2 $0x1082  }
0x22: {  	[simem:s7], [sflag:s8] =	dma.local @!p0 [hbm:s6], $0xF7A  }
0x23: {  	s9 =	sor.u32 $0xD0000000, s2;
	s6 =	simm.s32 $0x108;
	_ =	swait.ge @!p0 [sflag:s8], $0x0  }
0x24: {  	s3 =	sadd.s32 $0x88, s3;
	s6 =	simm.s32 @!p1 $0x1082;
	[sflag:s4] =	ssyncset.s32 $0xFFFFF086  }
0x25: {  	[simem:s6], [sflag:s4] =	dma.local [hbm:s3], $0xF7A  }
0x26: {  	[smem:$0x3F93] =	sst s1;
	(tag) =	ssettag s2;
	_ =	strace s9  }
0x27: {  	s1 =	sld [smem:$0x3FA3]  }
0x28: {  	s2 =	sld [smem:$0x3FA4]  }
0x29: {  	s4 =	sld [smem:$0x3FA6]  }
0x2a: {  	p0 =	seq.s32 s5, $0x0;
	s5 =	sld [smem:$0x3FA7]  }
0x2b: {  	s6 =	sld [smem:$0x3FA8]  }
0x2c: {  	s7 =	sld [smem:$0x3FA9]  }
0x2d: {  	s3 =	simm.s32 $0x108;
	s8 =	sld [smem:$0x3FAA]  }
0x2e: {  	s3 =	simm.s32 @!p0 $0x1082;
	s9 =	sld [smem:$0x3FAB]  }
0x2f: {  	lr =	sadd.s32 s0, s3;
	s0 =	sld [smem:$0x3FA2]  }
0x30: {  	s3 =	sld [smem:$0x3FA5]  }
0x31: {  	[smem:$0x3FAE] =	sst s10  }
0x32: {  	s10 =	sld [smem:$0x3FAC];
	_ =	sdelay $0x3  }
0x33: {  	p0 =	seq.s32 s10, $0x1;
	s10 =	sld [smem:$0x3FAE];
	_ =	sdelay $0x3  }
0x34: {  	[smem:$0x3FAE] =	sst s10  }
0x35: {  	s10 =	sld [smem:$0x3FAD];
	_ =	sdelay $0x3  }
0x36: {  	p1 =	seq.s32 s10, $0x1;
	s10 =	sld [smem:$0x3FAE];
	_ =	sdelay $0x3  }
0x37: {  	[smem:$0x3FAE] =	sst s10  }
0x38: {  	s10 =	sld [smem:$0x3FAF]  }
0x39: {  	_ = 	snop;
	(pc) =	sbr.ind lr, $3  }
0x3a: {  	_ = 	snop  }
0x3b: {  	_ = 	snop  }
0x3c: {  	p2 =	seq.s32 s10, $0x1;
	s10 =	sld [smem:$0x3FAE]  }
0x3d: {  	_ =	shalt  }
0x3e: {  	_ =	shalt  }
0x3f: {  	_ =	shalt  }
0x40: {  	_ =	shalt  }
0x41: {  	_ =	shalt  }
0x42: {  	_ =	shalt  }
0x43: {  	_ =	shalt  }
0x44: {  	_ =	shalt  }
0x45: {  	_ =	shalt  }
0x46: {  	_ =	shalt  }
0x47: {  	_ =	shalt  }
0x48: {  	_ =	shalt  }
0x49: {  	_ =	shalt  }
0x4a: {  	_ =	shalt  }
0x4b: {  	_ =	shalt  }
0x4c: {  	_ =	shalt  }
0x4d: {  	_ =	shalt  }
0x4e: {  	_ =	shalt  }
0x4f: {  	_ =	shalt  }
0x50: {  	_ =	shalt  }
0x51: {  	_ =	shalt  }
0x52: {  	_ =	shalt  }
0x53: {  	_ =	shalt  }
0x54: {  	_ =	shalt  }
0x55: {  	_ =	shalt  }
0x56: {  	_ =	shalt  }
0x57: {  	_ =	shalt  }
0x58: {  	_ =	shalt  }
0x59: {  	_ =	shalt  }
0x5a: {  	_ =	shalt  }
0x5b: {  	_ =	shalt  }
0x5c: {  	_ =	shalt  }
0x5d: {  	_ =	shalt  }
0x5e: {  	_ =	shalt  }
0x5f: {  	_ =	shalt  }
0x60: {  	_ =	shalt  }
0x61: {  	_ =	shalt  }
0x62: {  	_ =	shalt  }
0x63: {  	_ =	shalt  }
0x64: {  	_ =	shalt  }
0x65: {  	_ =	shalt  }
0x66: {  	_ =	shalt  }
0x67: {  	_ =	shalt  }
0x68: {  	_ =	shalt  }
0x69: {  	_ =	shalt  }
0x6a: {  	_ =	shalt  }
0x6b: {  	_ =	shalt  }
0x6c: {  	_ =	shalt  }
0x6d: {  	_ =	shalt  }
0x6e: {  	_ =	shalt  }
0x6f: {  	_ =	shalt  }
0x70: {  	_ =	shalt  }
0x71: {  	_ =	shalt  }
0x72: {  	_ =	shalt  }
0x73: {  	_ =	shalt  }
0x74: {  	_ =	shalt  }
0x75: {  	_ =	shalt  }
0x76: {  	_ =	shalt  }
0x77: {  	_ =	shalt  }
0x78: {  	_ =	shalt  }
0x79: {  	_ =	shalt  }
0x7a: {  	_ =	shalt  }
0x7b: {  	_ =	shalt  }
0x7c: {  	_ =	shalt  }
0x7d: {  	_ =	shalt  }
0x7e: {  	_ =	shalt  }
0x7f: {  	_ =	shalt  }
0x80: {  	_ =	shalt  }
0x81: {  	_ =	shalt  }
0x82: {  	_ =	shalt  }
0x83: {  	_ =	shalt  }
0x84: {  	_ =	shalt  }
0x85: {  	_ =	shalt  }
0x86: {  	_ =	shalt  }
0x87: {  	_ =	shalt  }
.Lfunc_end0:
.L_simem_size_0:
called_computation_lowered:
.L_overlay_start_0:
0x88: {  	s2 =	sld [smem:$0x3FD9]  }
0x89: {  	s3 =	sld [smem:$0x3FFE];
	_ =	sdelay $0x1  }
0x8a: {  	s1 =	srdreg.scid  }
0x8b: {  	s0 =	sand.u32 $0x1, s1  }
0x8c: {  	s16 =	sshll.u32 s0, $0xA;
	s2 =	sadd.s32 s3, s2  }
0x8d: {  	s2 =	sadd.s32 s2, s16  }
0x8e: {  	[smem:$0x3FBA] =	sst s2  }
0x8f: {  	_ = 	snop  }
0x90: {  	(tm) =	ssettm $0x1  }
0x91: {  	s17 =	sld [smem:$0x3FFB];
	_ =	sdelay $0x3  }
0x92: {  	_ =	strace s17  }
0x93: {  	s2 =	sld [smem:$0x3FFC];
	_ =	sdelay $0x3  }
0x94: {  	_ =	strace s2  }
0x95: {  	s2 =	sld [smem:$0x3FFD];
	_ =	sdelay $0x3  }
0x96: {  	_ =	strace s2  }
0x97: {  	_ =	strace $0x8FFFFFFF  }
0x98: {  	s18 =	sld [smem:$0x3FDB];
	_ =	sdelay $0x1  }
0x99: {  	s19 =	simm.s32 $_scs_section_size  }
0x9a: {  	s4 =	simm.s32 $_size__tile_overlayer_lowered;
	s5 =	simm.s32 $_tile_overlayer_lowered  }
0x9b: {  	s22 =	simm.s32 $0x1BFF;
	s21 =	sshll.u32 s5, $0x1;
	s2 =	sadd.s32 s19, s18  }
0x9c: {  	s6 =	simm.s32 $0x0;
	s20 =	sshll.u32 s4, $0x1;
	s4 =	sadd.s32 s21, s2  }
0x9d: {  	[timem:s6], [sflag:s22] =	dma.local [hbm:s4], s20  }
0x9e: {  	_ =	swait.ge [sflag:s22], s20  }
0x9f: {  	s3 =	ssub.s32 $0x0, s20;
	[sflag:s22] =	ssyncset.done $0x0  }
0xa0: {  	[sflag:s22] =	ssyncadd.s32 s3;
	_ =	sdelay $0x1  }
0xa1: {  	s23 =	simm.s32 $0x1B8B  }
0xa2: {  	_ =	swait.ge [sflag:s23], $0x1  }
0xa3: {  	[sflag:s23] =	ssyncset.done $0x0  }
0xa4: {  	s25 =	simm.s32 $0x1B8E;
	s24 =	sld [smem:$0x3FFE];
	[sflag:s23] =	ssyncadd.s32 $0xFFFFFFFF  }
0xa5: {  	s26 =	simm.s32 $execute0_lowered;
	[smem:$0x3FD2] =	sst s25  }
0xa6: {  	s4 =	sshll.u32 s26, $0x1;
	_ =	strace $0x80000046;
	[dreg:$0x1] =	wrdreg $0xFFFFFFFF  }
0xa7: {  	s28 =	simm.s32 $_size_execute0_lowered;
	s2 =	sadd.s32 s2, s4;
	[dreg:$0x0] =	wrdreg $0x0  }
0xa8: {  	s4 =	sshll.u32 s28, $0x1;
	[dreg:$0x2] =	wrdreg s2  }
0xa9: {  	[dreg:$0x3] =	wrdreg s4  }
0xaa: {  	[dreg:$0x4] =	wrdreg $0xC0  }
0xab: {  	_ =	task [dreg:s6], $0x5FFFF  }
0xac: {  	[dreg:$0x1] =	wrdreg $0xFFFFFFFF  }
0xad: {  	[dreg:$0x0] =	wrdreg $0x60  }
0xae: {  	[dreg:$0x2] =	wrdreg s24  }
0xaf: {  	[dreg:$0x3] =	wrdreg $0x0  }
0xb0: {  	[dreg:$0x4] =	wrdreg $0x9  }
0xb1: {  	_ =	task.clear_ibuf [dreg:s6], $0x5FFFF;
	_ =	strace $0x90000046  }
0xb2: {  	s29 =	simm.s32 $0x9;
	_ =	strace $0x80000048  }
0xb3: {  	_ =	swait.ge [sflag:s29], $0x1  }
0xb4: {  	[sflag:s29] =	ssyncadd.s32 $0xFFFFFFFF  }
0xb5: {  	_ =	strace $0x90000048  }
0xb6: {  	_ =	sfence  }
0xb7: {  	s30 =	sld [smem:$0x0];
	_ =	sdelay $0x2  }
0xb8: {  	s31 =	sshll.u32 s1, $0xD;
	s1 =	sshrl.u32 s1, $0x2  }
0xb9: {  	s3 =	sand.u32 $0x4000, s31;
	s1 =	sadd.s32 s1, s30  }
0xba: {  	s0 =	sor.u32 s3, s0;
	s1 =	sshll.u32 s1, $0x11  }
0xbb: {  	s0 =	sor.u32 s1, s0  }
0xbc: {  	s0 =	sadd.s32 $0x8F2B, s0  }
0xbd: {  	[sflag:s0] =	ssyncadd.remote.s32 $0x1  }
0xbe: {  	_ =	sfence.sel $0xFFFF  }
0xbf: {  	[dreg:$0x0] =	wrdreg $0xFFFFFFFF;
	(pc) =	sbr.abs _section_cstart, $3  }
0xc0: {  	[dreg:$0x1] =	wrdreg $0xFFFFFFFF  }
0xc1: {  	_ =	task.clear_ibuf [dreg:s6], $0x2FFFF;
	_ =	strace $0x9FFFFFFF  }
0xc2: {  	(tm) =	ssettm $0x7FFFFFFF  }
0xc3: {  	_ =	shalt  }
tec
execute0_lowered:
.L_overlay_start_1:
0x0: {  	(tag) =	ssettag $0x1  }
0x1: {  	s0 =	rddreg [dreg:$0x0]  }
0x2: {  	s1 =	rddreg [dreg:$0x1];
	s2 =	simm.s32 $0x0;
	s3 =	srdreg.scid  }
0x3: {  	s15 =	stileid.u32;
	s28 =	simm.s32 $0x2800;
	s29 =	simm.s32 $0x4  }
0x4: {  	s30 =	simm.s32 $0x1;
	s31 =	simm.s32 $0x2;
	[smem:$0x7FF] =	sst s2  }
0x5: {  	s3 =	sand.u32 $0x1, s3;
	s4 =	sadd.s32 $0xC200, s0;
	s9 =	smul.u32 $0x2800, s15  }
0x6: {  	s0 =	sadd.s32 $0x16000, s0;
	s21 =	smul.u32 $0x2710, s15;
	_ =	strace $0x80000047  }
0x7: {  	s5 =	ssub.s32 $0x2, s3;
	s7 =	sshll.u32 s3, $0x4;
	s17 =	smul.u32 $0x28000, s3  }
0x8: {  	s3 =	smul.u32 $0x27100, s3;
	s6 =	sshrl.u32 s5, $0x1;
	s19 =	sor.u32 s15, s7  }
0x9: {  	s12 =	sadd.s32 $0x800, s9;
	s13 =	sadd.s32 $0x1000, s9;
	s16 =	sadd.s32 $0x1800, s9  }
0xa: {  	s18 =	sadd.s32 $0x2000, s9;
	s11 =	ssub.s32 s5, s6;
	s5 =	sadd.s32 s9, s1  }
0xb: {  	s10 =	smul.u32 $0x2710, s19;
	s6 =	sadd.s32 s12, s1;
	s7 =	sadd.s32 s13, s1  }
0xc: {  	s8 =	sadd.s32 s16, s1;
	s14 =	sadd.s32 s9, s17;
	s9 =	sadd.s32 s18, s1  }
0xd: {  	s12 =	sadd.s32 s17, s12;
	s13 =	sadd.s32 s17, s13;
	s22 =	sadd.s32 s17, s16  }
0xe: {  	s23 =	sadd.s32 s17, s18;
	s3 =	sadd.s32 s21, s3;
	s21 =	simm.s32 $0x3000  }
0xf: {  	s14 =	sshrl.u32 s14, $0x3;
	s12 =	sshrl.u32 s12, $0x3;
	s13 =	sshrl.u32 s13, $0x3  }
0x10: {  	s24 =	sshrl.u32 s23, $0x3;
	s25 =	sadd.s32 $0x180, s3;
	s18 =	smax.u32 s11, $0x1  }
0x11: {  	s23 =	simm.s32 $0x3800;
	s10 =	sshrl.u32 s10, $0x3;
	s14 =	sadd.s32 s0, s14  }
0x12: {  	s12 =	sadd.s32 s0, s12;
	s15 =	sadd.s32 s0, s13;
	s17 =	sadd.s32 s0, s24  }
0x13: {  	s26 =	sshrl.u32 s25, $0x3;
	s24 =	simm.s32 $0x3880;
	[dreg:$0x5] =	wrdreg s14  }
0x14: {  	s25 =	simm.s32 $0x3;
	s10 =	sadd.s32 s4, s10;
	[dreg:$0x6] =	wrdreg s12  }
0x15: {  	s12 =	sshrl.u32 s22, $0x3;
	s22 =	simm.s32 $0x5;
	s19 =	sadd.s32 $0x10, s10  }
0x16: {  	s20 =	sadd.s32 $0x4E0, s10;
	s16 =	sadd.s32 s0, s12;
	[dreg:$0x3] =	wrdreg s19  }
0x17: {  	s0 =	simm.s32 $0x3900;
	[dreg:$0x4] =	wrdreg s20;
	s19 =	sadd.s32 s26, s4  }
0x18: {  	v0 =	vimm.f32 $0.0e+00;
	v1 =	vimm.f32 $1.000000000e+00;
	s20 =	sadd.s32 $0x100, s3;
	s26 =	simm.s32 $0x80;
	s3 =	simm.s32 $0x0  }
.LBB2_1:
0x19: {  	s11 =	simm.s32 $0x40;
	s12 =	simm.s32 $0x0  }
.LBB2_2:
0x1a: {  	p0 =	sne.s32 s11, $0x1FC0;
	[tilespmem:s12+$0x3000] =	vst v0;
	s12 =	smov.u32 s11;
	s11 =	sadd.s32 $0x40, s11  }
.Ltmp0:
0x1b: {  	(pc) =	sbr.rel @p0 .LBB2_2-.Ltmp0, $2  }
0x1c: {  	_ =	sdelay $0x2  }
0x1d: {  	s12 =	sshra.s32 s12, $0x2  }
0x1e: {  	[tilespmem:s12+$0x3000] =	vst v0  }
0x1f: {  	[spmem:s5] =	stream.linear.scatter [tilespmem:s21], [sflag:$0x5], $0x800, $0x38;
	[tilespmem:$0x3910] =	vst v63  }
0x20: {  	_ =	swait.ge [sflag:s22], $0x800  }
0x21: {  	[sflag:s22] =	ssyncset.done $0x0  }
0x22: {  	[sflag:s22] =	ssyncadd.s32 $0xFFFFF800  }
0x23: {  	[spmem:s6] =	stream.linear.scatter [tilespmem:s21], [sflag:$0x5], $0x800, $0x38;
	[tilespmem:$0x3910] =	vst v63  }
0x24: {  	_ =	swait.ge [sflag:s22], $0x800  }
0x25: {  	[sflag:s22] =	ssyncset.done $0x0  }
0x26: {  	[sflag:s22] =	ssyncadd.s32 $0xFFFFF800  }
0x27: {  	[spmem:s7] =	stream.linear.scatter [tilespmem:s21], [sflag:$0x5], $0x800, $0x38;
	[tilespmem:$0x3910] =	vst v63  }
0x28: {  	_ =	swait.ge [sflag:s22], $0x800  }
0x29: {  	[sflag:s22] =	ssyncset.done $0x0  }
0x2a: {  	[sflag:s22] =	ssyncadd.s32 $0xFFFFF800  }
0x2b: {  	[spmem:s8] =	stream.linear.scatter [tilespmem:s21], [sflag:$0x5], $0x800, $0x38;
	[tilespmem:$0x3910] =	vst v63  }
0x2c: {  	_ =	swait.ge [sflag:s22], $0x800  }
0x2d: {  	[sflag:s22] =	ssyncset.done $0x0  }
0x2e: {  	[sflag:s22] =	ssyncadd.s32 $0xFFFFF800  }
0x2f: {  	[spmem:s9] =	stream.linear.scatter [tilespmem:s21], [sflag:$0x5], $0x800, $0x38;
	[tilespmem:$0x3910] =	vst v63  }
0x30: {  	_ =	swait.ge [sflag:s22], $0x800  }
0x31: {  	[sflag:s22] =	ssyncset.done $0x0  }
0x32: {  	s11 =	simm.s32 $0x40;
	s12 =	simm.s32 $0x0;
	[sflag:s22] =	ssyncadd.s32 $0xFFFFF800  }
.LBB2_4:
0x33: {  	p0 =	sne.s32 s11, $0x1FC0;
	[tilespmem:s12+$0x2800] =	vst v1;
	s12 =	smov.u32 s11;
	s11 =	sadd.s32 $0x40, s11  }
.Ltmp1:
0x34: {  	(pc) =	sbr.rel @p0 .LBB2_4-.Ltmp1, $2  }
0x35: {  	_ =	sdelay $0x2  }
0x36: {  	s12 =	sshra.s32 s12, $0x2  }
0x37: {  	[tilespmem:s12+$0x2800] =	vst v1  }
0x38: {  	s11 =	simm.s32 $0x0;
	[bflag:$0x0] =	sbarrier.arrive $0xFFFF  }
0x39: {  	[tilespmem:s23], [sflag:$0x3] =	stream.linear.gather [hbm4b:s10+s11], $0x80, $0x38;
	[tilespmem:$0x3910] =	vst v63  }
0x3a: {  	s13 =	rddreg [dreg:$0x3]  }
0x3b: {  	[tilespmem:s24], [sflag:$0x4] =	stream.linear.gather [hbm4b:s13+s11], $0x80, $0x38;
	[tilespmem:$0x3910] =	vst v63  }
0x3c: {  	_ =	swait.ge [sflag:s25], $0x80  }
0x3d: {  	[sflag:s25] =	ssyncset.done $0x0  }
0x3e: {  	[sflag:s25] =	ssyncadd.s32 $0xFFFFFF80  }
0x3f: {  	[spmem:s1] =	stream.indirect.scatter.add.f32 [tilespmem:s28], [sflag:$0x1], $0x10, s23, s26, $0xb8;
	[tilespmem:$0x3910] =	vst v63  }
0x40: {  	_ =	swait.ge [sflag:s29], $0x80  }
0x41: {  	[sflag:s29] =	ssyncset.done $0x0  }
0x42: {  	[sflag:s29] =	ssyncadd.s32 $0xFFFFFF80  }
0x43: {  	[spmem:s1] =	stream.indirect.scatter.add.f32 [tilespmem:s28], [sflag:$0x2], $0x10, s24, s26, $0xb8;
	[tilespmem:$0x3910] =	vst v63  }
0x44: {  	_ =	swait.ge [sflag:s30], $0x800  }
0x45: {  	s14 =	sshrl.u32 s20, $0x3;
	[sflag:s30] =	ssyncset.done $0x0  }
0x46: {  	s11 =	sadd.s32 s4, s14;
	[sflag:s30] =	ssyncadd.s32 $0xFFFFF800  }
0x47: {  	[tilespmem:s23], [sflag:$0x3] =	stream.linear.gather [hbm4b:s11+s2], $0x80, $0x38;
	[tilespmem:$0x3910] =	vst v63  }
0x48: {  	_ =	swait.ge [sflag:s25], $0x80  }
0x49: {  	[sflag:s25] =	ssyncset.done $0x0  }
0x4a: {  	[sflag:s25] =	ssyncadd.s32 $0xFFFFFF80  }
0x4b: {  	[spmem:s1] =	stream.indirect.scatter.add.f32 [tilespmem:s28], [sflag:$0x1], $0x10, s23, s26, $0xb8;
	[tilespmem:$0x3910] =	vst v63  }
0x4c: {  	_ =	swait.ge [sflag:s31], $0x800  }
0x4d: {  	s12 =	sadd.s32 $0x100, s20;
	[sflag:s31] =	ssyncset.done $0x0  }
0x4e: {  	s13 =	sadd.s32 $0x0, s19;
	s11 =	simm.s32 $0x20;
	[sflag:s31] =	ssyncadd.s32 $0xFFFFF800  }
.LBB2_6:
0x4f: {  	[tilespmem:s24], [sflag:$0x4] =	stream.linear.gather [hbm4b:s13+s2], $0x80, $0x38;
	[tilespmem:$0x3910] =	vst v63  }
0x50: {  	s13 =	smov.u32 s11  }
0x51: {  	p0 =	sne.s32 s11, $0x4A0;
	s11 =	sadd.s32 $0x20, s11;
	_ =	swait.ge [sflag:s29], $0x80  }
0x52: {  	[sflag:s29] =	ssyncset.done $0x0  }
0x53: {  	[sflag:s29] =	ssyncadd.s32 $0xFFFFFF80  }
0x54: {  	[spmem:s1] =	stream.indirect.scatter.add.f32 [tilespmem:s28], [sflag:$0x2], $0x10, s24, s26, $0xb8;
	[tilespmem:$0x3910] =	vst v63  }
0x55: {  	_ =	swait.ge [sflag:s30], $0x800  }
0x56: {  	s14 =	sshrl.u32 s12, $0x3;
	[sflag:s30] =	ssyncset.done $0x0  }
0x57: {  	s14 =	sadd.s32 s4, s14;
	[sflag:s30] =	ssyncadd.s32 $0xFFFFF800  }
0x58: {  	[tilespmem:s23], [sflag:$0x3] =	stream.linear.gather [hbm4b:s14+s2], $0x80, $0x38;
	[tilespmem:$0x3910] =	vst v63  }
0x59: {  	_ =	swait.ge [sflag:s25], $0x80  }
0x5a: {  	[sflag:s25] =	ssyncset.done $0x0  }
.Ltmp2:
0x5b: {  	[sflag:s25] =	ssyncadd.s32 $0xFFFFFF80;
	(pc) =	sbr.rel @p0 .LBB2_6-.Ltmp2, $4  }
0x5c: {  	[spmem:s1] =	stream.indirect.scatter.add.f32 [tilespmem:s28], [sflag:$0x1], $0x10, s23, s26, $0xb8;
	[tilespmem:$0x3910] =	vst v63  }
0x5d: {  	_ =	swait.ge [sflag:s31], $0x800  }
0x5e: {  	[sflag:s31] =	ssyncset.done $0x0  }
0x5f: {  	s12 =	sadd.s32 $0x100, s12;
	s13 =	sadd.s32 s13, s19;
	[sflag:s31] =	ssyncadd.s32 $0xFFFFF800  }
0x60: {  	[tilespmem:s24], [sflag:$0x4] =	stream.linear.gather [hbm4b:s13+s2], $0x80, $0x38;
	[tilespmem:$0x3910] =	vst v63  }
0x61: {  	_ =	swait.ge [sflag:s29], $0x80  }
0x62: {  	[sflag:s29] =	ssyncset.done $0x0  }
0x63: {  	[sflag:s29] =	ssyncadd.s32 $0xFFFFFF80  }
0x64: {  	[spmem:s1] =	stream.indirect.scatter.add.f32 [tilespmem:s28], [sflag:$0x2], $0x10, s24, s26, $0xb8;
	[tilespmem:$0x3910] =	vst v63  }
0x65: {  	_ =	swait.ge [sflag:s30], $0x800  }
0x66: {  	[sflag:s30] =	ssyncset.done $0x0  }
0x67: {  	[sflag:s30] =	ssyncadd.s32 $0xFFFFF800  }
0x68: {  	_ =	swait.ge [sflag:s31], $0x800  }
0x69: {  	[sflag:s31] =	ssyncset.done $0x0  }
0x6a: {  	s11 =	rddreg [dreg:$0x4];
	[sflag:s31] =	ssyncadd.s32 $0xFFFFF800  }
0x6b: {  	[tilespmem:s0], [sflag:$0x5] =	stream.linear.gather [hbm4b:s11+s2], $0x10, $0x38;
	[tilespmem:$0x3910] =	vst v63  }
0x6c: {  	_ =	swait.ge [sflag:s22], $0x10  }
0x6d: {  	[sflag:s22] =	ssyncset.done $0x0  }
0x6e: {  	s12 =	simm.s32 $0x10;
	[sflag:s22] =	ssyncadd.s32 $0xFFFFFFF0  }
0x6f: {  	[spmem:s1] =	stream.indirect.scatter.add.f32 [tilespmem:s28], [sflag:$0x5], $0x10, s0, s12, $0xb8;
	[tilespmem:$0x3910] =	vst v63  }
0x70: {  	_ =	swait.ge [sflag:s22], $0x100  }
0x71: {  	[sflag:s22] =	ssyncset.done $0x0  }
0x72: {  	[sflag:s22] =	ssyncadd.s32 $0xFFFFFF00  }
0x73: {  	[bflag:$0x0] =	sbarrier.arrive $0xFFFF  }
0x74: {  	[tilespmem:s21], [sflag:$0x5] =	stream.linear.gather [spmem:s5], $0x800, $0x38;
	[tilespmem:$0x3910] =	vst v63  }
0x75: {  	_ =	swait.ge [sflag:s22], $0x800  }
0x76: {  	[sflag:s22] =	ssyncset.done $0x0  }
0x77: {  	s13 =	rddreg [dreg:$0x5];
	[sflag:s22] =	ssyncadd.s32 $0xFFFFF800  }
0x78: {  	[hbm4b:s13+s2] =	stream.linear.scatter [tilespmem:s21], [sflag:$0x5], $0x800, $0x38;
	[tilespmem:$0x3910] =	vst v63  }
0x79: {  	_ =	swait.ge [sflag:s22], $0x800  }
0x7a: {  	[sflag:s22] =	ssyncset.done $0x0  }
0x7b: {  	[sflag:s22] =	ssyncadd.s32 $0xFFFFF800  }
0x7c: {  	[tilespmem:s21], [sflag:$0x5] =	stream.linear.gather [spmem:s6], $0x800, $0x38;
	[tilespmem:$0x3910] =	vst v63  }
0x7d: {  	_ =	swait.ge [sflag:s22], $0x800  }
0x7e: {  	[sflag:s22] =	ssyncset.done $0x0  }
0x7f: {  	s14 =	rddreg [dreg:$0x6];
	[sflag:s22] =	ssyncadd.s32 $0xFFFFF800  }
0x80: {  	[hbm4b:s14+s2] =	stream.linear.scatter [tilespmem:s21], [sflag:$0x5], $0x800, $0x38;
	[tilespmem:$0x3910] =	vst v63  }
0x81: {  	_ =	swait.ge [sflag:s22], $0x800  }
0x82: {  	[sflag:s22] =	ssyncset.done $0x0  }
0x83: {  	[sflag:s22] =	ssyncadd.s32 $0xFFFFF800  }
0x84: {  	[tilespmem:s21], [sflag:$0x5] =	stream.linear.gather [spmem:s7], $0x800, $0x38;
	[tilespmem:$0x3910] =	vst v63  }
0x85: {  	_ =	swait.ge [sflag:s22], $0x800  }
0x86: {  	[sflag:s22] =	ssyncset.done $0x0  }
0x87: {  	[sflag:s22] =	ssyncadd.s32 $0xFFFFF800  }
0x88: {  	[hbm4b:s15+s2] =	stream.linear.scatter [tilespmem:s21], [sflag:$0x5], $0x800, $0x38;
	[tilespmem:$0x3910] =	vst v63  }
0x89: {  	_ =	swait.ge [sflag:s22], $0x800  }
0x8a: {  	[sflag:s22] =	ssyncset.done $0x0  }
0x8b: {  	[sflag:s22] =	ssyncadd.s32 $0xFFFFF800  }
0x8c: {  	[tilespmem:s21], [sflag:$0x5] =	stream.linear.gather [spmem:s8], $0x800, $0x38;
	[tilespmem:$0x3910] =	vst v63  }
0x8d: {  	_ =	swait.ge [sflag:s22], $0x800  }
0x8e: {  	[sflag:s22] =	ssyncset.done $0x0  }
0x8f: {  	[sflag:s22] =	ssyncadd.s32 $0xFFFFF800  }
0x90: {  	[hbm4b:s16+s2] =	stream.linear.scatter [tilespmem:s21], [sflag:$0x5], $0x800, $0x38;
	[tilespmem:$0x3910] =	vst v63  }
0x91: {  	_ =	swait.ge [sflag:s22], $0x800  }
0x92: {  	[sflag:s22] =	ssyncset.done $0x0  }
0x93: {  	[sflag:s22] =	ssyncadd.s32 $0xFFFFF800  }
0x94: {  	[tilespmem:s21], [sflag:$0x5] =	stream.linear.gather [spmem:s9], $0x800, $0x38;
	[tilespmem:$0x3910] =	vst v63  }
0x95: {  	s3 =	sadd.s32 $0x1, s3;
	_ =	swait.ge [sflag:s22], $0x800  }
0x96: {  	p0 =	sne.s32 s3, s18;
	[sflag:s22] =	ssyncset.done $0x0  }
.Ltmp3:
0x97: {  	[sflag:s22] =	ssyncadd.s32 $0xFFFFF800;
	(pc) =	sbr.rel @p0 .LBB2_1-.Ltmp3, $4  }
0x98: {  	[hbm4b:s17+s2] =	stream.linear.scatter [tilespmem:s21], [sflag:$0x5], $0x800, $0x38;
	[tilespmem:$0x3910] =	vst v63  }
0x99: {  	_ =	swait.ge [sflag:s22], $0x800  }
0x9a: {  	[sflag:s22] =	ssyncset.done $0x0  }
0x9b: {  	[sflag:s22] =	ssyncadd.s32 $0xFFFFF800  }
0x9c: {  	_ =	sfence.sel $0x180000  }
0x9d: {  	[bflag:$0x0] =	sbarrier.arrive $0xFFFF  }
0x9e: {  	_ =	strace $0x90000047  }
0x9f: {  	s0 =	stileid.u32;
	[bflag:$0x2] =	sbarrier.arrive $0xFFFF  }
0xa0: {  	p0 =	sne.s32 s0, $0x0;
	s0 =	rddreg [dreg:$0x2]  }
0xa1: {  	s0 =	sadd.s32 @!p0 $0x100000, s0  }
0xa2: {  	[sflag:s0] =	ssyncadd.tile.s32 @!p0 $0x1;
	_ =	shalt  }
.Lfunc_end2:
_tile_overlayer_lowered:
.L_overlay_start_2:
0xa3: {  	(tag) =	ssettag $0x2  }
0xa4: {  	s0 =	rddreg [dreg:$0x0];
	s2 =	stileid.u32  }
0xa5: {  	s1 =	rddreg [dreg:$0x1];
	p0 =	sne.s32 s2, $0x0  }
0xa6: {  	s3 =	rddreg [dreg:$0x2];
	[bflag:$0x3] =	sbarrier.arrive $0xFFFF;
	s2 =	simm.s32 @!p0 $0x1C05  }
0xa7: {  	[timem:s3], [sflag:s2] =	dma.local @!p0 [hbm:s0], s1  }
0xa8: {  	s0 =	simm.s32 @!p0 $0x5  }
0xa9: {  	_ =	swait.ge @!p0 [sflag:s0], s1  }
0xaa: {  	s1 =	ssub.s32 @!p0 $0x0, s1;
	[sflag:s0] =	ssyncset.done @!p0 $0x0  }
0xab: {  	[sflag:s0] =	ssyncadd.s32 @!p0 s1  }
0xac: {  	[bflag:$0x3] =	sbarrier.arrive $0xFFFF  }
0xad: {  	_ =	shalt  }

</sc_bundles>
